<compile_context>
chip_gen: v7x
topology: tpu7x:2x2x1
jax: 0.10.2.dev20260603
libtpu: 0.0.44.dev20260713+nightly
codegen_flags: <defaults>
</compile_context>

<pallas_src>
import functools
import jax
import jax.numpy as jnp
from jax import lax
from jax.experimental import pallas as pl
from jax.experimental.pallas import tpu as pltpu
from jax.experimental.pallas import tpu_sc as plsc

N = 10000
D = 128
E = 320000

NT = 16
NPAD = 10240
NPT = NPAD // NT
EBASE = 19968
EWIN = 20480

_mesh = plsc.VectorSubcoreMesh(
    core_axis_name="c", subcore_axis_name="s", num_cores=1, num_subcores=NT)


def _rsqrt16(x):
    i = plsc.bitcast(x, jnp.int32)
    y = plsc.bitcast(jnp.int32(0x5F3759DF) - jnp.right_shift(i, 1), jnp.float32)
    half = jnp.float32(0.5) * x
    for _ in range(3):
        y = y * (jnp.float32(1.5) - half * y * y)
    return y


@functools.partial(
    pl.kernel,
    out_type=jax.ShapeDtypeStruct((N,), jnp.float32),
    mesh=_mesh,
    compiler_params=pltpu.CompilerParams(needs_layout_passes=False),
    scratch_types=[
        pltpu.VMEM((EWIN,), jnp.int32),
        pltpu.VMEM((EWIN,), jnp.int32),
        pltpu.VMEM((EWIN,), jnp.float32),
        pltpu.VMEM((NPAD,), jnp.float32),
        pltpu.VMEM((NPAD,), jnp.float32),
        pltpu.VMEM((NPAD,), jnp.float32),
        pltpu.VMEM((NPAD,), jnp.float32),
        pltpu.VMEM((NPT,), jnp.float32),
        pltpu.VMEM((NPT,), jnp.float32),
        pltpu.VMEM((NPT,), jnp.float32),
        pltpu.VMEM((48,), jnp.float32),
        pltpu.VMEM_SHARED((NT * NPAD,), jnp.float32),
        pltpu.VMEM_SHARED((2 * NPAD,), jnp.float32),
        pltpu.SemaphoreType.DMA,
    ],
)
def _sc_gcn(src_hbm, dst_hbm, ew_hbm, h1_hbm, scal_hbm,
            out_hbm, es_v, ed_v, ev_v, dis_v, g_v, acc_v, rb_v, h1s_v,
            sl_a, sl_b, scal_v, sh_red, sh_bc, dma_sem):
    sid = lax.axis_index("s")
    ebase = sid * EBASE
    nbase = sid * NPT
    n_edges = jnp.where(sid == NT - 1, EWIN, EBASE)

    cps = [pltpu.async_copy(src_hbm.at[pl.ds(ebase, EWIN)], es_v, dma_sem),
           pltpu.async_copy(dst_hbm.at[pl.ds(ebase, EWIN)], ed_v, dma_sem),
           pltpu.async_copy(ew_hbm.at[pl.ds(ebase, EWIN)], ev_v, dma_sem),
           pltpu.async_copy(scal_hbm, scal_v, dma_sem)]

    @pl.when(sid < NT - 1)
    def _():
        pltpu.sync_copy(h1_hbm.at[pl.ds(nbase, NPT)], h1s_v)

    @pl.when(sid == NT - 1)
    def _():
        for r in range(24, 40):
            h1s_v[pl.ds(r * 16, 16)] = jnp.zeros((16,), jnp.float32)
        pltpu.sync_copy(h1_hbm.at[pl.ds((NT - 1) * NPT, N - (NT - 1) * NPT)],
                        h1s_v.at[pl.ds(0, N - (NT - 1) * NPT)])

    for cp in cps:
        cp.wait()

    def zero_acc(off):
        acc_v[pl.ds(off, 16)] = jnp.zeros((16,), jnp.float32)

    def zero_all():
        plsc.parallel_loop(0, NPAD, 16, unroll=16)(zero_acc)

    def reduce_readback():
        rcps = [pltpu.async_copy(sh_red.at[pl.ds(t * NPAD + nbase, NPT)],
                                 rb_v.at[pl.ds(t * NPT, NPT)], dma_sem)
                for t in range(NT)]
        for cp in rcps:
            cp.wait()

    def rb_sum(off):
        a = rb_v[pl.ds(off, 16)]
        for t in range(1, NT):
            a = a + rb_v[pl.ds(t * NPT + off, 16)]
        return a

    zero_all()

    def deg_body(off):
        d = ed_v[pl.ds(off, 16)]
        w = ev_v[pl.ds(off, 16)]
        plsc.addupdate_scatter(acc_v, [d], w)

    plsc.parallel_loop(0, n_edges, 16, unroll=16)(deg_body)
    pltpu.sync_copy(acc_v, sh_red.at[pl.ds(sid * NPAD, NPAD)])
    plsc.subcore_barrier()
    reduce_readback()

    def dis_body(r, c):
        off = r * 16
        deg = rb_sum(off) + jnp.float32(1.0)
        dis = _rsqrt16(deg)
        sl_a[pl.ds(off, 16)] = dis
        sl_b[pl.ds(off, 16)] = h1s_v[pl.ds(off, 16)] * dis
        return c

    lax.fori_loop(0, NPT // 16, dis_body, 0)
    pltpu.sync_copy(sl_a, sh_bc.at[pl.ds(nbase, NPT)])
    pltpu.sync_copy(sl_b, sh_bc.at[pl.ds(NPAD + nbase, NPT)])
    plsc.subcore_barrier()
    pltpu.sync_copy(sh_bc.at[pl.ds(0, NPAD)], dis_v)
    pltpu.sync_copy(sh_bc.at[pl.ds(NPAD, NPAD)], g_v)

    zero_all()

    def edge_body(off):
        s = es_v[pl.ds(off, 16)]
        d = ed_v[pl.ds(off, 16)]
        w = ev_v[pl.ds(off, 16)]
        gs = plsc.load_gather(g_v, [s])
        plsc.addupdate_scatter(acc_v, [d], gs * w)

    plsc.parallel_loop(0, n_edges, 16, unroll=16)(edge_body)
    pltpu.sync_copy(acc_v, sh_red.at[pl.ds(sid * NPAD, NPAD)])
    plsc.subcore_barrier()
    reduce_readback()
    w2 = scal_v[pl.ds(0, 16)]
    b1 = scal_v[pl.ds(16, 16)]

    def out1_body(r, c):
        off = r * 16
        soff = nbase + off
        dis = dis_v[pl.ds(soff, 16)]
        g = g_v[pl.ds(soff, 16)]
        out1 = (rb_sum(off) + g) * dis + b1
        sl_b[pl.ds(off, 16)] = out1 * w2 * dis
        return c

    lax.fori_loop(0, NPT // 16, out1_body, 0)
    pltpu.sync_copy(sl_b, sh_bc.at[pl.ds(nbase, NPT)])
    plsc.subcore_barrier()
    pltpu.sync_copy(sh_bc.at[pl.ds(0, NPAD)], g_v)

    zero_all()
    plsc.parallel_loop(0, n_edges, 16, unroll=16)(edge_body)
    pltpu.sync_copy(acc_v, sh_red.at[pl.ds(sid * NPAD, NPAD)])
    plsc.subcore_barrier()
    reduce_readback()
    b2 = scal_v[pl.ds(32, 16)]

    def out2_body(r, c):
        off = r * 16
        soff = nbase + off
        dis = dis_v[pl.ds(soff, 16)]
        g2 = g_v[pl.ds(soff, 16)]
        sl_b[pl.ds(off, 16)] = (rb_sum(off) + g2) * dis + b2
        return c

    lax.fori_loop(0, NPT // 16, out2_body, 0)

    @pl.when(sid < NT - 1)
    def _():
        pltpu.sync_copy(sl_b, out_hbm.at[pl.ds(nbase, NPT)])

    @pl.when(sid == NT - 1)
    def _():
        ntail = N - (NT - 1) * NPT
        pltpu.sync_copy(sl_b.at[pl.ds(0, ntail)],
                        out_hbm.at[pl.ds((NT - 1) * NPT, ntail)])


def _mv_body(x_ref, w_ref, o_ref):
    o_ref[...] = jnp.dot(x_ref[...], w_ref[...],
                         preferred_element_type=jnp.float32)


_matvec = pl.pallas_call(
    _mv_body,
    grid=(N // 1000,),
    in_specs=[
        pl.BlockSpec((1000, D), lambda i: (i, 0)),
        pl.BlockSpec((D, 1), lambda i: (0, 0)),
    ],
    out_specs=pl.BlockSpec((1000, 1), lambda i: (i, 0)),
    out_shape=jax.ShapeDtypeStruct((N, 1), jnp.float32),
)


def kernel(x, edge_index, edge_attr, adj, W1, b1, W2, b2):
    src = edge_index[0]
    dst = edge_index[1]
    ew = edge_attr.reshape(-1)

    h1 = _matvec(x, W1).reshape(N)

    scal = jnp.repeat(jnp.stack([W2[0, 0], b1[0], b2[0]]), 16)

    out = _sc_gcn(src, dst, ew, h1, scal)
    h = out.reshape(N, 1)
    reg = jnp.zeros((1,), jnp.float32)
    return (h, reg)

# --- scband reference (transcript-rebuilt; emitter-appended) ---
"""Pipeline reference for scband-gcnconv-diff-pool-54606214201548 (READ-ONLY COPY).

The authoritative reference and input builder live on the scoring server;
editing this copy changes nothing except your own understanding.
"""

import jax, jax.numpy as jnp
import numpy as np

N = 10000
E = 320000
D = 128


def gcn_conv(x, src, dst, edge_weight, W, b, num_nodes):
    # PyG GCNConv: add self-loops (weight 1), symmetric normalization, aggregate at dst (col)
    loop = jnp.arange(num_nodes, dtype=src.dtype)
    src_f = jnp.concatenate([src, loop])
    dst_f = jnp.concatenate([dst, loop])
    ew = jnp.concatenate([edge_weight, jnp.ones((num_nodes,), dtype=edge_weight.dtype)])
    deg = jax.ops.segment_sum(ew, dst_f, num_segments=num_nodes)
    deg_inv_sqrt = jnp.where(deg > 0, deg ** -0.5, 0.0)
    norm = deg_inv_sqrt[src_f] * ew * deg_inv_sqrt[dst_f]
    h = x @ W
    msg = h[src_f] * norm[:, None]
    out = jax.ops.segment_sum(msg, dst_f, num_segments=num_nodes)
    return out + b


def setup_inputs(seed: int = 0):
    key = jax.random.key(seed)
    k1, k2, k3, k4, k5 = jax.random.split(key, 5)
    x = jax.random.normal(k1, (N, D), dtype=jnp.float32)
    edge_index = jax.random.randint(k2, (2, E), 0, N, dtype=jnp.int32)
    edge_attr = jax.random.uniform(k3, (E, 1), dtype=jnp.float32)
    adj = jnp.zeros((N, N), dtype=jnp.float32)
    W1 = jax.random.normal(k4, (D, 1), dtype=jnp.float32) * 0.05
    b1 = jnp.zeros((1,), dtype=jnp.float32)
    W2 = jax.random.normal(k5, (1, 1), dtype=jnp.float32) * 0.05
    b2 = jnp.zeros((1,), dtype=jnp.float32)
    return {"x": x, "edge_index": edge_index, "edge_attr": edge_attr, "adj": adj,
            "W1": W1, "b1": b1, "W2": W2, "b2": b2}


def reference(x, edge_index, edge_attr, adj, W1, b1, W2, b2):
    src = edge_index[0]
    dst = edge_index[1]
    ew = edge_attr.reshape(-1)
    h = gcn_conv(x, src, dst, ew, W1, b1, N)
    h = gcn_conv(h, src, dst, ew, W2, b2, N)
    reg = jnp.zeros((1,), dtype=jnp.float32)
    return (h, reg)

if __name__ == "__main__":
    import jax
    _d = setup_inputs()
    print(jax.jit(kernel)(*tuple(_d.values())))

</pallas_src>

<mosaic_0001>
#map = affine_map<(d0, d1) -> (0)>
module attributes {stable_mosaic.version = 14 : i64} {
  func.func @_sc_gcn(%arg0: i32, %arg1: i32, %arg2: memref<320000xi32, #tpu.memory_space<hbm>>, %arg3: memref<320000xi32, #tpu.memory_space<hbm>>, %arg4: memref<320000xf32, #tpu.memory_space<hbm>>, %arg5: memref<10000xf32, #tpu.memory_space<hbm>>, %arg6: memref<48xf32, #tpu.memory_space<hbm>>, %arg7: memref<10000xf32, #tpu.memory_space<hbm>>, %arg8: memref<20480xi32, #tpu.memory_space<vmem>>, %arg9: memref<20480xi32, #tpu.memory_space<vmem>>, %arg10: memref<20480xf32, #tpu.memory_space<vmem>>, %arg11: memref<10240xf32, #tpu.memory_space<vmem>>, %arg12: memref<10240xf32, #tpu.memory_space<vmem>>, %arg13: memref<10240xf32, #tpu.memory_space<vmem>>, %arg14: memref<10240xf32, #tpu.memory_space<vmem>>, %arg15: memref<640xf32, #tpu.memory_space<vmem>>, %arg16: memref<640xf32, #tpu.memory_space<vmem>>, %arg17: memref<640xf32, #tpu.memory_space<vmem>>, %arg18: memref<48xf32, #tpu.memory_space<vmem>>, %arg19: memref<163840xf32, #tpu.memory_space<vmem_shared>>, %arg20: memref<20480xf32, #tpu.memory_space<vmem_shared>>, %arg21: memref<!tpu.dma_semaphore, #tpu.memory_space<semaphore_mem>>) attributes {dimension_semantics = [#tpu.dimension_semantics<core_parallel>, #tpu.dimension_semantics<subcore_parallel>], iteration_bounds = array<i64: 1, 16>, scalar_prefetch = 0 : i64, scratch_operands = 14 : i64, tpu.core_type = #tpu.core_type<sc_vector_subcore>, window_params = [{transform_indices = #map}, {transform_indices = #map}, {transform_indices = #map}, {transform_indices = #map}, {transform_indices = #map}, {transform_indices = #map}]} {
    %mul3A = arith.constant 19968 : i32
    %mul3A_0 = arith.muli %arg1, %mul3A : i32
    %mul3A_1 = arith.constant 640 : i32
    %mul3A_2 = arith.muli %arg1, %mul3A_1 : i32
    %eq3A = arith.constant 15 : i32
    %eq3A_3 = arith.cmpi eq, %arg1, %eq3A : i32
    %jit3A = arith.constant 20480 : i32
    %jit3A_4 = arith.constant 19968 : i32
    %select_n3A = arith.select %eq3A_3, %jit3A, %jit3A_4 : i32
    %dma_start3A = tpu.memref_slice %arg2[%mul3A_0] : memref<320000xi32, #tpu.memory_space<hbm>> -> memref<20480xi32, #tpu.memory_space<hbm>>
    %dma_start3A_5 = tpu.memref_slice %arg2[%mul3A_0] : memref<320000xi32, #tpu.memory_space<hbm>> -> memref<20480xi32, #tpu.memory_space<hbm>>
    tpu.enqueue_dma source(%dma_start3A_5 : memref<20480xi32, #tpu.memory_space<hbm>>) target(%arg8 : memref<20480xi32, #tpu.memory_space<vmem>>) target_semaphore(%arg21 : memref<!tpu.dma_semaphore, #tpu.memory_space<semaphore_mem>>)
    %dma_start3A_6 = tpu.memref_slice %arg3[%mul3A_0] : memref<320000xi32, #tpu.memory_space<hbm>> -> memref<20480xi32, #tpu.memory_space<hbm>>
    %dma_start3A_7 = tpu.memref_slice %arg3[%mul3A_0] : memref<320000xi32, #tpu.memory_space<hbm>> -> memref<20480xi32, #tpu.memory_space<hbm>>
    tpu.enqueue_dma source(%dma_start3A_7 : memref<20480xi32, #tpu.memory_space<hbm>>) target(%arg9 : memref<20480xi32, #tpu.memory_space<vmem>>) target_semaphore(%arg21 : memref<!tpu.dma_semaphore, #tpu.memory_space<semaphore_mem>>)
    %dma_start3A_8 = tpu.memref_slice %arg4[%mul3A_0] : memref<320000xf32, #tpu.memory_space<hbm>> -> memref<20480xf32, #tpu.memory_space<hbm>>
    %dma_start3A_9 = tpu.memref_slice %arg4[%mul3A_0] : memref<320000xf32, #tpu.memory_space<hbm>> -> memref<20480xf32, #tpu.memory_space<hbm>>
    tpu.enqueue_dma source(%dma_start3A_9 : memref<20480xf32, #tpu.memory_space<hbm>>) target(%arg10 : memref<20480xf32, #tpu.memory_space<vmem>>) target_semaphore(%arg21 : memref<!tpu.dma_semaphore, #tpu.memory_space<semaphore_mem>>)
    tpu.enqueue_dma source(%arg6 : memref<48xf32, #tpu.memory_space<hbm>>) target(%arg18 : memref<48xf32, #tpu.memory_space<vmem>>) target_semaphore(%arg21 : memref<!tpu.dma_semaphore, #tpu.memory_space<semaphore_mem>>)
    %lt3A = arith.constant 15 : i32
    %lt3A_10 = arith.cmpi slt, %arg1, %lt3A : i32
    %convert_element_type3A = arith.extui %lt3A_10 : i1 to i32
    %cond3A = arith.constant 0 : i32
    %cond3A_11 = arith.cmpi ne, %convert_element_type3A, %cond3A : i32
    scf.if %cond3A_11 {
      "tpu.region"() ({
        %run_scoped3A = tpu.sem_alloc : memref<!tpu.dma_semaphore, #tpu.memory_space<semaphore_mem>>
        %dma_start3A_751 = tpu.memref_slice %arg5[%mul3A_2] : memref<10000xf32, #tpu.memory_space<hbm>> -> memref<640xf32, #tpu.memory_space<hbm>>
        %dma_start3A_752 = tpu.memref_slice %arg5[%mul3A_2] : memref<10000xf32, #tpu.memory_space<hbm>> -> memref<640xf32, #tpu.memory_space<hbm>>
        tpu.enqueue_dma source(%dma_start3A_752 : memref<640xf32, #tpu.memory_space<hbm>>) target(%arg15 : memref<640xf32, #tpu.memory_space<vmem>>) target_semaphore(%run_scoped3A : memref<!tpu.dma_semaphore, #tpu.memory_space<semaphore_mem>>)
        %dma_wait3A_753 = tpu.memref_slice %arg5[%mul3A_2] : memref<10000xf32, #tpu.memory_space<hbm>> -> memref<640xf32, #tpu.memory_space<hbm>>
        %dma_wait3A_754 = tpu.memref_slice %arg5[%mul3A_2] : memref<10000xf32, #tpu.memory_space<hbm>> -> memref<640xf32, #tpu.memory_space<hbm>>
        tpu.wait_dma2 semaphore(%run_scoped3A : memref<!tpu.dma_semaphore, #tpu.memory_space<semaphore_mem>>) src(%dma_wait3A_754 : memref<640xf32, #tpu.memory_space<hbm>>) dst(%arg15 : memref<640xf32, #tpu.memory_space<vmem>>)
        tpu.yield
      }) : () -> ()
    } else {
    }
    %eq3A_12 = arith.constant 15 : i32
    %eq3A_13 = arith.cmpi eq, %arg1, %eq3A_12 : i32
    %convert_element_type3A_14 = arith.extui %eq3A_13 : i1 to i32
    %cond3A_15 = arith.constant 0 : i32
    %cond3A_16 = arith.cmpi ne, %convert_element_type3A_14, %cond3A_15 : i32
    scf.if %cond3A_16 {
      %broadcast_in_dim3A = arith.constant 0.000000e+00 : f32
      %broadcast_in_dim3A_751 = vector.broadcast %broadcast_in_dim3A : f32 to vector<16xf32>
      %swap3A = arith.constant 384 : index
      %swap3A_752 = tpu.vector_load %arg15[%swap3A] {strides = array<i32>} : memref<640xf32, #tpu.memory_space<vmem>>, vector<16xf32>,
      tpu.vector_store %arg15[%swap3A], %broadcast_in_dim3A_751 {strides = array<i32>} : memref<640xf32, #tpu.memory_space<vmem>>, vector<16xf32>,
      %broadcast_in_dim3A_753 = arith.constant 0.000000e+00 : f32
      %broadcast_in_dim3A_754 = vector.broadcast %broadcast_in_dim3A_753 : f32 to vector<16xf32>
      %swap3A_755 = arith.constant 400 : index
      %swap3A_756 = tpu.vector_load %arg15[%swap3A_755] {strides = array<i32>} : memref<640xf32, #tpu.memory_space<vmem>>, vector<16xf32>,
      tpu.vector_store %arg15[%swap3A_755], %broadcast_in_dim3A_754 {strides = array<i32>} : memref<640xf32, #tpu.memory_space<vmem>>, vector<16xf32>,
      %broadcast_in_dim3A_757 = arith.constant 0.000000e+00 : f32
      %broadcast_in_dim3A_758 = vector.broadcast %broadcast_in_dim3A_757 : f32 to vector<16xf32>
      %swap3A_759 = arith.constant 416 : index
      %swap3A_760 = tpu.vector_load %arg15[%swap3A_759] {strides = array<i32>} : memref<640xf32, #tpu.memory_space<vmem>>, vector<16xf32>,
      tpu.vector_store %arg15[%swap3A_759], %broadcast_in_dim3A_758 {strides = array<i32>} : memref<640xf32, #tpu.memory_space<vmem>>, vector<16xf32>,
      %broadcast_in_dim3A_761 = arith.constant 0.000000e+00 : f32
      %broadcast_in_dim3A_762 = vector.broadcast %broadcast_in_dim3A_761 : f32 to vector<16xf32>
      %swap3A_763 = arith.constant 432 : index
      %swap3A_764 = tpu.vector_load %arg15[%swap3A_763] {strides = array<i32>} : memref<640xf32, #tpu.memory_space<vmem>>, vector<16xf32>,
      tpu.vector_store %arg15[%swap3A_763], %broadcast_in_dim3A_762 {strides = array<i32>} : memref<640xf32, #tpu.memory_space<vmem>>, vector<16xf32>,
      %broadcast_in_dim3A_765 = arith.constant 0.000000e+00 : f32
      %broadcast_in_dim3A_766 = vector.broadcast %broadcast_in_dim3A_765 : f32 to vector<16xf32>
      %swap3A_767 = arith.constant 448 : index
      %swap3A_768 = tpu.vector_load %arg15[%swap3A_767] {strides = array<i32>} : memref<640xf32, #tpu.memory_space<vmem>>, vector<16xf32>,
      tpu.vector_store %arg15[%swap3A_767], %broadcast_in_dim3A_766 {strides = array<i32>} : memref<640xf32, #tpu.memory_space<vmem>>, vector<16xf32>,
      %broadcast_in_dim3A_769 = arith.constant 0.000000e+00 : f32
      %broadcast_in_dim3A_770 = vector.broadcast %broadcast_in_dim3A_769 : f32 to vector<16xf32>
      %swap3A_771 = arith.constant 464 : index
      %swap3A_772 = tpu.vector_load %arg15[%swap3A_771] {strides = array<i32>} : memref<640xf32, #tpu.memory_space<vmem>>, vector<16xf32>,
      tpu.vector_store %arg15[%swap3A_771], %broadcast_in_dim3A_770 {strides = array<i32>} : memref<640xf32, #tpu.memory_space<vmem>>, vector<16xf32>,
      %broadcast_in_dim3A_773 = arith.constant 0.000000e+00 : f32
      %broadcast_in_dim3A_774 = vector.broadcast %broadcast_in_dim3A_773 : f32 to vector<16xf32>
      %swap3A_775 = arith.constant 480 : index
      %swap3A_776 = tpu.vector_load %arg15[%swap3A_775] {strides = array<i32>} : memref<640xf32, #tpu.memory_space<vmem>>, vector<16xf32>,
      tpu.vector_store %arg15[%swap3A_775], %broadcast_in_dim3A_774 {strides = array<i32>} : memref<640xf32, #tpu.memory_space<vmem>>, vector<16xf32>,
      %broadcast_in_dim3A_777 = arith.constant 0.000000e+00 : f32
      %broadcast_in_dim3A_778 = vector.broadcast %broadcast_in_dim3A_777 : f32 to vector<16xf32>
      %swap3A_779 = arith.constant 496 : index
      %swap3A_780 = tpu.vector_load %arg15[%swap3A_779] {strides = array<i32>} : memref<640xf32, #tpu.memory_space<vmem>>, vector<16xf32>,
      tpu.vector_store %arg15[%swap3A_779], %broadcast_in_dim3A_778 {strides = array<i32>} : memref<640xf32, #tpu.memory_space<vmem>>, vector<16xf32>,
      %broadcast_in_dim3A_781 = arith.constant 0.000000e+00 : f32
      %broadcast_in_dim3A_782 = vector.broadcast %broadcast_in_dim3A_781 : f32 to vector<16xf32>
      %swap3A_783 = arith.constant 512 : index
      %swap3A_784 = tpu.vector_load %arg15[%swap3A_783] {strides = array<i32>} : memref<640xf32, #tpu.memory_space<vmem>>, vector<16xf32>,
      tpu.vector_store %arg15[%swap3A_783], %broadcast_in_dim3A_782 {strides = array<i32>} : memref<640xf32, #tpu.memory_space<vmem>>, vector<16xf32>,
      %broadcast_in_dim3A_785 = arith.constant 0.000000e+00 : f32
      %broadcast_in_dim3A_786 = vector.broadcast %broadcast_in_dim3A_785 : f32 to vector<16xf32>
      %swap3A_787 = arith.constant 528 : index
      %swap3A_788 = tpu.vector_load %arg15[%swap3A_787] {strides = array<i32>} : memref<640xf32, #tpu.memory_space<vmem>>, vector<16xf32>,
      tpu.vector_store %arg15[%swap3A_787], %broadcast_in_dim3A_786 {strides = array<i32>} : memref<640xf32, #tpu.memory_space<vmem>>, vector<16xf32>,
      %broadcast_in_dim3A_789 = arith.constant 0.000000e+00 : f32
      %broadcast_in_dim3A_790 = vector.broadcast %broadcast_in_dim3A_789 : f32 to vector<16xf32>
      %swap3A_791 = arith.constant 544 : index
      %swap3A_792 = tpu.vector_load %arg15[%swap3A_791] {strides = array<i32>} : memref<640xf32, #tpu.memory_space<vmem>>, vector<16xf32>,
      tpu.vector_store %arg15[%swap3A_791], %broadcast_in_dim3A_790 {strides = array<i32>} : memref<640xf32, #tpu.memory_space<vmem>>, vector<16xf32>,
      %broadcast_in_dim3A_793 = arith.constant 0.000000e+00 : f32
      %broadcast_in_dim3A_794 = vector.broadcast %broadcast_in_dim3A_793 : f32 to vector<16xf32>
      %swap3A_795 = arith.constant 560 : index
      %swap3A_796 = tpu.vector_load %arg15[%swap3A_795] {strides = array<i32>} : memref<640xf32, #tpu.memory_space<vmem>>, vector<16xf32>,
      tpu.vector_store %arg15[%swap3A_795], %broadcast_in_dim3A_794 {strides = array<i32>} : memref<640xf32, #tpu.memory_space<vmem>>, vector<16xf32>,
      %broadcast_in_dim3A_797 = arith.constant 0.000000e+00 : f32
      %broadcast_in_dim3A_798 = vector.broadcast %broadcast_in_dim3A_797 : f32 to vector<16xf32>
      %swap3A_799 = arith.constant 576 : index
      %swap3A_800 = tpu.vector_load %arg15[%swap3A_799] {strides = array<i32>} : memref<640xf32, #tpu.memory_space<vmem>>, vector<16xf32>,
      tpu.vector_store %arg15[%swap3A_799], %broadcast_in_dim3A_798 {strides = array<i32>} : memref<640xf32, #tpu.memory_space<vmem>>, vector<16xf32>,
      %broadcast_in_dim3A_801 = arith.constant 0.000000e+00 : f32
      %broadcast_in_dim3A_802 = vector.broadcast %broadcast_in_dim3A_801 : f32 to vector<16xf32>
      %swap3A_803 = arith.constant 592 : index
      %swap3A_804 = tpu.vector_load %arg15[%swap3A_803] {strides = array<i32>} : memref<640xf32, #tpu.memory_space<vmem>>, vector<16xf32>,
      tpu.vector_store %arg15[%swap3A_803], %broadcast_in_dim3A_802 {strides = array<i32>} : memref<640xf32, #tpu.memory_space<vmem>>, vector<16xf32>,
      %broadcast_in_dim3A_805 = arith.constant 0.000000e+00 : f32
      %broadcast_in_dim3A_806 = vector.broadcast %broadcast_in_dim3A_805 : f32 to vector<16xf32>
      %swap3A_807 = arith.constant 608 : index
      %swap3A_808 = tpu.vector_load %arg15[%swap3A_807] {strides = array<i32>} : memref<640xf32, #tpu.memory_space<vmem>>, vector<16xf32>,
      tpu.vector_store %arg15[%swap3A_807], %broadcast_in_dim3A_806 {strides = array<i32>} : memref<640xf32, #tpu.memory_space<vmem>>, vector<16xf32>,
      %broadcast_in_dim3A_809 = arith.constant 0.000000e+00 : f32
      %broadcast_in_dim3A_810 = vector.broadcast %broadcast_in_dim3A_809 : f32 to vector<16xf32>
      %swap3A_811 = arith.constant 624 : index
      %swap3A_812 = tpu.vector_load %arg15[%swap3A_811] {strides = array<i32>} : memref<640xf32, #tpu.memory_space<vmem>>, vector<16xf32>,
      tpu.vector_store %arg15[%swap3A_811], %broadcast_in_dim3A_810 {strides = array<i32>} : memref<640xf32, #tpu.memory_space<vmem>>, vector<16xf32>,
      "tpu.region"() ({
        %run_scoped3A = tpu.sem_alloc : memref<!tpu.dma_semaphore, #tpu.memory_space<semaphore_mem>>
        %dma_start3A_813 = arith.constant 0 : i32
        %dma_start3A_814 = tpu.memref_slice %arg15[%dma_start3A_813] : memref<640xf32, #tpu.memory_space<vmem>> -> memref<400xf32, #tpu.memory_space<vmem>>
        %dma_start3A_815 = arith.constant 9600 : i32
        %dma_start3A_816 = tpu.memref_slice %arg5[%dma_start3A_815] : memref<10000xf32, #tpu.memory_space<hbm>> -> memref<400xf32, #tpu.memory_space<hbm>>
        %dma_start3A_817 = arith.constant 0 : i32
        %dma_start3A_818 = tpu.memref_slice %arg15[%dma_start3A_817] : memref<640xf32, #tpu.memory_space<vmem>> -> memref<400xf32, #tpu.memory_space<vmem>>
        %dma_start3A_819 = arith.constant 9600 : i32
        %dma_start3A_820 = tpu.memref_slice %arg5[%dma_start3A_819] : memref<10000xf32, #tpu.memory_space<hbm>> -> memref<400xf32, #tpu.memory_space<hbm>>
        tpu.enqueue_dma source(%dma_start3A_820 : memref<400xf32, #tpu.memory_space<hbm>>) target(%dma_start3A_818 : memref<400xf32, #tpu.memory_space<vmem>>) target_semaphore(%run_scoped3A : memref<!tpu.dma_semaphore, #tpu.memory_space<semaphore_mem>>)
        %dma_wait3A_821 = arith.constant 0 : i32
        %dma_wait3A_822 = tpu.memref_slice %arg15[%dma_wait3A_821] : memref<640xf32, #tpu.memory_space<vmem>> -> memref<400xf32, #tpu.memory_space<vmem>>
        %dma_wait3A_823 = arith.constant 9600 : i32
        %dma_wait3A_824 = tpu.memref_slice %arg5[%dma_wait3A_823] : memref<10000xf32, #tpu.memory_space<hbm>> -> memref<400xf32, #tpu.memory_space<hbm>>
        %dma_wait3A_825 = arith.constant 0 : i32
        %dma_wait3A_826 = tpu.memref_slice %arg15[%dma_wait3A_825] : memref<640xf32, #tpu.memory_space<vmem>> -> memref<400xf32, #tpu.memory_space<vmem>>
        %dma_wait3A_827 = arith.constant 9600 : i32
        %dma_wait3A_828 = tpu.memref_slice %arg5[%dma_wait3A_827] : memref<10000xf32, #tpu.memory_space<hbm>> -> memref<400xf32, #tpu.memory_space<hbm>>
        tpu.wait_dma2 semaphore(%run_scoped3A : memref<!tpu.dma_semaphore, #tpu.memory_space<semaphore_mem>>) src(%dma_wait3A_828 : memref<400xf32, #tpu.memory_space<hbm>>) dst(%dma_wait3A_826 : memref<400xf32, #tpu.memory_space<vmem>>)
        tpu.yield
      }) : () -> ()
    } else {
    }
    %dma_wait3A = tpu.memref_slice %arg2[%mul3A_0] : memref<320000xi32, #tpu.memory_space<hbm>> -> memref<20480xi32, #tpu.memory_space<hbm>>
    %dma_wait3A_17 = tpu.memref_slice %arg2[%mul3A_0] : memref<320000xi32, #tpu.memory_space<hbm>> -> memref<20480xi32, #tpu.memory_space<hbm>>
    tpu.wait_dma2 semaphore(%arg21 : memref<!tpu.dma_semaphore, #tpu.memory_space<semaphore_mem>>) src(%dma_wait3A_17 : memref<20480xi32, #tpu.memory_space<hbm>>) dst(%arg8 : memref<20480xi32, #tpu.memory_space<vmem>>)
    %dma_wait3A_18 = tpu.memref_slice %arg3[%mul3A_0] : memref<320000xi32, #tpu.memory_space<hbm>> -> memref<20480xi32, #tpu.memory_space<hbm>>
    %dma_wait3A_19 = tpu.memref_slice %arg3[%mul3A_0] : memref<320000xi32, #tpu.memory_space<hbm>> -> memref<20480xi32, #tpu.memory_space<hbm>>
    tpu.wait_dma2 semaphore(%arg21 : memref<!tpu.dma_semaphore, #tpu.memory_space<semaphore_mem>>) src(%dma_wait3A_19 : memref<20480xi32, #tpu.memory_space<hbm>>) dst(%arg9 : memref<20480xi32, #tpu.memory_space<vmem>>)
    %dma_wait3A_20 = tpu.memref_slice %arg4[%mul3A_0] : memref<320000xf32, #tpu.memory_space<hbm>> -> memref<20480xf32, #tpu.memory_space<hbm>>
    %dma_wait3A_21 = tpu.memref_slice %arg4[%mul3A_0] : memref<320000xf32, #tpu.memory_space<hbm>> -> memref<20480xf32, #tpu.memory_space<hbm>>
    tpu.wait_dma2 semaphore(%arg21 : memref<!tpu.dma_semaphore, #tpu.memory_space<semaphore_mem>>) src(%dma_wait3A_21 : memref<20480xf32, #tpu.memory_space<hbm>>) dst(%arg10 : memref<20480xf32, #tpu.memory_space<vmem>>)
    tpu.wait_dma2 semaphore(%arg21 : memref<!tpu.dma_semaphore, #tpu.memory_space<semaphore_mem>>) src(%arg6 : memref<48xf32, #tpu.memory_space<hbm>>) dst(%arg18 : memref<48xf32, #tpu.memory_space<vmem>>)
    %parallel_loop3A = arith.constant 0 : i32
    %parallel_loop3A_22 = arith.constant 10240 : i32
    %parallel_loop3A_23 = arith.constant 16 : i32
    scf.for %parallel_loop3A_751 = %parallel_loop3A to %parallel_loop3A_22 step %parallel_loop3A_23  : i32 {
      %parallel_loop3A_752 = arith.constant 0.000000e+00 : f32
      %parallel_loop3A_753 = vector.broadcast %parallel_loop3A_752 : f32 to vector<16xf32>
      %parallel_loop3A_754 = arith.index_cast %parallel_loop3A_751 : i32 to index
      %parallel_loop3A_755 = tpu.vector_load %arg13[%parallel_loop3A_754] {strides = array<i32>} : memref<10240xf32, #tpu.memory_space<vmem>>, vector<16xf32>,
      tpu.vector_store %arg13[%parallel_loop3A_754], %parallel_loop3A_753 {strides = array<i32>} : memref<10240xf32, #tpu.memory_space<vmem>>, vector<16xf32>,
    } {sc.loop_unroll_factor = 16 : i64, sc.parallel_access}
    %parallel_loop3A_24 = arith.constant 0 : i32
    %parallel_loop3A_25 = arith.constant 16 : i32
    scf.for %parallel_loop3A_751 = %parallel_loop3A_24 to %select_n3A step %parallel_loop3A_25  : i32 {
      %parallel_loop3A_752 = arith.index_cast %parallel_loop3A_751 : i32 to index
      %parallel_loop3A_753 = tpu.vector_load %arg9[%parallel_loop3A_752] {strides = array<i32>} : memref<20480xi32, #tpu.memory_space<vmem>>, vector<16xi32>,
      %parallel_loop3A_754 = arith.index_cast %parallel_loop3A_751 : i32 to index
      %parallel_loop3A_755 = tpu.vector_load %arg10[%parallel_loop3A_754] {strides = array<i32>} : memref<20480xf32, #tpu.memory_space<vmem>>, vector<16xf32>,
      tpu.vector_store_idx %arg13[%parallel_loop3A_753], %parallel_loop3A_755 {add = true} : memref<10240xf32, #tpu.memory_space<vmem>>[vector<16xi32>], vector<16xf32>,
    } {sc.loop_unroll_factor = 16 : i64, sc.parallel_access}
    %mul3A_26 = arith.constant 10240 : i32
    %mul3A_27 = arith.muli %arg1, %mul3A_26 : i32
    "tpu.region"() ({
      %run_scoped3A = tpu.sem_alloc : memref<!tpu.dma_semaphore, #tpu.memory_space<semaphore_mem>>
      %dma_start3A_751 = tpu.memref_slice %arg19[%mul3A_27] : memref<163840xf32, #tpu.memory_space<vmem_shared>> -> memref<10240xf32, #tpu.memory_space<vmem_shared>>
      %dma_start3A_752 = tpu.memref_slice %arg19[%mul3A_27] : memref<163840xf32, #tpu.memory_space<vmem_shared>> -> memref<10240xf32, #tpu.memory_space<vmem_shared>>
      tpu.enqueue_dma source(%arg13 : memref<10240xf32, #tpu.memory_space<vmem>>) target(%dma_start3A_752 : memref<10240xf32, #tpu.memory_space<vmem_shared>>) target_semaphore(%run_scoped3A : memref<!tpu.dma_semaphore, #tpu.memory_space<semaphore_mem>>)
      %dma_wait3A_753 = tpu.memref_slice %arg19[%mul3A_27] : memref<163840xf32, #tpu.memory_space<vmem_shared>> -> memref<10240xf32, #tpu.memory_space<vmem_shared>>
      %dma_wait3A_754 = tpu.memref_slice %arg19[%mul3A_27] : memref<163840xf32, #tpu.memory_space<vmem_shared>> -> memref<10240xf32, #tpu.memory_space<vmem_shared>>
      tpu.wait_dma2 semaphore(%run_scoped3A : memref<!tpu.dma_semaphore, #tpu.memory_space<semaphore_mem>>) src(%arg13 : memref<10240xf32, #tpu.memory_space<vmem>>) dst(%dma_wait3A_754 : memref<10240xf32, #tpu.memory_space<vmem_shared>>)
      tpu.yield
    }) : () -> ()
    %barrier3A = arith.constant 0 : index
    tpu.barrier barrier_id(%barrier3A)
    %add3A = arith.constant 0 : i32
    %add3A_28 = arith.addi %add3A, %mul3A_2 : i32
    %dma_start3A_29 = arith.constant 0 : i32
    %dma_start3A_30 = tpu.memref_slice %arg14[%dma_start3A_29] : memref<10240xf32, #tpu.memory_space<vmem>> -> memref<640xf32, #tpu.memory_space<vmem>>
    %dma_start3A_31 = tpu.memref_slice %arg19[%add3A_28] : memref<163840xf32, #tpu.memory_space<vmem_shared>> -> memref<640xf32, #tpu.memory_space<vmem_shared>>
    %dma_start3A_32 = arith.constant 0 : i32
    %dma_start3A_33 = tpu.memref_slice %arg14[%dma_start3A_32] : memref<10240xf32, #tpu.memory_space<vmem>> -> memref<640xf32, #tpu.memory_space<vmem>>
    %dma_start3A_34 = tpu.memref_slice %arg19[%add3A_28] : memref<163840xf32, #tpu.memory_space<vmem_shared>> -> memref<640xf32, #tpu.memory_space<vmem_shared>>
    tpu.enqueue_dma source(%dma_start3A_34 : memref<640xf32, #tpu.memory_space<vmem_shared>>) target(%dma_start3A_33 : memref<640xf32, #tpu.memory_space<vmem>>) target_semaphore(%arg21 : memref<!tpu.dma_semaphore, #tpu.memory_space<semaphore_mem>>)
    %add3A_35 = arith.constant 10240 : i32
    %add3A_36 = arith.addi %add3A_35, %mul3A_2 : i32
    %dma_start3A_37 = arith.constant 640 : i32
    %dma_start3A_38 = tpu.memref_slice %arg14[%dma_start3A_37] : memref<10240xf32, #tpu.memory_space<vmem>> -> memref<640xf32, #tpu.memory_space<vmem>>
    %dma_start3A_39 = tpu.memref_slice %arg19[%add3A_36] : memref<163840xf32, #tpu.memory_space<vmem_shared>> -> memref<640xf32, #tpu.memory_space<vmem_shared>>
    %dma_start3A_40 = arith.constant 640 : i32
    %dma_start3A_41 = tpu.memref_slice %arg14[%dma_start3A_40] : memref<10240xf32, #tpu.memory_space<vmem>> -> memref<640xf32, #tpu.memory_space<vmem>>
    %dma_start3A_42 = tpu.memref_slice %arg19[%add3A_36] : memref<163840xf32, #tpu.memory_space<vmem_shared>> -> memref<640xf32, #tpu.memory_space<vmem_shared>>
    tpu.enqueue_dma source(%dma_start3A_42 : memref<640xf32, #tpu.memory_space<vmem_shared>>) target(%dma_start3A_41 : memref<640xf32, #tpu.memory_space<vmem>>) target_semaphore(%arg21 : memref<!tpu.dma_semaphore, #tpu.memory_space<semaphore_mem>>)
    %add3A_43 = arith.constant 20480 : i32
    %add3A_44 = arith.addi %add3A_43, %mul3A_2 : i32
    %dma_start3A_45 = arith.constant 1280 : i32
    %dma_start3A_46 = tpu.memref_slice %arg14[%dma_start3A_45] : memref<10240xf32, #tpu.memory_space<vmem>> -> memref<640xf32, #tpu.memory_space<vmem>>
    %dma_start3A_47 = tpu.memref_slice %arg19[%add3A_44] : memref<163840xf32, #tpu.memory_space<vmem_shared>> -> memref<640xf32, #tpu.memory_space<vmem_shared>>
    %dma_start3A_48 = arith.constant 1280 : i32
    %dma_start3A_49 = tpu.memref_slice %arg14[%dma_start3A_48] : memref<10240xf32, #tpu.memory_space<vmem>> -> memref<640xf32, #tpu.memory_space<vmem>>
    %dma_start3A_50 = tpu.memref_slice %arg19[%add3A_44] : memref<163840xf32, #tpu.memory_space<vmem_shared>> -> memref<640xf32, #tpu.memory_space<vmem_shared>>
    tpu.enqueue_dma source(%dma_start3A_50 : memref<640xf32, #tpu.memory_space<vmem_shared>>) target(%dma_start3A_49 : memref<640xf32, #tpu.memory_space<vmem>>) target_semaphore(%arg21 : memref<!tpu.dma_semaphore, #tpu.memory_space<semaphore_mem>>)
    %add3A_51 = arith.constant 30720 : i32
    %add3A_52 = arith.addi %add3A_51, %mul3A_2 : i32
    %dma_start3A_53 = arith.constant 1920 : i32
    %dma_start3A_54 = tpu.memref_slice %arg14[%dma_start3A_53] : memref<10240xf32, #tpu.memory_space<vmem>> -> memref<640xf32, #tpu.memory_space<vmem>>
    %dma_start3A_55 = tpu.memref_slice %arg19[%add3A_52] : memref<163840xf32, #tpu.memory_space<vmem_shared>> -> memref<640xf32, #tpu.memory_space<vmem_shared>>
    %dma_start3A_56 = arith.constant 1920 : i32
    %dma_start3A_57 = tpu.memref_slice %arg14[%dma_start3A_56] : memref<10240xf32, #tpu.memory_space<vmem>> -> memref<640xf32, #tpu.memory_space<vmem>>
    %dma_start3A_58 = tpu.memref_slice %arg19[%add3A_52] : memref<163840xf32, #tpu.memory_space<vmem_shared>> -> memref<640xf32, #tpu.memory_space<vmem_shared>>
    tpu.enqueue_dma source(%dma_start3A_58 : memref<640xf32, #tpu.memory_space<vmem_shared>>) target(%dma_start3A_57 : memref<640xf32, #tpu.memory_space<vmem>>) target_semaphore(%arg21 : memref<!tpu.dma_semaphore, #tpu.memory_space<semaphore_mem>>)
    %add3A_59 = arith.constant 40960 : i32
    %add3A_60 = arith.addi %add3A_59, %mul3A_2 : i32
    %dma_start3A_61 = arith.constant 2560 : i32
    %dma_start3A_62 = tpu.memref_slice %arg14[%dma_start3A_61] : memref<10240xf32, #tpu.memory_space<vmem>> -> memref<640xf32, #tpu.memory_space<vmem>>
    %dma_start3A_63 = tpu.memref_slice %arg19[%add3A_60] : memref<163840xf32, #tpu.memory_space<vmem_shared>> -> memref<640xf32, #tpu.memory_space<vmem_shared>>
    %dma_start3A_64 = arith.constant 2560 : i32
    %dma_start3A_65 = tpu.memref_slice %arg14[%dma_start3A_64] : memref<10240xf32, #tpu.memory_space<vmem>> -> memref<640xf32, #tpu.memory_space<vmem>>
    %dma_start3A_66 = tpu.memref_slice %arg19[%add3A_60] : memref<163840xf32, #tpu.memory_space<vmem_shared>> -> memref<640xf32, #tpu.memory_space<vmem_shared>>
    tpu.enqueue_dma source(%dma_start3A_66 : memref<640xf32, #tpu.memory_space<vmem_shared>>) target(%dma_start3A_65 : memref<640xf32, #tpu.memory_space<vmem>>) target_semaphore(%arg21 : memref<!tpu.dma_semaphore, #tpu.memory_space<semaphore_mem>>)
    %add3A_67 = arith.constant 51200 : i32
    %add3A_68 = arith.addi %add3A_67, %mul3A_2 : i32
    %dma_start3A_69 = arith.constant 3200 : i32
    %dma_start3A_70 = tpu.memref_slice %arg14[%dma_start3A_69] : memref<10240xf32, #tpu.memory_space<vmem>> -> memref<640xf32, #tpu.memory_space<vmem>>
    %dma_start3A_71 = tpu.memref_slice %arg19[%add3A_68] : memref<163840xf32, #tpu.memory_space<vmem_shared>> -> memref<640xf32, #tpu.memory_space<vmem_shared>>
    %dma_start3A_72 = arith.constant 3200 : i32
    %dma_start3A_73 = tpu.memref_slice %arg14[%dma_start3A_72] : memref<10240xf32, #tpu.memory_space<vmem>> -> memref<640xf32, #tpu.memory_space<vmem>>
    %dma_start3A_74 = tpu.memref_slice %arg19[%add3A_68] : memref<163840xf32, #tpu.memory_space<vmem_shared>> -> memref<640xf32, #tpu.memory_space<vmem_shared>>
    tpu.enqueue_dma source(%dma_start3A_74 : memref<640xf32, #tpu.memory_space<vmem_shared>>) target(%dma_start3A_73 : memref<640xf32, #tpu.memory_space<vmem>>) target_semaphore(%arg21 : memref<!tpu.dma_semaphore, #tpu.memory_space<semaphore_mem>>)
    %add3A_75 = arith.constant 61440 : i32
    %add3A_76 = arith.addi %add3A_75, %mul3A_2 : i32
    %dma_start3A_77 = arith.constant 3840 : i32
    %dma_start3A_78 = tpu.memref_slice %arg14[%dma_start3A_77] : memref<10240xf32, #tpu.memory_space<vmem>> -> memref<640xf32, #tpu.memory_space<vmem>>
    %dma_start3A_79 = tpu.memref_slice %arg19[%add3A_76] : memref<163840xf32, #tpu.memory_space<vmem_shared>> -> memref<640xf32, #tpu.memory_space<vmem_shared>>
    %dma_start3A_80 = arith.constant 3840 : i32
    %dma_start3A_81 = tpu.memref_slice %arg14[%dma_start3A_80] : memref<10240xf32, #tpu.memory_space<vmem>> -> memref<640xf32, #tpu.memory_space<vmem>>
    %dma_start3A_82 = tpu.memref_slice %arg19[%add3A_76] : memref<163840xf32, #tpu.memory_space<vmem_shared>> -> memref<640xf32, #tpu.memory_space<vmem_shared>>
    tpu.enqueue_dma source(%dma_start3A_82 : memref<640xf32, #tpu.memory_space<vmem_shared>>) target(%dma_start3A_81 : memref<640xf32, #tpu.memory_space<vmem>>) target_semaphore(%arg21 : memref<!tpu.dma_semaphore, #tpu.memory_space<semaphore_mem>>)
    %add3A_83 = arith.constant 71680 : i32
    %add3A_84 = arith.addi %add3A_83, %mul3A_2 : i32
    %dma_start3A_85 = arith.constant 4480 : i32
    %dma_start3A_86 = tpu.memref_slice %arg14[%dma_start3A_85] : memref<10240xf32, #tpu.memory_space<vmem>> -> memref<640xf32, #tpu.memory_space<vmem>>
    %dma_start3A_87 = tpu.memref_slice %arg19[%add3A_84] : memref<163840xf32, #tpu.memory_space<vmem_shared>> -> memref<640xf32, #tpu.memory_space<vmem_shared>>
    %dma_start3A_88 = arith.constant 4480 : i32
    %dma_start3A_89 = tpu.memref_slice %arg14[%dma_start3A_88] : memref<10240xf32, #tpu.memory_space<vmem>> -> memref<640xf32, #tpu.memory_space<vmem>>
    %dma_start3A_90 = tpu.memref_slice %arg19[%add3A_84] : memref<163840xf32, #tpu.memory_space<vmem_shared>> -> memref<640xf32, #tpu.memory_space<vmem_shared>>
    tpu.enqueue_dma source(%dma_start3A_90 : memref<640xf32, #tpu.memory_space<vmem_shared>>) target(%dma_start3A_89 : memref<640xf32, #tpu.memory_space<vmem>>) target_semaphore(%arg21 : memref<!tpu.dma_semaphore, #tpu.memory_space<semaphore_mem>>)
    %add3A_91 = arith.constant 81920 : i32
    %add3A_92 = arith.addi %add3A_91, %mul3A_2 : i32
    %dma_start3A_93 = arith.constant 5120 : i32
    %dma_start3A_94 = tpu.memref_slice %arg14[%dma_start3A_93] : memref<10240xf32, #tpu.memory_space<vmem>> -> memref<640xf32, #tpu.memory_space<vmem>>
    %dma_start3A_95 = tpu.memref_slice %arg19[%add3A_92] : memref<163840xf32, #tpu.memory_space<vmem_shared>> -> memref<640xf32, #tpu.memory_space<vmem_shared>>
    %dma_start3A_96 = arith.constant 5120 : i32
    %dma_start3A_97 = tpu.memref_slice %arg14[%dma_start3A_96] : memref<10240xf32, #tpu.memory_space<vmem>> -> memref<640xf32, #tpu.memory_space<vmem>>
    %dma_start3A_98 = tpu.memref_slice %arg19[%add3A_92] : memref<163840xf32, #tpu.memory_space<vmem_shared>> -> memref<640xf32, #tpu.memory_space<vmem_shared>>
    tpu.enqueue_dma source(%dma_start3A_98 : memref<640xf32, #tpu.memory_space<vmem_shared>>) target(%dma_start3A_97 : memref<640xf32, #tpu.memory_space<vmem>>) target_semaphore(%arg21 : memref<!tpu.dma_semaphore, #tpu.memory_space<semaphore_mem>>)
    %add3A_99 = arith.constant 92160 : i32
    %add3A_100 = arith.addi %add3A_99, %mul3A_2 : i32
    %dma_start3A_101 = arith.constant 5760 : i32
    %dma_start3A_102 = tpu.memref_slice %arg14[%dma_start3A_101] : memref<10240xf32, #tpu.memory_space<vmem>> -> memref<640xf32, #tpu.memory_space<vmem>>
    %dma_start3A_103 = tpu.memref_slice %arg19[%add3A_100] : memref<163840xf32, #tpu.memory_space<vmem_shared>> -> memref<640xf32, #tpu.memory_space<vmem_shared>>
    %dma_start3A_104 = arith.constant 5760 : i32
    %dma_start3A_105 = tpu.memref_slice %arg14[%dma_start3A_104] : memref<10240xf32, #tpu.memory_space<vmem>> -> memref<640xf32, #tpu.memory_space<vmem>>
    %dma_start3A_106 = tpu.memref_slice %arg19[%add3A_100] : memref<163840xf32, #tpu.memory_space<vmem_shared>> -> memref<640xf32, #tpu.memory_space<vmem_shared>>
    tpu.enqueue_dma source(%dma_start3A_106 : memref<640xf32, #tpu.memory_space<vmem_shared>>) target(%dma_start3A_105 : memref<640xf32, #tpu.memory_space<vmem>>) target_semaphore(%arg21 : memref<!tpu.dma_semaphore, #tpu.memory_space<semaphore_mem>>)
    %add3A_107 = arith.constant 102400 : i32
    %add3A_108 = arith.addi %add3A_107, %mul3A_2 : i32
    %dma_start3A_109 = arith.constant 6400 : i32
    %dma_start3A_110 = tpu.memref_slice %arg14[%dma_start3A_109] : memref<10240xf32, #tpu.memory_space<vmem>> -> memref<640xf32, #tpu.memory_space<vmem>>
    %dma_start3A_111 = tpu.memref_slice %arg19[%add3A_108] : memref<163840xf32, #tpu.memory_space<vmem_shared>> -> memref<640xf32, #tpu.memory_space<vmem_shared>>
    %dma_start3A_112 = arith.constant 6400 : i32
    %dma_start3A_113 = tpu.memref_slice %arg14[%dma_start3A_112] : memref<10240xf32, #tpu.memory_space<vmem>> -> memref<640xf32, #tpu.memory_space<vmem>>
    %dma_start3A_114 = tpu.memref_slice %arg19[%add3A_108] : memref<163840xf32, #tpu.memory_space<vmem_shared>> -> memref<640xf32, #tpu.memory_space<vmem_shared>>
    tpu.enqueue_dma source(%dma_start3A_114 : memref<640xf32, #tpu.memory_space<vmem_shared>>) target(%dma_start3A_113 : memref<640xf32, #tpu.memory_space<vmem>>) target_semaphore(%arg21 : memref<!tpu.dma_semaphore, #tpu.memory_space<semaphore_mem>>)
    %add3A_115 = arith.constant 112640 : i32
    %add3A_116 = arith.addi %add3A_115, %mul3A_2 : i32
    %dma_start3A_117 = arith.constant 7040 : i32
    %dma_start3A_118 = tpu.memref_slice %arg14[%dma_start3A_117] : memref<10240xf32, #tpu.memory_space<vmem>> -> memref<640xf32, #tpu.memory_space<vmem>>
    %dma_start3A_119 = tpu.memref_slice %arg19[%add3A_116] : memref<163840xf32, #tpu.memory_space<vmem_shared>> -> memref<640xf32, #tpu.memory_space<vmem_shared>>
    %dma_start3A_120 = arith.constant 7040 : i32
    %dma_start3A_121 = tpu.memref_slice %arg14[%dma_start3A_120] : memref<10240xf32, #tpu.memory_space<vmem>> -> memref<640xf32, #tpu.memory_space<vmem>>
    %dma_start3A_122 = tpu.memref_slice %arg19[%add3A_116] : memref<163840xf32, #tpu.memory_space<vmem_shared>> -> memref<640xf32, #tpu.memory_space<vmem_shared>>
    tpu.enqueue_dma source(%dma_start3A_122 : memref<640xf32, #tpu.memory_space<vmem_shared>>) target(%dma_start3A_121 : memref<640xf32, #tpu.memory_space<vmem>>) target_semaphore(%arg21 : memref<!tpu.dma_semaphore, #tpu.memory_space<semaphore_mem>>)
    %add3A_123 = arith.constant 122880 : i32
    %add3A_124 = arith.addi %add3A_123, %mul3A_2 : i32
    %dma_start3A_125 = arith.constant 7680 : i32
    %dma_start3A_126 = tpu.memref_slice %arg14[%dma_start3A_125] : memref<10240xf32, #tpu.memory_space<vmem>> -> memref<640xf32, #tpu.memory_space<vmem>>
    %dma_start3A_127 = tpu.memref_slice %arg19[%add3A_124] : memref<163840xf32, #tpu.memory_space<vmem_shared>> -> memref<640xf32, #tpu.memory_space<vmem_shared>>
    %dma_start3A_128 = arith.constant 7680 : i32
    %dma_start3A_129 = tpu.memref_slice %arg14[%dma_start3A_128] : memref<10240xf32, #tpu.memory_space<vmem>> -> memref<640xf32, #tpu.memory_space<vmem>>
    %dma_start3A_130 = tpu.memref_slice %arg19[%add3A_124] : memref<163840xf32, #tpu.memory_space<vmem_shared>> -> memref<640xf32, #tpu.memory_space<vmem_shared>>
    tpu.enqueue_dma source(%dma_start3A_130 : memref<640xf32, #tpu.memory_space<vmem_shared>>) target(%dma_start3A_129 : memref<640xf32, #tpu.memory_space<vmem>>) target_semaphore(%arg21 : memref<!tpu.dma_semaphore, #tpu.memory_space<semaphore_mem>>)
    %add3A_131 = arith.constant 133120 : i32
    %add3A_132 = arith.addi %add3A_131, %mul3A_2 : i32
    %dma_start3A_133 = arith.constant 8320 : i32
    %dma_start3A_134 = tpu.memref_slice %arg14[%dma_start3A_133] : memref<10240xf32, #tpu.memory_space<vmem>> -> memref<640xf32, #tpu.memory_space<vmem>>
    %dma_start3A_135 = tpu.memref_slice %arg19[%add3A_132] : memref<163840xf32, #tpu.memory_space<vmem_shared>> -> memref<640xf32, #tpu.memory_space<vmem_shared>>
    %dma_start3A_136 = arith.constant 8320 : i32
    %dma_start3A_137 = tpu.memref_slice %arg14[%dma_start3A_136] : memref<10240xf32, #tpu.memory_space<vmem>> -> memref<640xf32, #tpu.memory_space<vmem>>
    %dma_start3A_138 = tpu.memref_slice %arg19[%add3A_132] : memref<163840xf32, #tpu.memory_space<vmem_shared>> -> memref<640xf32, #tpu.memory_space<vmem_shared>>
    tpu.enqueue_dma source(%dma_start3A_138 : memref<640xf32, #tpu.memory_space<vmem_shared>>) target(%dma_start3A_137 : memref<640xf32, #tpu.memory_space<vmem>>) target_semaphore(%arg21 : memref<!tpu.dma_semaphore, #tpu.memory_space<semaphore_mem>>)
    %add3A_139 = arith.constant 143360 : i32
    %add3A_140 = arith.addi %add3A_139, %mul3A_2 : i32
    %dma_start3A_141 = arith.constant 8960 : i32
    %dma_start3A_142 = tpu.memref_slice %arg14[%dma_start3A_141] : memref<10240xf32, #tpu.memory_space<vmem>> -> memref<640xf32, #tpu.memory_space<vmem>>
    %dma_start3A_143 = tpu.memref_slice %arg19[%add3A_140] : memref<163840xf32, #tpu.memory_space<vmem_shared>> -> memref<640xf32, #tpu.memory_space<vmem_shared>>
    %dma_start3A_144 = arith.constant 8960 : i32
    %dma_start3A_145 = tpu.memref_slice %arg14[%dma_start3A_144] : memref<10240xf32, #tpu.memory_space<vmem>> -> memref<640xf32, #tpu.memory_space<vmem>>
    %dma_start3A_146 = tpu.memref_slice %arg19[%add3A_140] : memref<163840xf32, #tpu.memory_space<vmem_shared>> -> memref<640xf32, #tpu.memory_space<vmem_shared>>
    tpu.enqueue_dma source(%dma_start3A_146 : memref<640xf32, #tpu.memory_space<vmem_shared>>) target(%dma_start3A_145 : memref<640xf32, #tpu.memory_space<vmem>>) target_semaphore(%arg21 : memref<!tpu.dma_semaphore, #tpu.memory_space<semaphore_mem>>)
    %add3A_147 = arith.constant 153600 : i32
    %add3A_148 = arith.addi %add3A_147, %mul3A_2 : i32
    %dma_start3A_149 = arith.constant 9600 : i32
    %dma_start3A_150 = tpu.memref_slice %arg14[%dma_start3A_149] : memref<10240xf32, #tpu.memory_space<vmem>> -> memref<640xf32, #tpu.memory_space<vmem>>
    %dma_start3A_151 = tpu.memref_slice %arg19[%add3A_148] : memref<163840xf32, #tpu.memory_space<vmem_shared>> -> memref<640xf32, #tpu.memory_space<vmem_shared>>
    %dma_start3A_152 = arith.constant 9600 : i32
    %dma_start3A_153 = tpu.memref_slice %arg14[%dma_start3A_152] : memref<10240xf32, #tpu.memory_space<vmem>> -> memref<640xf32, #tpu.memory_space<vmem>>
    %dma_start3A_154 = tpu.memref_slice %arg19[%add3A_148] : memref<163840xf32, #tpu.memory_space<vmem_shared>> -> memref<640xf32, #tpu.memory_space<vmem_shared>>
    tpu.enqueue_dma source(%dma_start3A_154 : memref<640xf32, #tpu.memory_space<vmem_shared>>) target(%dma_start3A_153 : memref<640xf32, #tpu.memory_space<vmem>>) target_semaphore(%arg21 : memref<!tpu.dma_semaphore, #tpu.memory_space<semaphore_mem>>)
    %dma_wait3A_155 = arith.constant 0 : i32
    %dma_wait3A_156 = tpu.memref_slice %arg14[%dma_wait3A_155] : memref<10240xf32, #tpu.memory_space<vmem>> -> memref<640xf32, #tpu.memory_space<vmem>>
    %dma_wait3A_157 = tpu.memref_slice %arg19[%add3A_28] : memref<163840xf32, #tpu.memory_space<vmem_shared>> -> memref<640xf32, #tpu.memory_space<vmem_shared>>
    %dma_wait3A_158 = arith.constant 0 : i32
    %dma_wait3A_159 = tpu.memref_slice %arg14[%dma_wait3A_158] : memref<10240xf32, #tpu.memory_space<vmem>> -> memref<640xf32, #tpu.memory_space<vmem>>
    %dma_wait3A_160 = tpu.memref_slice %arg19[%add3A_28] : memref<163840xf32, #tpu.memory_space<vmem_shared>> -> memref<640xf32, #tpu.memory_space<vmem_shared>>
    tpu.wait_dma2 semaphore(%arg21 : memref<!tpu.dma_semaphore, #tpu.memory_space<semaphore_mem>>) src(%dma_wait3A_160 : memref<640xf32, #tpu.memory_space<vmem_shared>>) dst(%dma_wait3A_159 : memref<640xf32, #tpu.memory_space<vmem>>)
    %dma_wait3A_161 = arith.constant 640 : i32
    %dma_wait3A_162 = tpu.memref_slice %arg14[%dma_wait3A_161] : memref<10240xf32, #tpu.memory_space<vmem>> -> memref<640xf32, #tpu.memory_space<vmem>>
    %dma_wait3A_163 = tpu.memref_slice %arg19[%add3A_36] : memref<163840xf32, #tpu.memory_space<vmem_shared>> -> memref<640xf32, #tpu.memory_space<vmem_shared>>
    %dma_wait3A_164 = arith.constant 640 : i32
    %dma_wait3A_165 = tpu.memref_slice %arg14[%dma_wait3A_164] : memref<10240xf32, #tpu.memory_space<vmem>> -> memref<640xf32, #tpu.memory_space<vmem>>
    %dma_wait3A_166 = tpu.memref_slice %arg19[%add3A_36] : memref<163840xf32, #tpu.memory_space<vmem_shared>> -> memref<640xf32, #tpu.memory_space<vmem_shared>>
    tpu.wait_dma2 semaphore(%arg21 : memref<!tpu.dma_semaphore, #tpu.memory_space<semaphore_mem>>) src(%dma_wait3A_166 : memref<640xf32, #tpu.memory_space<vmem_shared>>) dst(%dma_wait3A_165 : memref<640xf32, #tpu.memory_space<vmem>>)
    %dma_wait3A_167 = arith.constant 1280 : i32
    %dma_wait3A_168 = tpu.memref_slice %arg14[%dma_wait3A_167] : memref<10240xf32, #tpu.memory_space<vmem>> -> memref<640xf32, #tpu.memory_space<vmem>>
    %dma_wait3A_169 = tpu.memref_slice %arg19[%add3A_44] : memref<163840xf32, #tpu.memory_space<vmem_shared>> -> memref<640xf32, #tpu.memory_space<vmem_shared>>
    %dma_wait3A_170 = arith.constant 1280 : i32
    %dma_wait3A_171 = tpu.memref_slice %arg14[%dma_wait3A_170] : memref<10240xf32, #tpu.memory_space<vmem>> -> memref<640xf32, #tpu.memory_space<vmem>>
    %dma_wait3A_172 = tpu.memref_slice %arg19[%add3A_44] : memref<163840xf32, #tpu.memory_space<vmem_shared>> -> memref<640xf32, #tpu.memory_space<vmem_shared>>
    tpu.wait_dma2 semaphore(%arg21 : memref<!tpu.dma_semaphore, #tpu.memory_space<semaphore_mem>>) src(%dma_wait3A_172 : memref<640xf32, #tpu.memory_space<vmem_shared>>) dst(%dma_wait3A_171 : memref<640xf32, #tpu.memory_space<vmem>>)
    %dma_wait3A_173 = arith.constant 1920 : i32
    %dma_wait3A_174 = tpu.memref_slice %arg14[%dma_wait3A_173] : memref<10240xf32, #tpu.memory_space<vmem>> -> memref<640xf32, #tpu.memory_space<vmem>>
    %dma_wait3A_175 = tpu.memref_slice %arg19[%add3A_52] : memref<163840xf32, #tpu.memory_space<vmem_shared>> -> memref<640xf32, #tpu.memory_space<vmem_shared>>
    %dma_wait3A_176 = arith.constant 1920 : i32
    %dma_wait3A_177 = tpu.memref_slice %arg14[%dma_wait3A_176] : memref<10240xf32, #tpu.memory_space<vmem>> -> memref<640xf32, #tpu.memory_space<vmem>>
    %dma_wait3A_178 = tpu.memref_slice %arg19[%add3A_52] : memref<163840xf32, #tpu.memory_space<vmem_shared>> -> memref<640xf32, #tpu.memory_space<vmem_shared>>
    tpu.wait_dma2 semaphore(%arg21 : memref<!tpu.dma_semaphore, #tpu.memory_space<semaphore_mem>>) src(%dma_wait3A_178 : memref<640xf32, #tpu.memory_space<vmem_shared>>) dst(%dma_wait3A_177 : memref<640xf32, #tpu.memory_space<vmem>>)
    %dma_wait3A_179 = arith.constant 2560 : i32
    %dma_wait3A_180 = tpu.memref_slice %arg14[%dma_wait3A_179] : memref<10240xf32, #tpu.memory_space<vmem>> -> memref<640xf32, #tpu.memory_space<vmem>>
    %dma_wait3A_181 = tpu.memref_slice %arg19[%add3A_60] : memref<163840xf32, #tpu.memory_space<vmem_shared>> -> memref<640xf32, #tpu.memory_space<vmem_shared>>
    %dma_wait3A_182 = arith.constant 2560 : i32
    %dma_wait3A_183 = tpu.memref_slice %arg14[%dma_wait3A_182] : memref<10240xf32, #tpu.memory_space<vmem>> -> memref<640xf32, #tpu.memory_space<vmem>>
    %dma_wait3A_184 = tpu.memref_slice %arg19[%add3A_60] : memref<163840xf32, #tpu.memory_space<vmem_shared>> -> memref<640xf32, #tpu.memory_space<vmem_shared>>
    tpu.wait_dma2 semaphore(%arg21 : memref<!tpu.dma_semaphore, #tpu.memory_space<semaphore_mem>>) src(%dma_wait3A_184 : memref<640xf32, #tpu.memory_space<vmem_shared>>) dst(%dma_wait3A_183 : memref<640xf32, #tpu.memory_space<vmem>>)
    %dma_wait3A_185 = arith.constant 3200 : i32
    %dma_wait3A_186 = tpu.memref_slice %arg14[%dma_wait3A_185] : memref<10240xf32, #tpu.memory_space<vmem>> -> memref<640xf32, #tpu.memory_space<vmem>>
    %dma_wait3A_187 = tpu.memref_slice %arg19[%add3A_68] : memref<163840xf32, #tpu.memory_space<vmem_shared>> -> memref<640xf32, #tpu.memory_space<vmem_shared>>
    %dma_wait3A_188 = arith.constant 3200 : i32
    %dma_wait3A_189 = tpu.memref_slice %arg14[%dma_wait3A_188] : memref<10240xf32, #tpu.memory_space<vmem>> -> memref<640xf32, #tpu.memory_space<vmem>>
    %dma_wait3A_190 = tpu.memref_slice %arg19[%add3A_68] : memref<163840xf32, #tpu.memory_space<vmem_shared>> -> memref<640xf32, #tpu.memory_space<vmem_shared>>
    tpu.wait_dma2 semaphore(%arg21 : memref<!tpu.dma_semaphore, #tpu.memory_space<semaphore_mem>>) src(%dma_wait3A_190 : memref<640xf32, #tpu.memory_space<vmem_shared>>) dst(%dma_wait3A_189 : memref<640xf32, #tpu.memory_space<vmem>>)
    %dma_wait3A_191 = arith.constant 3840 : i32
    %dma_wait3A_192 = tpu.memref_slice %arg14[%dma_wait3A_191] : memref<10240xf32, #tpu.memory_space<vmem>> -> memref<640xf32, #tpu.memory_space<vmem>>
    %dma_wait3A_193 = tpu.memref_slice %arg19[%add3A_76] : memref<163840xf32, #tpu.memory_space<vmem_shared>> -> memref<640xf32, #tpu.memory_space<vmem_shared>>
    %dma_wait3A_194 = arith.constant 3840 : i32
    %dma_wait3A_195 = tpu.memref_slice %arg14[%dma_wait3A_194] : memref<10240xf32, #tpu.memory_space<vmem>> -> memref<640xf32, #tpu.memory_space<vmem>>
    %dma_wait3A_196 = tpu.memref_slice %arg19[%add3A_76] : memref<163840xf32, #tpu.memory_space<vmem_shared>> -> memref<640xf32, #tpu.memory_space<vmem_shared>>
    tpu.wait_dma2 semaphore(%arg21 : memref<!tpu.dma_semaphore, #tpu.memory_space<semaphore_mem>>) src(%dma_wait3A_196 : memref<640xf32, #tpu.memory_space<vmem_shared>>) dst(%dma_wait3A_195 : memref<640xf32, #tpu.memory_space<vmem>>)
    %dma_wait3A_197 = arith.constant 4480 : i32
    %dma_wait3A_198 = tpu.memref_slice %arg14[%dma_wait3A_197] : memref<10240xf32, #tpu.memory_space<vmem>> -> memref<640xf32, #tpu.memory_space<vmem>>
    %dma_wait3A_199 = tpu.memref_slice %arg19[%add3A_84] : memref<163840xf32, #tpu.memory_space<vmem_shared>> -> memref<640xf32, #tpu.memory_space<vmem_shared>>
    %dma_wait3A_200 = arith.constant 4480 : i32
    %dma_wait3A_201 = tpu.memref_slice %arg14[%dma_wait3A_200] : memref<10240xf32, #tpu.memory_space<vmem>> -> memref<640xf32, #tpu.memory_space<vmem>>
    %dma_wait3A_202 = tpu.memref_slice %arg19[%add3A_84] : memref<163840xf32, #tpu.memory_space<vmem_shared>> -> memref<640xf32, #tpu.memory_space<vmem_shared>>
    tpu.wait_dma2 semaphore(%arg21 : memref<!tpu.dma_semaphore, #tpu.memory_space<semaphore_mem>>) src(%dma_wait3A_202 : memref<640xf32, #tpu.memory_space<vmem_shared>>) dst(%dma_wait3A_201 : memref<640xf32, #tpu.memory_space<vmem>>)
    %dma_wait3A_203 = arith.constant 5120 : i32
    %dma_wait3A_204 = tpu.memref_slice %arg14[%dma_wait3A_203] : memref<10240xf32, #tpu.memory_space<vmem>> -> memref<640xf32, #tpu.memory_space<vmem>>
    %dma_wait3A_205 = tpu.memref_slice %arg19[%add3A_92] : memref<163840xf32, #tpu.memory_space<vmem_shared>> -> memref<640xf32, #tpu.memory_space<vmem_shared>>
    %dma_wait3A_206 = arith.constant 5120 : i32
    %dma_wait3A_207 = tpu.memref_slice %arg14[%dma_wait3A_206] : memref<10240xf32, #tpu.memory_space<vmem>> -> memref<640xf32, #tpu.memory_space<vmem>>
    %dma_wait3A_208 = tpu.memref_slice %arg19[%add3A_92] : memref<163840xf32, #tpu.memory_space<vmem_shared>> -> memref<640xf32, #tpu.memory_space<vmem_shared>>
    tpu.wait_dma2 semaphore(%arg21 : memref<!tpu.dma_semaphore, #tpu.memory_space<semaphore_mem>>) src(%dma_wait3A_208 : memref<640xf32, #tpu.memory_space<vmem_shared>>) dst(%dma_wait3A_207 : memref<640xf32, #tpu.memory_space<vmem>>)
    %dma_wait3A_209 = arith.constant 5760 : i32
    %dma_wait3A_210 = tpu.memref_slice %arg14[%dma_wait3A_209] : memref<10240xf32, #tpu.memory_space<vmem>> -> memref<640xf32, #tpu.memory_space<vmem>>
    %dma_wait3A_211 = tpu.memref_slice %arg19[%add3A_100] : memref<163840xf32, #tpu.memory_space<vmem_shared>> -> memref<640xf32, #tpu.memory_space<vmem_shared>>
    %dma_wait3A_212 = arith.constant 5760 : i32
    %dma_wait3A_213 = tpu.memref_slice %arg14[%dma_wait3A_212] : memref<10240xf32, #tpu.memory_space<vmem>> -> memref<640xf32, #tpu.memory_space<vmem>>
    %dma_wait3A_214 = tpu.memref_slice %arg19[%add3A_100] : memref<163840xf32, #tpu.memory_space<vmem_shared>> -> memref<640xf32, #tpu.memory_space<vmem_shared>>
    tpu.wait_dma2 semaphore(%arg21 : memref<!tpu.dma_semaphore, #tpu.memory_space<semaphore_mem>>) src(%dma_wait3A_214 : memref<640xf32, #tpu.memory_space<vmem_shared>>) dst(%dma_wait3A_213 : memref<640xf32, #tpu.memory_space<vmem>>)
    %dma_wait3A_215 = arith.constant 6400 : i32
    %dma_wait3A_216 = tpu.memref_slice %arg14[%dma_wait3A_215] : memref<10240xf32, #tpu.memory_space<vmem>> -> memref<640xf32, #tpu.memory_space<vmem>>
    %dma_wait3A_217 = tpu.memref_slice %arg19[%add3A_108] : memref<163840xf32, #tpu.memory_space<vmem_shared>> -> memref<640xf32, #tpu.memory_space<vmem_shared>>
    %dma_wait3A_218 = arith.constant 6400 : i32
    %dma_wait3A_219 = tpu.memref_slice %arg14[%dma_wait3A_218] : memref<10240xf32, #tpu.memory_space<vmem>> -> memref<640xf32, #tpu.memory_space<vmem>>
    %dma_wait3A_220 = tpu.memref_slice %arg19[%add3A_108] : memref<163840xf32, #tpu.memory_space<vmem_shared>> -> memref<640xf32, #tpu.memory_space<vmem_shared>>
    tpu.wait_dma2 semaphore(%arg21 : memref<!tpu.dma_semaphore, #tpu.memory_space<semaphore_mem>>) src(%dma_wait3A_220 : memref<640xf32, #tpu.memory_space<vmem_shared>>) dst(%dma_wait3A_219 : memref<640xf32, #tpu.memory_space<vmem>>)
    %dma_wait3A_221 = arith.constant 7040 : i32
    %dma_wait3A_222 = tpu.memref_slice %arg14[%dma_wait3A_221] : memref<10240xf32, #tpu.memory_space<vmem>> -> memref<640xf32, #tpu.memory_space<vmem>>
    %dma_wait3A_223 = tpu.memref_slice %arg19[%add3A_116] : memref<163840xf32, #tpu.memory_space<vmem_shared>> -> memref<640xf32, #tpu.memory_space<vmem_shared>>
    %dma_wait3A_224 = arith.constant 7040 : i32
    %dma_wait3A_225 = tpu.memref_slice %arg14[%dma_wait3A_224] : memref<10240xf32, #tpu.memory_space<vmem>> -> memref<640xf32, #tpu.memory_space<vmem>>
    %dma_wait3A_226 = tpu.memref_slice %arg19[%add3A_116] : memref<163840xf32, #tpu.memory_space<vmem_shared>> -> memref<640xf32, #tpu.memory_space<vmem_shared>>
    tpu.wait_dma2 semaphore(%arg21 : memref<!tpu.dma_semaphore, #tpu.memory_space<semaphore_mem>>) src(%dma_wait3A_226 : memref<640xf32, #tpu.memory_space<vmem_shared>>) dst(%dma_wait3A_225 : memref<640xf32, #tpu.memory_space<vmem>>)
    %dma_wait3A_227 = arith.constant 7680 : i32
    %dma_wait3A_228 = tpu.memref_slice %arg14[%dma_wait3A_227] : memref<10240xf32, #tpu.memory_space<vmem>> -> memref<640xf32, #tpu.memory_space<vmem>>
    %dma_wait3A_229 = tpu.memref_slice %arg19[%add3A_124] : memref<163840xf32, #tpu.memory_space<vmem_shared>> -> memref<640xf32, #tpu.memory_space<vmem_shared>>
    %dma_wait3A_230 = arith.constant 7680 : i32
    %dma_wait3A_231 = tpu.memref_slice %arg14[%dma_wait3A_230] : memref<10240xf32, #tpu.memory_space<vmem>> -> memref<640xf32, #tpu.memory_space<vmem>>
    %dma_wait3A_232 = tpu.memref_slice %arg19[%add3A_124] : memref<163840xf32, #tpu.memory_space<vmem_shared>> -> memref<640xf32, #tpu.memory_space<vmem_shared>>
    tpu.wait_dma2 semaphore(%arg21 : memref<!tpu.dma_semaphore, #tpu.memory_space<semaphore_mem>>) src(%dma_wait3A_232 : memref<640xf32, #tpu.memory_space<vmem_shared>>) dst(%dma_wait3A_231 : memref<640xf32, #tpu.memory_space<vmem>>)
    %dma_wait3A_233 = arith.constant 8320 : i32
    %dma_wait3A_234 = tpu.memref_slice %arg14[%dma_wait3A_233] : memref<10240xf32, #tpu.memory_space<vmem>> -> memref<640xf32, #tpu.memory_space<vmem>>
    %dma_wait3A_235 = tpu.memref_slice %arg19[%add3A_132] : memref<163840xf32, #tpu.memory_space<vmem_shared>> -> memref<640xf32, #tpu.memory_space<vmem_shared>>
    %dma_wait3A_236 = arith.constant 8320 : i32
    %dma_wait3A_237 = tpu.memref_slice %arg14[%dma_wait3A_236] : memref<10240xf32, #tpu.memory_space<vmem>> -> memref<640xf32, #tpu.memory_space<vmem>>
    %dma_wait3A_238 = tpu.memref_slice %arg19[%add3A_132] : memref<163840xf32, #tpu.memory_space<vmem_shared>> -> memref<640xf32, #tpu.memory_space<vmem_shared>>
    tpu.wait_dma2 semaphore(%arg21 : memref<!tpu.dma_semaphore, #tpu.memory_space<semaphore_mem>>) src(%dma_wait3A_238 : memref<640xf32, #tpu.memory_space<vmem_shared>>) dst(%dma_wait3A_237 : memref<640xf32, #tpu.memory_space<vmem>>)
    %dma_wait3A_239 = arith.constant 8960 : i32
    %dma_wait3A_240 = tpu.memref_slice %arg14[%dma_wait3A_239] : memref<10240xf32, #tpu.memory_space<vmem>> -> memref<640xf32, #tpu.memory_space<vmem>>
    %dma_wait3A_241 = tpu.memref_slice %arg19[%add3A_140] : memref<163840xf32, #tpu.memory_space<vmem_shared>> -> memref<640xf32, #tpu.memory_space<vmem_shared>>
    %dma_wait3A_242 = arith.constant 8960 : i32
    %dma_wait3A_243 = tpu.memref_slice %arg14[%dma_wait3A_242] : memref<10240xf32, #tpu.memory_space<vmem>> -> memref<640xf32, #tpu.memory_space<vmem>>
    %dma_wait3A_244 = tpu.memref_slice %arg19[%add3A_140] : memref<163840xf32, #tpu.memory_space<vmem_shared>> -> memref<640xf32, #tpu.memory_space<vmem_shared>>
    tpu.wait_dma2 semaphore(%arg21 : memref<!tpu.dma_semaphore, #tpu.memory_space<semaphore_mem>>) src(%dma_wait3A_244 : memref<640xf32, #tpu.memory_space<vmem_shared>>) dst(%dma_wait3A_243 : memref<640xf32, #tpu.memory_space<vmem>>)
    %dma_wait3A_245 = arith.constant 9600 : i32
    %dma_wait3A_246 = tpu.memref_slice %arg14[%dma_wait3A_245] : memref<10240xf32, #tpu.memory_space<vmem>> -> memref<640xf32, #tpu.memory_space<vmem>>
    %dma_wait3A_247 = tpu.memref_slice %arg19[%add3A_148] : memref<163840xf32, #tpu.memory_space<vmem_shared>> -> memref<640xf32, #tpu.memory_space<vmem_shared>>
    %dma_wait3A_248 = arith.constant 9600 : i32
    %dma_wait3A_249 = tpu.memref_slice %arg14[%dma_wait3A_248] : memref<10240xf32, #tpu.memory_space<vmem>> -> memref<640xf32, #tpu.memory_space<vmem>>
    %dma_wait3A_250 = tpu.memref_slice %arg19[%add3A_148] : memref<163840xf32, #tpu.memory_space<vmem_shared>> -> memref<640xf32, #tpu.memory_space<vmem_shared>>
    tpu.wait_dma2 semaphore(%arg21 : memref<!tpu.dma_semaphore, #tpu.memory_space<semaphore_mem>>) src(%dma_wait3A_250 : memref<640xf32, #tpu.memory_space<vmem_shared>>) dst(%dma_wait3A_249 : memref<640xf32, #tpu.memory_space<vmem>>)
    %scan3A = arith.constant 0 : i32
    %scan3A_251 = arith.constant 0 : i32
    %scan3A_252 = arith.constant 40 : i32
    %scan3A_253 = arith.addi %scan3A_251, %scan3A_252 : i32
    %scan3A_254 = arith.constant 1 : i32
    scf.for %scan3A_751 = %scan3A_251 to %scan3A_253 step %scan3A_254  : i32 {
      %mul3A_752 = arith.constant 16 : i32
      %mul3A_753 = arith.muli %scan3A_751, %mul3A_752 : i32
      %get3A_754 = arith.index_cast %mul3A_753 : i32 to index
      %get3A_755 = tpu.vector_load %arg14[%get3A_754] {strides = array<i32>} : memref<10240xf32, #tpu.memory_space<vmem>>, vector<16xf32>,
      %add3A_756 = arith.constant 640 : i32
      %add3A_757 = arith.addi %add3A_756, %mul3A_753 : i32
      %get3A_758 = arith.index_cast %add3A_757 : i32 to index
      %get3A_759 = tpu.vector_load %arg14[%get3A_758] {strides = array<i32>} : memref<10240xf32, #tpu.memory_space<vmem>>, vector<16xf32>,
      %add3A_760 = arith.addf %get3A_755, %get3A_759 : vector<16xf32>
      %add3A_761 = arith.constant 1280 : i32
      %add3A_762 = arith.addi %add3A_761, %mul3A_753 : i32
      %get3A_763 = arith.index_cast %add3A_762 : i32 to index
      %get3A_764 = tpu.vector_load %arg14[%get3A_763] {strides = array<i32>} : memref<10240xf32, #tpu.memory_space<vmem>>, vector<16xf32>,
      %add3A_765 = arith.addf %add3A_760, %get3A_764 : vector<16xf32>
      %add3A_766 = arith.constant 1920 : i32
      %add3A_767 = arith.addi %add3A_766, %mul3A_753 : i32
      %get3A_768 = arith.index_cast %add3A_767 : i32 to index
      %get3A_769 = tpu.vector_load %arg14[%get3A_768] {strides = array<i32>} : memref<10240xf32, #tpu.memory_space<vmem>>, vector<16xf32>,
      %add3A_770 = arith.addf %add3A_765, %get3A_769 : vector<16xf32>
      %add3A_771 = arith.constant 2560 : i32
      %add3A_772 = arith.addi %add3A_771, %mul3A_753 : i32
      %get3A_773 = arith.index_cast %add3A_772 : i32 to index
      %get3A_774 = tpu.vector_load %arg14[%get3A_773] {strides = array<i32>} : memref<10240xf32, #tpu.memory_space<vmem>>, vector<16xf32>,
      %add3A_775 = arith.addf %add3A_770, %get3A_774 : vector<16xf32>
      %add3A_776 = arith.constant 3200 : i32
      %add3A_777 = arith.addi %add3A_776, %mul3A_753 : i32
      %get3A_778 = arith.index_cast %add3A_777 : i32 to index
      %get3A_779 = tpu.vector_load %arg14[%get3A_778] {strides = array<i32>} : memref<10240xf32, #tpu.memory_space<vmem>>, vector<16xf32>,
      %add3A_780 = arith.addf %add3A_775, %get3A_779 : vector<16xf32>
      %add3A_781 = arith.constant 3840 : i32
      %add3A_782 = arith.addi %add3A_781, %mul3A_753 : i32
      %get3A_783 = arith.index_cast %add3A_782 : i32 to index
      %get3A_784 = tpu.vector_load %arg14[%get3A_783] {strides = array<i32>} : memref<10240xf32, #tpu.memory_space<vmem>>, vector<16xf32>,
      %add3A_785 = arith.addf %add3A_780, %get3A_784 : vector<16xf32>
      %add3A_786 = arith.constant 4480 : i32
      %add3A_787 = arith.addi %add3A_786, %mul3A_753 : i32
      %get3A_788 = arith.index_cast %add3A_787 : i32 to index
      %get3A_789 = tpu.vector_load %arg14[%get3A_788] {strides = array<i32>} : memref<10240xf32, #tpu.memory_space<vmem>>, vector<16xf32>,
      %add3A_790 = arith.addf %add3A_785, %get3A_789 : vector<16xf32>
      %add3A_791 = arith.constant 5120 : i32
      %add3A_792 = arith.addi %add3A_791, %mul3A_753 : i32
      %get3A_793 = arith.index_cast %add3A_792 : i32 to index
      %get3A_794 = tpu.vector_load %arg14[%get3A_793] {strides = array<i32>} : memref<10240xf32, #tpu.memory_space<vmem>>, vector<16xf32>,
      %add3A_795 = arith.addf %add3A_790, %get3A_794 : vector<16xf32>
      %add3A_796 = arith.constant 5760 : i32
      %add3A_797 = arith.addi %add3A_796, %mul3A_753 : i32
      %get3A_798 = arith.index_cast %add3A_797 : i32 to index
      %get3A_799 = tpu.vector_load %arg14[%get3A_798] {strides = array<i32>} : memref<10240xf32, #tpu.memory_space<vmem>>, vector<16xf32>,
      %add3A_800 = arith.addf %add3A_795, %get3A_799 : vector<16xf32>
      %add3A_801 = arith.constant 6400 : i32
      %add3A_802 = arith.addi %add3A_801, %mul3A_753 : i32
      %get3A_803 = arith.index_cast %add3A_802 : i32 to index
      %get3A_804 = tpu.vector_load %arg14[%get3A_803] {strides = array<i32>} : memref<10240xf32, #tpu.memory_space<vmem>>, vector<16xf32>,
      %add3A_805 = arith.addf %add3A_800, %get3A_804 : vector<16xf32>
      %add3A_806 = arith.constant 7040 : i32
      %add3A_807 = arith.addi %add3A_806, %mul3A_753 : i32
      %get3A_808 = arith.index_cast %add3A_807 : i32 to index
      %get3A_809 = tpu.vector_load %arg14[%get3A_808] {strides = array<i32>} : memref<10240xf32, #tpu.memory_space<vmem>>, vector<16xf32>,
      %add3A_810 = arith.addf %add3A_805, %get3A_809 : vector<16xf32>
      %add3A_811 = arith.constant 7680 : i32
      %add3A_812 = arith.addi %add3A_811, %mul3A_753 : i32
      %get3A_813 = arith.index_cast %add3A_812 : i32 to index
      %get3A_814 = tpu.vector_load %arg14[%get3A_813] {strides = array<i32>} : memref<10240xf32, #tpu.memory_space<vmem>>, vector<16xf32>,
      %add3A_815 = arith.addf %add3A_810, %get3A_814 : vector<16xf32>
      %add3A_816 = arith.constant 8320 : i32
      %add3A_817 = arith.addi %add3A_816, %mul3A_753 : i32
      %get3A_818 = arith.index_cast %add3A_817 : i32 to index
      %get3A_819 = tpu.vector_load %arg14[%get3A_818] {strides = array<i32>} : memref<10240xf32, #tpu.memory_space<vmem>>, vector<16xf32>,
      %add3A_820 = arith.addf %add3A_815, %get3A_819 : vector<16xf32>
      %add3A_821 = arith.constant 8960 : i32
      %add3A_822 = arith.addi %add3A_821, %mul3A_753 : i32
      %get3A_823 = arith.index_cast %add3A_822 : i32 to index
      %get3A_824 = tpu.vector_load %arg14[%get3A_823] {strides = array<i32>} : memref<10240xf32, #tpu.memory_space<vmem>>, vector<16xf32>,
      %add3A_825 = arith.addf %add3A_820, %get3A_824 : vector<16xf32>
      %add3A_826 = arith.constant 9600 : i32
      %add3A_827 = arith.addi %add3A_826, %mul3A_753 : i32
      %get3A_828 = arith.index_cast %add3A_827 : i32 to index
      %get3A_829 = tpu.vector_load %arg14[%get3A_828] {strides = array<i32>} : memref<10240xf32, #tpu.memory_space<vmem>>, vector<16xf32>,
      %add3A_830 = arith.addf %add3A_825, %get3A_829 : vector<16xf32>
      %add3A_831 = arith.constant 1.000000e+00 : f32
      %add3A_832 = vector.broadcast %add3A_831 : f32 to vector<16xf32>
      %add3A_833 = arith.addf %add3A_830, %add3A_832 : vector<16xf32>
      %bitcast3A = vector.bitcast %add3A_833 : vector<16xf32> to vector<16xi32>
      %shift_right_arithmetic3A = arith.constant 1 : i32
      %shift_right_arithmetic3A_834 = vector.broadcast %shift_right_arithmetic3A : i32 to vector<16xi32>
      %shift_right_arithmetic3A_835 = arith.shrsi %bitcast3A, %shift_right_arithmetic3A_834 : vector<16xi32>
      %sub3A = arith.constant 1597463007 : i32
      %sub3A_836 = vector.broadcast %sub3A : i32 to vector<16xi32>
      %sub3A_837 = arith.subi %sub3A_836, %shift_right_arithmetic3A_835 : vector<16xi32>
      %bitcast3A_838 = vector.bitcast %sub3A_837 : vector<16xi32> to vector<16xf32>
      %mul3A_839 = arith.constant 5.000000e-01 : f32
      %mul3A_840 = vector.broadcast %mul3A_839 : f32 to vector<16xf32>
      %mul3A_841 = arith.mulf %mul3A_840, %add3A_833 : vector<16xf32>
      %mul3A_842 = arith.mulf %mul3A_841, %bitcast3A_838 : vector<16xf32>
      %mul3A_843 = arith.mulf %mul3A_842, %bitcast3A_838 : vector<16xf32>
      %sub3A_844 = arith.constant 1.500000e+00 : f32
      %sub3A_845 = vector.broadcast %sub3A_844 : f32 to vector<16xf32>
      %sub3A_846 = arith.subf %sub3A_845, %mul3A_843 : vector<16xf32>
      %mul3A_847 = arith.mulf %bitcast3A_838, %sub3A_846 : vector<16xf32>
      %mul3A_848 = arith.mulf %mul3A_841, %mul3A_847 : vector<16xf32>
      %mul3A_849 = arith.mulf %mul3A_848, %mul3A_847 : vector<16xf32>
      %sub3A_850 = arith.constant 1.500000e+00 : f32
      %sub3A_851 = vector.broadcast %sub3A_850 : f32 to vector<16xf32>
      %sub3A_852 = arith.subf %sub3A_851, %mul3A_849 : vector<16xf32>
      %mul3A_853 = arith.mulf %mul3A_847, %sub3A_852 : vector<16xf32>
      %mul3A_854 = arith.mulf %mul3A_841, %mul3A_853 : vector<16xf32>
      %mul3A_855 = arith.mulf %mul3A_854, %mul3A_853 : vector<16xf32>
      %sub3A_856 = arith.constant 1.500000e+00 : f32
      %sub3A_857 = vector.broadcast %sub3A_856 : f32 to vector<16xf32>
      %sub3A_858 = arith.subf %sub3A_857, %mul3A_855 : vector<16xf32>
      %mul3A_859 = arith.mulf %mul3A_853, %sub3A_858 : vector<16xf32>
      %swap3A = arith.index_cast %mul3A_753 : i32 to index
      %swap3A_860 = tpu.vector_load %arg16[%swap3A] {strides = array<i32>} : memref<640xf32, #tpu.memory_space<vmem>>, vector<16xf32>,
      tpu.vector_store %arg16[%swap3A], %mul3A_859 {strides = array<i32>} : memref<640xf32, #tpu.memory_space<vmem>>, vector<16xf32>,
      %get3A_861 = arith.index_cast %mul3A_753 : i32 to index
      %get3A_862 = tpu.vector_load %arg15[%get3A_861] {strides = array<i32>} : memref<640xf32, #tpu.memory_space<vmem>>, vector<16xf32>,
      %mul3A_863 = arith.mulf %get3A_862, %mul3A_859 : vector<16xf32>
      %swap3A_864 = arith.index_cast %mul3A_753 : i32 to index
      %swap3A_865 = tpu.vector_load %arg17[%swap3A_864] {strides = array<i32>} : memref<640xf32, #tpu.memory_space<vmem>>, vector<16xf32>,
      tpu.vector_store %arg17[%swap3A_864], %mul3A_863 {strides = array<i32>} : memref<640xf32, #tpu.memory_space<vmem>>, vector<16xf32>,
    }
    %scan3A_255 = arith.constant 40 : i32
    "tpu.region"() ({
      %run_scoped3A = tpu.sem_alloc : memref<!tpu.dma_semaphore, #tpu.memory_space<semaphore_mem>>
      %dma_start3A_751 = tpu.memref_slice %arg20[%mul3A_2] : memref<20480xf32, #tpu.memory_space<vmem_shared>> -> memref<640xf32, #tpu.memory_space<vmem_shared>>
      %dma_start3A_752 = tpu.memref_slice %arg20[%mul3A_2] : memref<20480xf32, #tpu.memory_space<vmem_shared>> -> memref<640xf32, #tpu.memory_space<vmem_shared>>
      tpu.enqueue_dma source(%arg16 : memref<640xf32, #tpu.memory_space<vmem>>) target(%dma_start3A_752 : memref<640xf32, #tpu.memory_space<vmem_shared>>) target_semaphore(%run_scoped3A : memref<!tpu.dma_semaphore, #tpu.memory_space<semaphore_mem>>)
      %dma_wait3A_753 = tpu.memref_slice %arg20[%mul3A_2] : memref<20480xf32, #tpu.memory_space<vmem_shared>> -> memref<640xf32, #tpu.memory_space<vmem_shared>>
      %dma_wait3A_754 = tpu.memref_slice %arg20[%mul3A_2] : memref<20480xf32, #tpu.memory_space<vmem_shared>> -> memref<640xf32, #tpu.memory_space<vmem_shared>>
      tpu.wait_dma2 semaphore(%run_scoped3A : memref<!tpu.dma_semaphore, #tpu.memory_space<semaphore_mem>>) src(%arg16 : memref<640xf32, #tpu.memory_space<vmem>>) dst(%dma_wait3A_754 : memref<640xf32, #tpu.memory_space<vmem_shared>>)
      tpu.yield
    }) : () -> ()
    %add3A_256 = arith.constant 10240 : i32
    %add3A_257 = arith.addi %add3A_256, %mul3A_2 : i32
    "tpu.region"() ({
      %run_scoped3A = tpu.sem_alloc : memref<!tpu.dma_semaphore, #tpu.memory_space<semaphore_mem>>
      %dma_start3A_751 = tpu.memref_slice %arg20[%add3A_257] : memref<20480xf32, #tpu.memory_space<vmem_shared>> -> memref<640xf32, #tpu.memory_space<vmem_shared>>
      %dma_start3A_752 = tpu.memref_slice %arg20[%add3A_257] : memref<20480xf32, #tpu.memory_space<vmem_shared>> -> memref<640xf32, #tpu.memory_space<vmem_shared>>
      tpu.enqueue_dma source(%arg17 : memref<640xf32, #tpu.memory_space<vmem>>) target(%dma_start3A_752 : memref<640xf32, #tpu.memory_space<vmem_shared>>) target_semaphore(%run_scoped3A : memref<!tpu.dma_semaphore, #tpu.memory_space<semaphore_mem>>)
      %dma_wait3A_753 = tpu.memref_slice %arg20[%add3A_257] : memref<20480xf32, #tpu.memory_space<vmem_shared>> -> memref<640xf32, #tpu.memory_space<vmem_shared>>
      %dma_wait3A_754 = tpu.memref_slice %arg20[%add3A_257] : memref<20480xf32, #tpu.memory_space<vmem_shared>> -> memref<640xf32, #tpu.memory_space<vmem_shared>>
      tpu.wait_dma2 semaphore(%run_scoped3A : memref<!tpu.dma_semaphore, #tpu.memory_space<semaphore_mem>>) src(%arg17 : memref<640xf32, #tpu.memory_space<vmem>>) dst(%dma_wait3A_754 : memref<640xf32, #tpu.memory_space<vmem_shared>>)
      tpu.yield
    }) : () -> ()
    %barrier3A_258 = arith.constant 0 : index
    tpu.barrier barrier_id(%barrier3A_258)
    "tpu.region"() ({
      %run_scoped3A = tpu.sem_alloc : memref<!tpu.dma_semaphore, #tpu.memory_space<semaphore_mem>>
      %dma_start3A_751 = arith.constant 0 : i32
      %dma_start3A_752 = tpu.memref_slice %arg20[%dma_start3A_751] : memref<20480xf32, #tpu.memory_space<vmem_shared>> -> memref<10240xf32, #tpu.memory_space<vmem_shared>>
      %dma_start3A_753 = arith.constant 0 : i32
      %dma_start3A_754 = tpu.memref_slice %arg20[%dma_start3A_753] : memref<20480xf32, #tpu.memory_space<vmem_shared>> -> memref<10240xf32, #tpu.memory_space<vmem_shared>>
      tpu.enqueue_dma source(%dma_start3A_754 : memref<10240xf32, #tpu.memory_space<vmem_shared>>) target(%arg11 : memref<10240xf32, #tpu.memory_space<vmem>>) target_semaphore(%run_scoped3A : memref<!tpu.dma_semaphore, #tpu.memory_space<semaphore_mem>>)
      %dma_wait3A_755 = arith.constant 0 : i32
      %dma_wait3A_756 = tpu.memref_slice %arg20[%dma_wait3A_755] : memref<20480xf32, #tpu.memory_space<vmem_shared>> -> memref<10240xf32, #tpu.memory_space<vmem_shared>>
      %dma_wait3A_757 = arith.constant 0 : i32
      %dma_wait3A_758 = tpu.memref_slice %arg20[%dma_wait3A_757] : memref<20480xf32, #tpu.memory_space<vmem_shared>> -> memref<10240xf32, #tpu.memory_space<vmem_shared>>
      tpu.wait_dma2 semaphore(%run_scoped3A : memref<!tpu.dma_semaphore, #tpu.memory_space<semaphore_mem>>) src(%dma_wait3A_758 : memref<10240xf32, #tpu.memory_space<vmem_shared>>) dst(%arg11 : memref<10240xf32, #tpu.memory_space<vmem>>)
      tpu.yield
    }) : () -> ()
    "tpu.region"() ({
      %run_scoped3A = tpu.sem_alloc : memref<!tpu.dma_semaphore, #tpu.memory_space<semaphore_mem>>
      %dma_start3A_751 = arith.constant 10240 : i32
      %dma_start3A_752 = tpu.memref_slice %arg20[%dma_start3A_751] : memref<20480xf32, #tpu.memory_space<vmem_shared>> -> memref<10240xf32, #tpu.memory_space<vmem_shared>>
      %dma_start3A_753 = arith.constant 10240 : i32
      %dma_start3A_754 = tpu.memref_slice %arg20[%dma_start3A_753] : memref<20480xf32, #tpu.memory_space<vmem_shared>> -> memref<10240xf32, #tpu.memory_space<vmem_shared>>
      tpu.enqueue_dma source(%dma_start3A_754 : memref<10240xf32, #tpu.memory_space<vmem_shared>>) target(%arg12 : memref<10240xf32, #tpu.memory_space<vmem>>) target_semaphore(%run_scoped3A : memref<!tpu.dma_semaphore, #tpu.memory_space<semaphore_mem>>)
      %dma_wait3A_755 = arith.constant 10240 : i32
      %dma_wait3A_756 = tpu.memref_slice %arg20[%dma_wait3A_755] : memref<20480xf32, #tpu.memory_space<vmem_shared>> -> memref<10240xf32, #tpu.memory_space<vmem_shared>>
      %dma_wait3A_757 = arith.constant 10240 : i32
      %dma_wait3A_758 = tpu.memref_slice %arg20[%dma_wait3A_757] : memref<20480xf32, #tpu.memory_space<vmem_shared>> -> memref<10240xf32, #tpu.memory_space<vmem_shared>>
      tpu.wait_dma2 semaphore(%run_scoped3A : memref<!tpu.dma_semaphore, #tpu.memory_space<semaphore_mem>>) src(%dma_wait3A_758 : memref<10240xf32, #tpu.memory_space<vmem_shared>>) dst(%arg12 : memref<10240xf32, #tpu.memory_space<vmem>>)
      tpu.yield
    }) : () -> ()
    %parallel_loop3A_259 = arith.constant 0 : i32
    %parallel_loop3A_260 = arith.constant 10240 : i32
    %parallel_loop3A_261 = arith.constant 16 : i32
    scf.for %parallel_loop3A_751 = %parallel_loop3A_259 to %parallel_loop3A_260 step %parallel_loop3A_261  : i32 {
      %parallel_loop3A_752 = arith.constant 0.000000e+00 : f32
      %parallel_loop3A_753 = vector.broadcast %parallel_loop3A_752 : f32 to vector<16xf32>
      %parallel_loop3A_754 = arith.index_cast %parallel_loop3A_751 : i32 to index
      %parallel_loop3A_755 = tpu.vector_load %arg13[%parallel_loop3A_754] {strides = array<i32>} : memref<10240xf32, #tpu.memory_space<vmem>>, vector<16xf32>,
      tpu.vector_store %arg13[%parallel_loop3A_754], %parallel_loop3A_753 {strides = array<i32>} : memref<10240xf32, #tpu.memory_space<vmem>>, vector<16xf32>,
    } {sc.loop_unroll_factor = 16 : i64, sc.parallel_access}
    %parallel_loop3A_262 = arith.constant 0 : i32
    %parallel_loop3A_263 = arith.constant 16 : i32
    scf.for %parallel_loop3A_751 = %parallel_loop3A_262 to %select_n3A step %parallel_loop3A_263  : i32 {
      %parallel_loop3A_752 = arith.index_cast %parallel_loop3A_751 : i32 to index
      %parallel_loop3A_753 = tpu.vector_load %arg8[%parallel_loop3A_752] {strides = array<i32>} : memref<20480xi32, #tpu.memory_space<vmem>>, vector<16xi32>,
      %parallel_loop3A_754 = arith.index_cast %parallel_loop3A_751 : i32 to index
      %parallel_loop3A_755 = tpu.vector_load %arg9[%parallel_loop3A_754] {strides = array<i32>} : memref<20480xi32, #tpu.memory_space<vmem>>, vector<16xi32>,
      %parallel_loop3A_756 = arith.index_cast %parallel_loop3A_751 : i32 to index
      %parallel_loop3A_757 = tpu.vector_load %arg10[%parallel_loop3A_756] {strides = array<i32>} : memref<20480xf32, #tpu.memory_space<vmem>>, vector<16xf32>,
      %parallel_loop3A_758 = tpu.vector_load_idx %arg12[%parallel_loop3A_753] : memref<10240xf32, #tpu.memory_space<vmem>>[vector<16xi32>], vector<16xf32>,
      %parallel_loop3A_759 = arith.mulf %parallel_loop3A_758, %parallel_loop3A_757 : vector<16xf32>
      tpu.vector_store_idx %arg13[%parallel_loop3A_755], %parallel_loop3A_759 {add = true} : memref<10240xf32, #tpu.memory_space<vmem>>[vector<16xi32>], vector<16xf32>,
    } {sc.loop_unroll_factor = 16 : i64, sc.parallel_access}
    %mul3A_264 = arith.constant 10240 : i32
    %mul3A_265 = arith.muli %arg1, %mul3A_264 : i32
    "tpu.region"() ({
      %run_scoped3A = tpu.sem_alloc : memref<!tpu.dma_semaphore, #tpu.memory_space<semaphore_mem>>
      %dma_start3A_751 = tpu.memref_slice %arg19[%mul3A_265] : memref<163840xf32, #tpu.memory_space<vmem_shared>> -> memref<10240xf32, #tpu.memory_space<vmem_shared>>
      %dma_start3A_752 = tpu.memref_slice %arg19[%mul3A_265] : memref<163840xf32, #tpu.memory_space<vmem_shared>> -> memref<10240xf32, #tpu.memory_space<vmem_shared>>
      tpu.enqueue_dma source(%arg13 : memref<10240xf32, #tpu.memory_space<vmem>>) target(%dma_start3A_752 : memref<10240xf32, #tpu.memory_space<vmem_shared>>) target_semaphore(%run_scoped3A : memref<!tpu.dma_semaphore, #tpu.memory_space<semaphore_mem>>)
      %dma_wait3A_753 = tpu.memref_slice %arg19[%mul3A_265] : memref<163840xf32, #tpu.memory_space<vmem_shared>> -> memref<10240xf32, #tpu.memory_space<vmem_shared>>
      %dma_wait3A_754 = tpu.memref_slice %arg19[%mul3A_265] : memref<163840xf32, #tpu.memory_space<vmem_shared>> -> memref<10240xf32, #tpu.memory_space<vmem_shared>>
      tpu.wait_dma2 semaphore(%run_scoped3A : memref<!tpu.dma_semaphore, #tpu.memory_space<semaphore_mem>>) src(%arg13 : memref<10240xf32, #tpu.memory_space<vmem>>) dst(%dma_wait3A_754 : memref<10240xf32, #tpu.memory_space<vmem_shared>>)
      tpu.yield
    }) : () -> ()
    %barrier3A_266 = arith.constant 0 : index
    tpu.barrier barrier_id(%barrier3A_266)
    %add3A_267 = arith.constant 0 : i32
    %add3A_268 = arith.addi %add3A_267, %mul3A_2 : i32
    %dma_start3A_269 = arith.constant 0 : i32
    %dma_start3A_270 = tpu.memref_slice %arg14[%dma_start3A_269] : memref<10240xf32, #tpu.memory_space<vmem>> -> memref<640xf32, #tpu.memory_space<vmem>>
    %dma_start3A_271 = tpu.memref_slice %arg19[%add3A_268] : memref<163840xf32, #tpu.memory_space<vmem_shared>> -> memref<640xf32, #tpu.memory_space<vmem_shared>>
    %dma_start3A_272 = arith.constant 0 : i32
    %dma_start3A_273 = tpu.memref_slice %arg14[%dma_start3A_272] : memref<10240xf32, #tpu.memory_space<vmem>> -> memref<640xf32, #tpu.memory_space<vmem>>
    %dma_start3A_274 = tpu.memref_slice %arg19[%add3A_268] : memref<163840xf32, #tpu.memory_space<vmem_shared>> -> memref<640xf32, #tpu.memory_space<vmem_shared>>
    tpu.enqueue_dma source(%dma_start3A_274 : memref<640xf32, #tpu.memory_space<vmem_shared>>) target(%dma_start3A_273 : memref<640xf32, #tpu.memory_space<vmem>>) target_semaphore(%arg21 : memref<!tpu.dma_semaphore, #tpu.memory_space<semaphore_mem>>)
    %add3A_275 = arith.constant 10240 : i32
    %add3A_276 = arith.addi %add3A_275, %mul3A_2 : i32
    %dma_start3A_277 = arith.constant 640 : i32
    %dma_start3A_278 = tpu.memref_slice %arg14[%dma_start3A_277] : memref<10240xf32, #tpu.memory_space<vmem>> -> memref<640xf32, #tpu.memory_space<vmem>>
    %dma_start3A_279 = tpu.memref_slice %arg19[%add3A_276] : memref<163840xf32, #tpu.memory_space<vmem_shared>> -> memref<640xf32, #tpu.memory_space<vmem_shared>>
    %dma_start3A_280 = arith.constant 640 : i32
    %dma_start3A_281 = tpu.memref_slice %arg14[%dma_start3A_280] : memref<10240xf32, #tpu.memory_space<vmem>> -> memref<640xf32, #tpu.memory_space<vmem>>
    %dma_start3A_282 = tpu.memref_slice %arg19[%add3A_276] : memref<163840xf32, #tpu.memory_space<vmem_shared>> -> memref<640xf32, #tpu.memory_space<vmem_shared>>
    tpu.enqueue_dma source(%dma_start3A_282 : memref<640xf32, #tpu.memory_space<vmem_shared>>) target(%dma_start3A_281 : memref<640xf32, #tpu.memory_space<vmem>>) target_semaphore(%arg21 : memref<!tpu.dma_semaphore, #tpu.memory_space<semaphore_mem>>)
    %add3A_283 = arith.constant 20480 : i32
    %add3A_284 = arith.addi %add3A_283, %mul3A_2 : i32
    %dma_start3A_285 = arith.constant 1280 : i32
    %dma_start3A_286 = tpu.memref_slice %arg14[%dma_start3A_285] : memref<10240xf32, #tpu.memory_space<vmem>> -> memref<640xf32, #tpu.memory_space<vmem>>
    %dma_start3A_287 = tpu.memref_slice %arg19[%add3A_284] : memref<163840xf32, #tpu.memory_space<vmem_shared>> -> memref<640xf32, #tpu.memory_space<vmem_shared>>
    %dma_start3A_288 = arith.constant 1280 : i32
    %dma_start3A_289 = tpu.memref_slice %arg14[%dma_start3A_288] : memref<10240xf32, #tpu.memory_space<vmem>> -> memref<640xf32, #tpu.memory_space<vmem>>
    %dma_start3A_290 = tpu.memref_slice %arg19[%add3A_284] : memref<163840xf32, #tpu.memory_space<vmem_shared>> -> memref<640xf32, #tpu.memory_space<vmem_shared>>
    tpu.enqueue_dma source(%dma_start3A_290 : memref<640xf32, #tpu.memory_space<vmem_shared>>) target(%dma_start3A_289 : memref<640xf32, #tpu.memory_space<vmem>>) target_semaphore(%arg21 : memref<!tpu.dma_semaphore, #tpu.memory_space<semaphore_mem>>)
    %add3A_291 = arith.constant 30720 : i32
    %add3A_292 = arith.addi %add3A_291, %mul3A_2 : i32
    %dma_start3A_293 = arith.constant 1920 : i32
    %dma_start3A_294 = tpu.memref_slice %arg14[%dma_start3A_293] : memref<10240xf32, #tpu.memory_space<vmem>> -> memref<640xf32, #tpu.memory_space<vmem>>
    %dma_start3A_295 = tpu.memref_slice %arg19[%add3A_292] : memref<163840xf32, #tpu.memory_space<vmem_shared>> -> memref<640xf32, #tpu.memory_space<vmem_shared>>
    %dma_start3A_296 = arith.constant 1920 : i32
    %dma_start3A_297 = tpu.memref_slice %arg14[%dma_start3A_296] : memref<10240xf32, #tpu.memory_space<vmem>> -> memref<640xf32, #tpu.memory_space<vmem>>
    %dma_start3A_298 = tpu.memref_slice %arg19[%add3A_292] : memref<163840xf32, #tpu.memory_space<vmem_shared>> -> memref<640xf32, #tpu.memory_space<vmem_shared>>
    tpu.enqueue_dma source(%dma_start3A_298 : memref<640xf32, #tpu.memory_space<vmem_shared>>) target(%dma_start3A_297 : memref<640xf32, #tpu.memory_space<vmem>>) target_semaphore(%arg21 : memref<!tpu.dma_semaphore, #tpu.memory_space<semaphore_mem>>)
    %add3A_299 = arith.constant 40960 : i32
    %add3A_300 = arith.addi %add3A_299, %mul3A_2 : i32
    %dma_start3A_301 = arith.constant 2560 : i32
    %dma_start3A_302 = tpu.memref_slice %arg14[%dma_start3A_301] : memref<10240xf32, #tpu.memory_space<vmem>> -> memref<640xf32, #tpu.memory_space<vmem>>
    %dma_start3A_303 = tpu.memref_slice %arg19[%add3A_300] : memref<163840xf32, #tpu.memory_space<vmem_shared>> -> memref<640xf32, #tpu.memory_space<vmem_shared>>
    %dma_start3A_304 = arith.constant 2560 : i32
    %dma_start3A_305 = tpu.memref_slice %arg14[%dma_start3A_304] : memref<10240xf32, #tpu.memory_space<vmem>> -> memref<640xf32, #tpu.memory_space<vmem>>
    %dma_start3A_306 = tpu.memref_slice %arg19[%add3A_300] : memref<163840xf32, #tpu.memory_space<vmem_shared>> -> memref<640xf32, #tpu.memory_space<vmem_shared>>
    tpu.enqueue_dma source(%dma_start3A_306 : memref<640xf32, #tpu.memory_space<vmem_shared>>) target(%dma_start3A_305 : memref<640xf32, #tpu.memory_space<vmem>>) target_semaphore(%arg21 : memref<!tpu.dma_semaphore, #tpu.memory_space<semaphore_mem>>)
    %add3A_307 = arith.constant 51200 : i32
    %add3A_308 = arith.addi %add3A_307, %mul3A_2 : i32
    %dma_start3A_309 = arith.constant 3200 : i32
    %dma_start3A_310 = tpu.memref_slice %arg14[%dma_start3A_309] : memref<10240xf32, #tpu.memory_space<vmem>> -> memref<640xf32, #tpu.memory_space<vmem>>
    %dma_start3A_311 = tpu.memref_slice %arg19[%add3A_308] : memref<163840xf32, #tpu.memory_space<vmem_shared>> -> memref<640xf32, #tpu.memory_space<vmem_shared>>
    %dma_start3A_312 = arith.constant 3200 : i32
    %dma_start3A_313 = tpu.memref_slice %arg14[%dma_start3A_312] : memref<10240xf32, #tpu.memory_space<vmem>> -> memref<640xf32, #tpu.memory_space<vmem>>
    %dma_start3A_314 = tpu.memref_slice %arg19[%add3A_308] : memref<163840xf32, #tpu.memory_space<vmem_shared>> -> memref<640xf32, #tpu.memory_space<vmem_shared>>
    tpu.enqueue_dma source(%dma_start3A_314 : memref<640xf32, #tpu.memory_space<vmem_shared>>) target(%dma_start3A_313 : memref<640xf32, #tpu.memory_space<vmem>>) target_semaphore(%arg21 : memref<!tpu.dma_semaphore, #tpu.memory_space<semaphore_mem>>)
    %add3A_315 = arith.constant 61440 : i32
    %add3A_316 = arith.addi %add3A_315, %mul3A_2 : i32
    %dma_start3A_317 = arith.constant 3840 : i32
    %dma_start3A_318 = tpu.memref_slice %arg14[%dma_start3A_317] : memref<10240xf32, #tpu.memory_space<vmem>> -> memref<640xf32, #tpu.memory_space<vmem>>
    %dma_start3A_319 = tpu.memref_slice %arg19[%add3A_316] : memref<163840xf32, #tpu.memory_space<vmem_shared>> -> memref<640xf32, #tpu.memory_space<vmem_shared>>
    %dma_start3A_320 = arith.constant 3840 : i32
    %dma_start3A_321 = tpu.memref_slice %arg14[%dma_start3A_320] : memref<10240xf32, #tpu.memory_space<vmem>> -> memref<640xf32, #tpu.memory_space<vmem>>
    %dma_start3A_322 = tpu.memref_slice %arg19[%add3A_316] : memref<163840xf32, #tpu.memory_space<vmem_shared>> -> memref<640xf32, #tpu.memory_space<vmem_shared>>
    tpu.enqueue_dma source(%dma_start3A_322 : memref<640xf32, #tpu.memory_space<vmem_shared>>) target(%dma_start3A_321 : memref<640xf32, #tpu.memory_space<vmem>>) target_semaphore(%arg21 : memref<!tpu.dma_semaphore, #tpu.memory_space<semaphore_mem>>)
    %add3A_323 = arith.constant 71680 : i32
    %add3A_324 = arith.addi %add3A_323, %mul3A_2 : i32
    %dma_start3A_325 = arith.constant 4480 : i32
    %dma_start3A_326 = tpu.memref_slice %arg14[%dma_start3A_325] : memref<10240xf32, #tpu.memory_space<vmem>> -> memref<640xf32, #tpu.memory_space<vmem>>
    %dma_start3A_327 = tpu.memref_slice %arg19[%add3A_324] : memref<163840xf32, #tpu.memory_space<vmem_shared>> -> memref<640xf32, #tpu.memory_space<vmem_shared>>
    %dma_start3A_328 = arith.constant 4480 : i32
    %dma_start3A_329 = tpu.memref_slice %arg14[%dma_start3A_328] : memref<10240xf32, #tpu.memory_space<vmem>> -> memref<640xf32, #tpu.memory_space<vmem>>
    %dma_start3A_330 = tpu.memref_slice %arg19[%add3A_324] : memref<163840xf32, #tpu.memory_space<vmem_shared>> -> memref<640xf32, #tpu.memory_space<vmem_shared>>
    tpu.enqueue_dma source(%dma_start3A_330 : memref<640xf32, #tpu.memory_space<vmem_shared>>) target(%dma_start3A_329 : memref<640xf32, #tpu.memory_space<vmem>>) target_semaphore(%arg21 : memref<!tpu.dma_semaphore, #tpu.memory_space<semaphore_mem>>)
    %add3A_331 = arith.constant 81920 : i32
    %add3A_332 = arith.addi %add3A_331, %mul3A_2 : i32
    %dma_start3A_333 = arith.constant 5120 : i32
    %dma_start3A_334 = tpu.memref_slice %arg14[%dma_start3A_333] : memref<10240xf32, #tpu.memory_space<vmem>> -> memref<640xf32, #tpu.memory_space<vmem>>
    %dma_start3A_335 = tpu.memref_slice %arg19[%add3A_332] : memref<163840xf32, #tpu.memory_space<vmem_shared>> -> memref<640xf32, #tpu.memory_space<vmem_shared>>
    %dma_start3A_336 = arith.constant 5120 : i32
    %dma_start3A_337 = tpu.memref_slice %arg14[%dma_start3A_336] : memref<10240xf32, #tpu.memory_space<vmem>> -> memref<640xf32, #tpu.memory_space<vmem>>
    %dma_start3A_338 = tpu.memref_slice %arg19[%add3A_332] : memref<163840xf32, #tpu.memory_space<vmem_shared>> -> memref<640xf32, #tpu.memory_space<vmem_shared>>
    tpu.enqueue_dma source(%dma_start3A_338 : memref<640xf32, #tpu.memory_space<vmem_shared>>) target(%dma_start3A_337 : memref<640xf32, #tpu.memory_space<vmem>>) target_semaphore(%arg21 : memref<!tpu.dma_semaphore, #tpu.memory_space<semaphore_mem>>)
    %add3A_339 = arith.constant 92160 : i32
    %add3A_340 = arith.addi %add3A_339, %mul3A_2 : i32
    %dma_start3A_341 = arith.constant 5760 : i32
    %dma_start3A_342 = tpu.memref_slice %arg14[%dma_start3A_341] : memref<10240xf32, #tpu.memory_space<vmem>> -> memref<640xf32, #tpu.memory_space<vmem>>
    %dma_start3A_343 = tpu.memref_slice %arg19[%add3A_340] : memref<163840xf32, #tpu.memory_space<vmem_shared>> -> memref<640xf32, #tpu.memory_space<vmem_shared>>
    %dma_start3A_344 = arith.constant 5760 : i32
    %dma_start3A_345 = tpu.memref_slice %arg14[%dma_start3A_344] : memref<10240xf32, #tpu.memory_space<vmem>> -> memref<640xf32, #tpu.memory_space<vmem>>
    %dma_start3A_346 = tpu.memref_slice %arg19[%add3A_340] : memref<163840xf32, #tpu.memory_space<vmem_shared>> -> memref<640xf32, #tpu.memory_space<vmem_shared>>
    tpu.enqueue_dma source(%dma_start3A_346 : memref<640xf32, #tpu.memory_space<vmem_shared>>) target(%dma_start3A_345 : memref<640xf32, #tpu.memory_space<vmem>>) target_semaphore(%arg21 : memref<!tpu.dma_semaphore, #tpu.memory_space<semaphore_mem>>)
    %add3A_347 = arith.constant 102400 : i32
    %add3A_348 = arith.addi %add3A_347, %mul3A_2 : i32
    %dma_start3A_349 = arith.constant 6400 : i32
    %dma_start3A_350 = tpu.memref_slice %arg14[%dma_start3A_349] : memref<10240xf32, #tpu.memory_space<vmem>> -> memref<640xf32, #tpu.memory_space<vmem>>
    %dma_start3A_351 = tpu.memref_slice %arg19[%add3A_348] : memref<163840xf32, #tpu.memory_space<vmem_shared>> -> memref<640xf32, #tpu.memory_space<vmem_shared>>
    %dma_start3A_352 = arith.constant 6400 : i32
    %dma_start3A_353 = tpu.memref_slice %arg14[%dma_start3A_352] : memref<10240xf32, #tpu.memory_space<vmem>> -> memref<640xf32, #tpu.memory_space<vmem>>
    %dma_start3A_354 = tpu.memref_slice %arg19[%add3A_348] : memref<163840xf32, #tpu.memory_space<vmem_shared>> -> memref<640xf32, #tpu.memory_space<vmem_shared>>
    tpu.enqueue_dma source(%dma_start3A_354 : memref<640xf32, #tpu.memory_space<vmem_shared>>) target(%dma_start3A_353 : memref<640xf32, #tpu.memory_space<vmem>>) target_semaphore(%arg21 : memref<!tpu.dma_semaphore, #tpu.memory_space<semaphore_mem>>)
    %add3A_355 = arith.constant 112640 : i32
    %add3A_356 = arith.addi %add3A_355, %mul3A_2 : i32
    %dma_start3A_357 = arith.constant 7040 : i32
    %dma_start3A_358 = tpu.memref_slice %arg14[%dma_start3A_357] : memref<10240xf32, #tpu.memory_space<vmem>> -> memref<640xf32, #tpu.memory_space<vmem>>
    %dma_start3A_359 = tpu.memref_slice %arg19[%add3A_356] : memref<163840xf32, #tpu.memory_space<vmem_shared>> -> memref<640xf32, #tpu.memory_space<vmem_shared>>
    %dma_start3A_360 = arith.constant 7040 : i32
    %dma_start3A_361 = tpu.memref_slice %arg14[%dma_start3A_360] : memref<10240xf32, #tpu.memory_space<vmem>> -> memref<640xf32, #tpu.memory_space<vmem>>
    %dma_start3A_362 = tpu.memref_slice %arg19[%add3A_356] : memref<163840xf32, #tpu.memory_space<vmem_shared>> -> memref<640xf32, #tpu.memory_space<vmem_shared>>
    tpu.enqueue_dma source(%dma_start3A_362 : memref<640xf32, #tpu.memory_space<vmem_shared>>) target(%dma_start3A_361 : memref<640xf32, #tpu.memory_space<vmem>>) target_semaphore(%arg21 : memref<!tpu.dma_semaphore, #tpu.memory_space<semaphore_mem>>)
    %add3A_363 = arith.constant 122880 : i32
    %add3A_364 = arith.addi %add3A_363, %mul3A_2 : i32
    %dma_start3A_365 = arith.constant 7680 : i32
    %dma_start3A_366 = tpu.memref_slice %arg14[%dma_start3A_365] : memref<10240xf32, #tpu.memory_space<vmem>> -> memref<640xf32, #tpu.memory_space<vmem>>
    %dma_start3A_367 = tpu.memref_slice %arg19[%add3A_364] : memref<163840xf32, #tpu.memory_space<vmem_shared>> -> memref<640xf32, #tpu.memory_space<vmem_shared>>
    %dma_start3A_368 = arith.constant 7680 : i32
    %dma_start3A_369 = tpu.memref_slice %arg14[%dma_start3A_368] : memref<10240xf32, #tpu.memory_space<vmem>> -> memref<640xf32, #tpu.memory_space<vmem>>
    %dma_start3A_370 = tpu.memref_slice %arg19[%add3A_364] : memref<163840xf32, #tpu.memory_space<vmem_shared>> -> memref<640xf32, #tpu.memory_space<vmem_shared>>
    tpu.enqueue_dma source(%dma_start3A_370 : memref<640xf32, #tpu.memory_space<vmem_shared>>) target(%dma_start3A_369 : memref<640xf32, #tpu.memory_space<vmem>>) target_semaphore(%arg21 : memref<!tpu.dma_semaphore, #tpu.memory_space<semaphore_mem>>)
    %add3A_371 = arith.constant 133120 : i32
    %add3A_372 = arith.addi %add3A_371, %mul3A_2 : i32
    %dma_start3A_373 = arith.constant 8320 : i32
    %dma_start3A_374 = tpu.memref_slice %arg14[%dma_start3A_373] : memref<10240xf32, #tpu.memory_space<vmem>> -> memref<640xf32, #tpu.memory_space<vmem>>
    %dma_start3A_375 = tpu.memref_slice %arg19[%add3A_372] : memref<163840xf32, #tpu.memory_space<vmem_shared>> -> memref<640xf32, #tpu.memory_space<vmem_shared>>
    %dma_start3A_376 = arith.constant 8320 : i32
    %dma_start3A_377 = tpu.memref_slice %arg14[%dma_start3A_376] : memref<10240xf32, #tpu.memory_space<vmem>> -> memref<640xf32, #tpu.memory_space<vmem>>
    %dma_start3A_378 = tpu.memref_slice %arg19[%add3A_372] : memref<163840xf32, #tpu.memory_space<vmem_shared>> -> memref<640xf32, #tpu.memory_space<vmem_shared>>
    tpu.enqueue_dma source(%dma_start3A_378 : memref<640xf32, #tpu.memory_space<vmem_shared>>) target(%dma_start3A_377 : memref<640xf32, #tpu.memory_space<vmem>>) target_semaphore(%arg21 : memref<!tpu.dma_semaphore, #tpu.memory_space<semaphore_mem>>)
    %add3A_379 = arith.constant 143360 : i32
    %add3A_380 = arith.addi %add3A_379, %mul3A_2 : i32
    %dma_start3A_381 = arith.constant 8960 : i32
    %dma_start3A_382 = tpu.memref_slice %arg14[%dma_start3A_381] : memref<10240xf32, #tpu.memory_space<vmem>> -> memref<640xf32, #tpu.memory_space<vmem>>
    %dma_start3A_383 = tpu.memref_slice %arg19[%add3A_380] : memref<163840xf32, #tpu.memory_space<vmem_shared>> -> memref<640xf32, #tpu.memory_space<vmem_shared>>
    %dma_start3A_384 = arith.constant 8960 : i32
    %dma_start3A_385 = tpu.memref_slice %arg14[%dma_start3A_384] : memref<10240xf32, #tpu.memory_space<vmem>> -> memref<640xf32, #tpu.memory_space<vmem>>
    %dma_start3A_386 = tpu.memref_slice %arg19[%add3A_380] : memref<163840xf32, #tpu.memory_space<vmem_shared>> -> memref<640xf32, #tpu.memory_space<vmem_shared>>
    tpu.enqueue_dma source(%dma_start3A_386 : memref<640xf32, #tpu.memory_space<vmem_shared>>) target(%dma_start3A_385 : memref<640xf32, #tpu.memory_space<vmem>>) target_semaphore(%arg21 : memref<!tpu.dma_semaphore, #tpu.memory_space<semaphore_mem>>)
    %add3A_387 = arith.constant 153600 : i32
    %add3A_388 = arith.addi %add3A_387, %mul3A_2 : i32
    %dma_start3A_389 = arith.constant 9600 : i32
    %dma_start3A_390 = tpu.memref_slice %arg14[%dma_start3A_389] : memref<10240xf32, #tpu.memory_space<vmem>> -> memref<640xf32, #tpu.memory_space<vmem>>
    %dma_start3A_391 = tpu.memref_slice %arg19[%add3A_388] : memref<163840xf32, #tpu.memory_space<vmem_shared>> -> memref<640xf32, #tpu.memory_space<vmem_shared>>
    %dma_start3A_392 = arith.constant 9600 : i32
    %dma_start3A_393 = tpu.memref_slice %arg14[%dma_start3A_392] : memref<10240xf32, #tpu.memory_space<vmem>> -> memref<640xf32, #tpu.memory_space<vmem>>
    %dma_start3A_394 = tpu.memref_slice %arg19[%add3A_388] : memref<163840xf32, #tpu.memory_space<vmem_shared>> -> memref<640xf32, #tpu.memory_space<vmem_shared>>
    tpu.enqueue_dma source(%dma_start3A_394 : memref<640xf32, #tpu.memory_space<vmem_shared>>) target(%dma_start3A_393 : memref<640xf32, #tpu.memory_space<vmem>>) target_semaphore(%arg21 : memref<!tpu.dma_semaphore, #tpu.memory_space<semaphore_mem>>)
    %dma_wait3A_395 = arith.constant 0 : i32
    %dma_wait3A_396 = tpu.memref_slice %arg14[%dma_wait3A_395] : memref<10240xf32, #tpu.memory_space<vmem>> -> memref<640xf32, #tpu.memory_space<vmem>>
    %dma_wait3A_397 = tpu.memref_slice %arg19[%add3A_268] : memref<163840xf32, #tpu.memory_space<vmem_shared>> -> memref<640xf32, #tpu.memory_space<vmem_shared>>
    %dma_wait3A_398 = arith.constant 0 : i32
    %dma_wait3A_399 = tpu.memref_slice %arg14[%dma_wait3A_398] : memref<10240xf32, #tpu.memory_space<vmem>> -> memref<640xf32, #tpu.memory_space<vmem>>
    %dma_wait3A_400 = tpu.memref_slice %arg19[%add3A_268] : memref<163840xf32, #tpu.memory_space<vmem_shared>> -> memref<640xf32, #tpu.memory_space<vmem_shared>>
    tpu.wait_dma2 semaphore(%arg21 : memref<!tpu.dma_semaphore, #tpu.memory_space<semaphore_mem>>) src(%dma_wait3A_400 : memref<640xf32, #tpu.memory_space<vmem_shared>>) dst(%dma_wait3A_399 : memref<640xf32, #tpu.memory_space<vmem>>)
    %dma_wait3A_401 = arith.constant 640 : i32
    %dma_wait3A_402 = tpu.memref_slice %arg14[%dma_wait3A_401] : memref<10240xf32, #tpu.memory_space<vmem>> -> memref<640xf32, #tpu.memory_space<vmem>>
    %dma_wait3A_403 = tpu.memref_slice %arg19[%add3A_276] : memref<163840xf32, #tpu.memory_space<vmem_shared>> -> memref<640xf32, #tpu.memory_space<vmem_shared>>
    %dma_wait3A_404 = arith.constant 640 : i32
    %dma_wait3A_405 = tpu.memref_slice %arg14[%dma_wait3A_404] : memref<10240xf32, #tpu.memory_space<vmem>> -> memref<640xf32, #tpu.memory_space<vmem>>
    %dma_wait3A_406 = tpu.memref_slice %arg19[%add3A_276] : memref<163840xf32, #tpu.memory_space<vmem_shared>> -> memref<640xf32, #tpu.memory_space<vmem_shared>>
    tpu.wait_dma2 semaphore(%arg21 : memref<!tpu.dma_semaphore, #tpu.memory_space<semaphore_mem>>) src(%dma_wait3A_406 : memref<640xf32, #tpu.memory_space<vmem_shared>>) dst(%dma_wait3A_405 : memref<640xf32, #tpu.memory_space<vmem>>)
    %dma_wait3A_407 = arith.constant 1280 : i32
    %dma_wait3A_408 = tpu.memref_slice %arg14[%dma_wait3A_407] : memref<10240xf32, #tpu.memory_space<vmem>> -> memref<640xf32, #tpu.memory_space<vmem>>
    %dma_wait3A_409 = tpu.memref_slice %arg19[%add3A_284] : memref<163840xf32, #tpu.memory_space<vmem_shared>> -> memref<640xf32, #tpu.memory_space<vmem_shared>>
    %dma_wait3A_410 = arith.constant 1280 : i32
    %dma_wait3A_411 = tpu.memref_slice %arg14[%dma_wait3A_410] : memref<10240xf32, #tpu.memory_space<vmem>> -> memref<640xf32, #tpu.memory_space<vmem>>
    %dma_wait3A_412 = tpu.memref_slice %arg19[%add3A_284] : memref<163840xf32, #tpu.memory_space<vmem_shared>> -> memref<640xf32, #tpu.memory_space<vmem_shared>>
    tpu.wait_dma2 semaphore(%arg21 : memref<!tpu.dma_semaphore, #tpu.memory_space<semaphore_mem>>) src(%dma_wait3A_412 : memref<640xf32, #tpu.memory_space<vmem_shared>>) dst(%dma_wait3A_411 : memref<640xf32, #tpu.memory_space<vmem>>)
    %dma_wait3A_413 = arith.constant 1920 : i32
    %dma_wait3A_414 = tpu.memref_slice %arg14[%dma_wait3A_413] : memref<10240xf32, #tpu.memory_space<vmem>> -> memref<640xf32, #tpu.memory_space<vmem>>
    %dma_wait3A_415 = tpu.memref_slice %arg19[%add3A_292] : memref<163840xf32, #tpu.memory_space<vmem_shared>> -> memref<640xf32, #tpu.memory_space<vmem_shared>>
    %dma_wait3A_416 = arith.constant 1920 : i32
    %dma_wait3A_417 = tpu.memref_slice %arg14[%dma_wait3A_416] : memref<10240xf32, #tpu.memory_space<vmem>> -> memref<640xf32, #tpu.memory_space<vmem>>
    %dma_wait3A_418 = tpu.memref_slice %arg19[%add3A_292] : memref<163840xf32, #tpu.memory_space<vmem_shared>> -> memref<640xf32, #tpu.memory_space<vmem_shared>>
    tpu.wait_dma2 semaphore(%arg21 : memref<!tpu.dma_semaphore, #tpu.memory_space<semaphore_mem>>) src(%dma_wait3A_418 : memref<640xf32, #tpu.memory_space<vmem_shared>>) dst(%dma_wait3A_417 : memref<640xf32, #tpu.memory_space<vmem>>)
    %dma_wait3A_419 = arith.constant 2560 : i32
    %dma_wait3A_420 = tpu.memref_slice %arg14[%dma_wait3A_419] : memref<10240xf32, #tpu.memory_space<vmem>> -> memref<640xf32, #tpu.memory_space<vmem>>
    %dma_wait3A_421 = tpu.memref_slice %arg19[%add3A_300] : memref<163840xf32, #tpu.memory_space<vmem_shared>> -> memref<640xf32, #tpu.memory_space<vmem_shared>>
    %dma_wait3A_422 = arith.constant 2560 : i32
    %dma_wait3A_423 = tpu.memref_slice %arg14[%dma_wait3A_422] : memref<10240xf32, #tpu.memory_space<vmem>> -> memref<640xf32, #tpu.memory_space<vmem>>
    %dma_wait3A_424 = tpu.memref_slice %arg19[%add3A_300] : memref<163840xf32, #tpu.memory_space<vmem_shared>> -> memref<640xf32, #tpu.memory_space<vmem_shared>>
    tpu.wait_dma2 semaphore(%arg21 : memref<!tpu.dma_semaphore, #tpu.memory_space<semaphore_mem>>) src(%dma_wait3A_424 : memref<640xf32, #tpu.memory_space<vmem_shared>>) dst(%dma_wait3A_423 : memref<640xf32, #tpu.memory_space<vmem>>)
    %dma_wait3A_425 = arith.constant 3200 : i32
    %dma_wait3A_426 = tpu.memref_slice %arg14[%dma_wait3A_425] : memref<10240xf32, #tpu.memory_space<vmem>> -> memref<640xf32, #tpu.memory_space<vmem>>
    %dma_wait3A_427 = tpu.memref_slice %arg19[%add3A_308] : memref<163840xf32, #tpu.memory_space<vmem_shared>> -> memref<640xf32, #tpu.memory_space<vmem_shared>>
    %dma_wait3A_428 = arith.constant 3200 : i32
    %dma_wait3A_429 = tpu.memref_slice %arg14[%dma_wait3A_428] : memref<10240xf32, #tpu.memory_space<vmem>> -> memref<640xf32, #tpu.memory_space<vmem>>
    %dma_wait3A_430 = tpu.memref_slice %arg19[%add3A_308] : memref<163840xf32, #tpu.memory_space<vmem_shared>> -> memref<640xf32, #tpu.memory_space<vmem_shared>>
    tpu.wait_dma2 semaphore(%arg21 : memref<!tpu.dma_semaphore, #tpu.memory_space<semaphore_mem>>) src(%dma_wait3A_430 : memref<640xf32, #tpu.memory_space<vmem_shared>>) dst(%dma_wait3A_429 : memref<640xf32, #tpu.memory_space<vmem>>)
    %dma_wait3A_431 = arith.constant 3840 : i32
    %dma_wait3A_432 = tpu.memref_slice %arg14[%dma_wait3A_431] : memref<10240xf32, #tpu.memory_space<vmem>> -> memref<640xf32, #tpu.memory_space<vmem>>
    %dma_wait3A_433 = tpu.memref_slice %arg19[%add3A_316] : memref<163840xf32, #tpu.memory_space<vmem_shared>> -> memref<640xf32, #tpu.memory_space<vmem_shared>>
    %dma_wait3A_434 = arith.constant 3840 : i32
    %dma_wait3A_435 = tpu.memref_slice %arg14[%dma_wait3A_434] : memref<10240xf32, #tpu.memory_space<vmem>> -> memref<640xf32, #tpu.memory_space<vmem>>
    %dma_wait3A_436 = tpu.memref_slice %arg19[%add3A_316] : memref<163840xf32, #tpu.memory_space<vmem_shared>> -> memref<640xf32, #tpu.memory_space<vmem_shared>>
    tpu.wait_dma2 semaphore(%arg21 : memref<!tpu.dma_semaphore, #tpu.memory_space<semaphore_mem>>) src(%dma_wait3A_436 : memref<640xf32, #tpu.memory_space<vmem_shared>>) dst(%dma_wait3A_435 : memref<640xf32, #tpu.memory_space<vmem>>)
    %dma_wait3A_437 = arith.constant 4480 : i32
    %dma_wait3A_438 = tpu.memref_slice %arg14[%dma_wait3A_437] : memref<10240xf32, #tpu.memory_space<vmem>> -> memref<640xf32, #tpu.memory_space<vmem>>
    %dma_wait3A_439 = tpu.memref_slice %arg19[%add3A_324] : memref<163840xf32, #tpu.memory_space<vmem_shared>> -> memref<640xf32, #tpu.memory_space<vmem_shared>>
    %dma_wait3A_440 = arith.constant 4480 : i32
    %dma_wait3A_441 = tpu.memref_slice %arg14[%dma_wait3A_440] : memref<10240xf32, #tpu.memory_space<vmem>> -> memref<640xf32, #tpu.memory_space<vmem>>
    %dma_wait3A_442 = tpu.memref_slice %arg19[%add3A_324] : memref<163840xf32, #tpu.memory_space<vmem_shared>> -> memref<640xf32, #tpu.memory_space<vmem_shared>>
    tpu.wait_dma2 semaphore(%arg21 : memref<!tpu.dma_semaphore, #tpu.memory_space<semaphore_mem>>) src(%dma_wait3A_442 : memref<640xf32, #tpu.memory_space<vmem_shared>>) dst(%dma_wait3A_441 : memref<640xf32, #tpu.memory_space<vmem>>)
    %dma_wait3A_443 = arith.constant 5120 : i32
    %dma_wait3A_444 = tpu.memref_slice %arg14[%dma_wait3A_443] : memref<10240xf32, #tpu.memory_space<vmem>> -> memref<640xf32, #tpu.memory_space<vmem>>
    %dma_wait3A_445 = tpu.memref_slice %arg19[%add3A_332] : memref<163840xf32, #tpu.memory_space<vmem_shared>> -> memref<640xf32, #tpu.memory_space<vmem_shared>>
    %dma_wait3A_446 = arith.constant 5120 : i32
    %dma_wait3A_447 = tpu.memref_slice %arg14[%dma_wait3A_446] : memref<10240xf32, #tpu.memory_space<vmem>> -> memref<640xf32, #tpu.memory_space<vmem>>
    %dma_wait3A_448 = tpu.memref_slice %arg19[%add3A_332] : memref<163840xf32, #tpu.memory_space<vmem_shared>> -> memref<640xf32, #tpu.memory_space<vmem_shared>>
    tpu.wait_dma2 semaphore(%arg21 : memref<!tpu.dma_semaphore, #tpu.memory_space<semaphore_mem>>) src(%dma_wait3A_448 : memref<640xf32, #tpu.memory_space<vmem_shared>>) dst(%dma_wait3A_447 : memref<640xf32, #tpu.memory_space<vmem>>)
    %dma_wait3A_449 = arith.constant 5760 : i32
    %dma_wait3A_450 = tpu.memref_slice %arg14[%dma_wait3A_449] : memref<10240xf32, #tpu.memory_space<vmem>> -> memref<640xf32, #tpu.memory_space<vmem>>
    %dma_wait3A_451 = tpu.memref_slice %arg19[%add3A_340] : memref<163840xf32, #tpu.memory_space<vmem_shared>> -> memref<640xf32, #tpu.memory_space<vmem_shared>>
    %dma_wait3A_452 = arith.constant 5760 : i32
    %dma_wait3A_453 = tpu.memref_slice %arg14[%dma_wait3A_452] : memref<10240xf32, #tpu.memory_space<vmem>> -> memref<640xf32, #tpu.memory_space<vmem>>
    %dma_wait3A_454 = tpu.memref_slice %arg19[%add3A_340] : memref<163840xf32, #tpu.memory_space<vmem_shared>> -> memref<640xf32, #tpu.memory_space<vmem_shared>>
    tpu.wait_dma2 semaphore(%arg21 : memref<!tpu.dma_semaphore, #tpu.memory_space<semaphore_mem>>) src(%dma_wait3A_454 : memref<640xf32, #tpu.memory_space<vmem_shared>>) dst(%dma_wait3A_453 : memref<640xf32, #tpu.memory_space<vmem>>)
    %dma_wait3A_455 = arith.constant 6400 : i32
    %dma_wait3A_456 = tpu.memref_slice %arg14[%dma_wait3A_455] : memref<10240xf32, #tpu.memory_space<vmem>> -> memref<640xf32, #tpu.memory_space<vmem>>
    %dma_wait3A_457 = tpu.memref_slice %arg19[%add3A_348] : memref<163840xf32, #tpu.memory_space<vmem_shared>> -> memref<640xf32, #tpu.memory_space<vmem_shared>>
    %dma_wait3A_458 = arith.constant 6400 : i32
    %dma_wait3A_459 = tpu.memref_slice %arg14[%dma_wait3A_458] : memref<10240xf32, #tpu.memory_space<vmem>> -> memref<640xf32, #tpu.memory_space<vmem>>
    %dma_wait3A_460 = tpu.memref_slice %arg19[%add3A_348] : memref<163840xf32, #tpu.memory_space<vmem_shared>> -> memref<640xf32, #tpu.memory_space<vmem_shared>>
    tpu.wait_dma2 semaphore(%arg21 : memref<!tpu.dma_semaphore, #tpu.memory_space<semaphore_mem>>) src(%dma_wait3A_460 : memref<640xf32, #tpu.memory_space<vmem_shared>>) dst(%dma_wait3A_459 : memref<640xf32, #tpu.memory_space<vmem>>)
    %dma_wait3A_461 = arith.constant 7040 : i32
    %dma_wait3A_462 = tpu.memref_slice %arg14[%dma_wait3A_461] : memref<10240xf32, #tpu.memory_space<vmem>> -> memref<640xf32, #tpu.memory_space<vmem>>
    %dma_wait3A_463 = tpu.memref_slice %arg19[%add3A_356] : memref<163840xf32, #tpu.memory_space<vmem_shared>> -> memref<640xf32, #tpu.memory_space<vmem_shared>>
    %dma_wait3A_464 = arith.constant 7040 : i32
    %dma_wait3A_465 = tpu.memref_slice %arg14[%dma_wait3A_464] : memref<10240xf32, #tpu.memory_space<vmem>> -> memref<640xf32, #tpu.memory_space<vmem>>
    %dma_wait3A_466 = tpu.memref_slice %arg19[%add3A_356] : memref<163840xf32, #tpu.memory_space<vmem_shared>> -> memref<640xf32, #tpu.memory_space<vmem_shared>>
    tpu.wait_dma2 semaphore(%arg21 : memref<!tpu.dma_semaphore, #tpu.memory_space<semaphore_mem>>) src(%dma_wait3A_466 : memref<640xf32, #tpu.memory_space<vmem_shared>>) dst(%dma_wait3A_465 : memref<640xf32, #tpu.memory_space<vmem>>)
    %dma_wait3A_467 = arith.constant 7680 : i32
    %dma_wait3A_468 = tpu.memref_slice %arg14[%dma_wait3A_467] : memref<10240xf32, #tpu.memory_space<vmem>> -> memref<640xf32, #tpu.memory_space<vmem>>
    %dma_wait3A_469 = tpu.memref_slice %arg19[%add3A_364] : memref<163840xf32, #tpu.memory_space<vmem_shared>> -> memref<640xf32, #tpu.memory_space<vmem_shared>>
    %dma_wait3A_470 = arith.constant 7680 : i32
    %dma_wait3A_471 = tpu.memref_slice %arg14[%dma_wait3A_470] : memref<10240xf32, #tpu.memory_space<vmem>> -> memref<640xf32, #tpu.memory_space<vmem>>
    %dma_wait3A_472 = tpu.memref_slice %arg19[%add3A_364] : memref<163840xf32, #tpu.memory_space<vmem_shared>> -> memref<640xf32, #tpu.memory_space<vmem_shared>>
    tpu.wait_dma2 semaphore(%arg21 : memref<!tpu.dma_semaphore, #tpu.memory_space<semaphore_mem>>) src(%dma_wait3A_472 : memref<640xf32, #tpu.memory_space<vmem_shared>>) dst(%dma_wait3A_471 : memref<640xf32, #tpu.memory_space<vmem>>)
    %dma_wait3A_473 = arith.constant 8320 : i32
    %dma_wait3A_474 = tpu.memref_slice %arg14[%dma_wait3A_473] : memref<10240xf32, #tpu.memory_space<vmem>> -> memref<640xf32, #tpu.memory_space<vmem>>
    %dma_wait3A_475 = tpu.memref_slice %arg19[%add3A_372] : memref<163840xf32, #tpu.memory_space<vmem_shared>> -> memref<640xf32, #tpu.memory_space<vmem_shared>>
    %dma_wait3A_476 = arith.constant 8320 : i32
    %dma_wait3A_477 = tpu.memref_slice %arg14[%dma_wait3A_476] : memref<10240xf32, #tpu.memory_space<vmem>> -> memref<640xf32, #tpu.memory_space<vmem>>
    %dma_wait3A_478 = tpu.memref_slice %arg19[%add3A_372] : memref<163840xf32, #tpu.memory_space<vmem_shared>> -> memref<640xf32, #tpu.memory_space<vmem_shared>>
    tpu.wait_dma2 semaphore(%arg21 : memref<!tpu.dma_semaphore, #tpu.memory_space<semaphore_mem>>) src(%dma_wait3A_478 : memref<640xf32, #tpu.memory_space<vmem_shared>>) dst(%dma_wait3A_477 : memref<640xf32, #tpu.memory_space<vmem>>)
    %dma_wait3A_479 = arith.constant 8960 : i32
    %dma_wait3A_480 = tpu.memref_slice %arg14[%dma_wait3A_479] : memref<10240xf32, #tpu.memory_space<vmem>> -> memref<640xf32, #tpu.memory_space<vmem>>
    %dma_wait3A_481 = tpu.memref_slice %arg19[%add3A_380] : memref<163840xf32, #tpu.memory_space<vmem_shared>> -> memref<640xf32, #tpu.memory_space<vmem_shared>>
    %dma_wait3A_482 = arith.constant 8960 : i32
    %dma_wait3A_483 = tpu.memref_slice %arg14[%dma_wait3A_482] : memref<10240xf32, #tpu.memory_space<vmem>> -> memref<640xf32, #tpu.memory_space<vmem>>
    %dma_wait3A_484 = tpu.memref_slice %arg19[%add3A_380] : memref<163840xf32, #tpu.memory_space<vmem_shared>> -> memref<640xf32, #tpu.memory_space<vmem_shared>>
    tpu.wait_dma2 semaphore(%arg21 : memref<!tpu.dma_semaphore, #tpu.memory_space<semaphore_mem>>) src(%dma_wait3A_484 : memref<640xf32, #tpu.memory_space<vmem_shared>>) dst(%dma_wait3A_483 : memref<640xf32, #tpu.memory_space<vmem>>)
    %dma_wait3A_485 = arith.constant 9600 : i32
    %dma_wait3A_486 = tpu.memref_slice %arg14[%dma_wait3A_485] : memref<10240xf32, #tpu.memory_space<vmem>> -> memref<640xf32, #tpu.memory_space<vmem>>
    %dma_wait3A_487 = tpu.memref_slice %arg19[%add3A_388] : memref<163840xf32, #tpu.memory_space<vmem_shared>> -> memref<640xf32, #tpu.memory_space<vmem_shared>>
    %dma_wait3A_488 = arith.constant 9600 : i32
    %dma_wait3A_489 = tpu.memref_slice %arg14[%dma_wait3A_488] : memref<10240xf32, #tpu.memory_space<vmem>> -> memref<640xf32, #tpu.memory_space<vmem>>
    %dma_wait3A_490 = tpu.memref_slice %arg19[%add3A_388] : memref<163840xf32, #tpu.memory_space<vmem_shared>> -> memref<640xf32, #tpu.memory_space<vmem_shared>>
    tpu.wait_dma2 semaphore(%arg21 : memref<!tpu.dma_semaphore, #tpu.memory_space<semaphore_mem>>) src(%dma_wait3A_490 : memref<640xf32, #tpu.memory_space<vmem_shared>>) dst(%dma_wait3A_489 : memref<640xf32, #tpu.memory_space<vmem>>)
    %get3A = arith.constant 0 : index
    %get3A_491 = tpu.vector_load %arg18[%get3A] {strides = array<i32>} : memref<48xf32, #tpu.memory_space<vmem>>, vector<16xf32>,
    %get3A_492 = arith.constant 16 : index
    %get3A_493 = tpu.vector_load %arg18[%get3A_492] {strides = array<i32>} : memref<48xf32, #tpu.memory_space<vmem>>, vector<16xf32>,
    %scan3A_494 = arith.constant 0 : i32
    %scan3A_495 = arith.constant 0 : i32
    %scan3A_496 = arith.constant 40 : i32
    %scan3A_497 = arith.addi %scan3A_495, %scan3A_496 : i32
    %scan3A_498 = arith.constant 1 : i32
    scf.for %scan3A_751 = %scan3A_495 to %scan3A_497 step %scan3A_498  : i32 {
      %mul3A_752 = arith.constant 16 : i32
      %mul3A_753 = arith.muli %scan3A_751, %mul3A_752 : i32
      %add3A_754 = arith.addi %mul3A_2, %mul3A_753 : i32
      %get3A_755 = arith.index_cast %add3A_754 : i32 to index
      %get3A_756 = tpu.vector_load %arg11[%get3A_755] {strides = array<i32>} : memref<10240xf32, #tpu.memory_space<vmem>>, vector<16xf32>,
      %get3A_757 = arith.index_cast %add3A_754 : i32 to index
      %get3A_758 = tpu.vector_load %arg12[%get3A_757] {strides = array<i32>} : memref<10240xf32, #tpu.memory_space<vmem>>, vector<16xf32>,
      %get3A_759 = arith.index_cast %mul3A_753 : i32 to index
      %get3A_760 = tpu.vector_load %arg14[%get3A_759] {strides = array<i32>} : memref<10240xf32, #tpu.memory_space<vmem>>, vector<16xf32>,
      %add3A_761 = arith.constant 640 : i32
      %add3A_762 = arith.addi %add3A_761, %mul3A_753 : i32
      %get3A_763 = arith.index_cast %add3A_762 : i32 to index
      %get3A_764 = tpu.vector_load %arg14[%get3A_763] {strides = array<i32>} : memref<10240xf32, #tpu.memory_space<vmem>>, vector<16xf32>,
      %add3A_765 = arith.addf %get3A_760, %get3A_764 : vector<16xf32>
      %add3A_766 = arith.constant 1280 : i32
      %add3A_767 = arith.addi %add3A_766, %mul3A_753 : i32
      %get3A_768 = arith.index_cast %add3A_767 : i32 to index
      %get3A_769 = tpu.vector_load %arg14[%get3A_768] {strides = array<i32>} : memref<10240xf32, #tpu.memory_space<vmem>>, vector<16xf32>,
      %add3A_770 = arith.addf %add3A_765, %get3A_769 : vector<16xf32>
      %add3A_771 = arith.constant 1920 : i32
      %add3A_772 = arith.addi %add3A_771, %mul3A_753 : i32
      %get3A_773 = arith.index_cast %add3A_772 : i32 to index
      %get3A_774 = tpu.vector_load %arg14[%get3A_773] {strides = array<i32>} : memref<10240xf32, #tpu.memory_space<vmem>>, vector<16xf32>,
      %add3A_775 = arith.addf %add3A_770, %get3A_774 : vector<16xf32>
      %add3A_776 = arith.constant 2560 : i32
      %add3A_777 = arith.addi %add3A_776, %mul3A_753 : i32
      %get3A_778 = arith.index_cast %add3A_777 : i32 to index
      %get3A_779 = tpu.vector_load %arg14[%get3A_778] {strides = array<i32>} : memref<10240xf32, #tpu.memory_space<vmem>>, vector<16xf32>,
      %add3A_780 = arith.addf %add3A_775, %get3A_779 : vector<16xf32>
      %add3A_781 = arith.constant 3200 : i32
      %add3A_782 = arith.addi %add3A_781, %mul3A_753 : i32
      %get3A_783 = arith.index_cast %add3A_782 : i32 to index
      %get3A_784 = tpu.vector_load %arg14[%get3A_783] {strides = array<i32>} : memref<10240xf32, #tpu.memory_space<vmem>>, vector<16xf32>,
      %add3A_785 = arith.addf %add3A_780, %get3A_784 : vector<16xf32>
      %add3A_786 = arith.constant 3840 : i32
      %add3A_787 = arith.addi %add3A_786, %mul3A_753 : i32
      %get3A_788 = arith.index_cast %add3A_787 : i32 to index
      %get3A_789 = tpu.vector_load %arg14[%get3A_788] {strides = array<i32>} : memref<10240xf32, #tpu.memory_space<vmem>>, vector<16xf32>,
      %add3A_790 = arith.addf %add3A_785, %get3A_789 : vector<16xf32>
      %add3A_791 = arith.constant 4480 : i32
      %add3A_792 = arith.addi %add3A_791, %mul3A_753 : i32
      %get3A_793 = arith.index_cast %add3A_792 : i32 to index
      %get3A_794 = tpu.vector_load %arg14[%get3A_793] {strides = array<i32>} : memref<10240xf32, #tpu.memory_space<vmem>>, vector<16xf32>,
      %add3A_795 = arith.addf %add3A_790, %get3A_794 : vector<16xf32>
      %add3A_796 = arith.constant 5120 : i32
      %add3A_797 = arith.addi %add3A_796, %mul3A_753 : i32
      %get3A_798 = arith.index_cast %add3A_797 : i32 to index
      %get3A_799 = tpu.vector_load %arg14[%get3A_798] {strides = array<i32>} : memref<10240xf32, #tpu.memory_space<vmem>>, vector<16xf32>,
      %add3A_800 = arith.addf %add3A_795, %get3A_799 : vector<16xf32>
      %add3A_801 = arith.constant 5760 : i32
      %add3A_802 = arith.addi %add3A_801, %mul3A_753 : i32
      %get3A_803 = arith.index_cast %add3A_802 : i32 to index
      %get3A_804 = tpu.vector_load %arg14[%get3A_803] {strides = array<i32>} : memref<10240xf32, #tpu.memory_space<vmem>>, vector<16xf32>,
      %add3A_805 = arith.addf %add3A_800, %get3A_804 : vector<16xf32>
      %add3A_806 = arith.constant 6400 : i32
      %add3A_807 = arith.addi %add3A_806, %mul3A_753 : i32
      %get3A_808 = arith.index_cast %add3A_807 : i32 to index
      %get3A_809 = tpu.vector_load %arg14[%get3A_808] {strides = array<i32>} : memref<10240xf32, #tpu.memory_space<vmem>>, vector<16xf32>,
      %add3A_810 = arith.addf %add3A_805, %get3A_809 : vector<16xf32>
      %add3A_811 = arith.constant 7040 : i32
      %add3A_812 = arith.addi %add3A_811, %mul3A_753 : i32
      %get3A_813 = arith.index_cast %add3A_812 : i32 to index
      %get3A_814 = tpu.vector_load %arg14[%get3A_813] {strides = array<i32>} : memref<10240xf32, #tpu.memory_space<vmem>>, vector<16xf32>,
      %add3A_815 = arith.addf %add3A_810, %get3A_814 : vector<16xf32>
      %add3A_816 = arith.constant 7680 : i32
      %add3A_817 = arith.addi %add3A_816, %mul3A_753 : i32
      %get3A_818 = arith.index_cast %add3A_817 : i32 to index
      %get3A_819 = tpu.vector_load %arg14[%get3A_818] {strides = array<i32>} : memref<10240xf32, #tpu.memory_space<vmem>>, vector<16xf32>,
      %add3A_820 = arith.addf %add3A_815, %get3A_819 : vector<16xf32>
      %add3A_821 = arith.constant 8320 : i32
      %add3A_822 = arith.addi %add3A_821, %mul3A_753 : i32
      %get3A_823 = arith.index_cast %add3A_822 : i32 to index
      %get3A_824 = tpu.vector_load %arg14[%get3A_823] {strides = array<i32>} : memref<10240xf32, #tpu.memory_space<vmem>>, vector<16xf32>,
      %add3A_825 = arith.addf %add3A_820, %get3A_824 : vector<16xf32>
      %add3A_826 = arith.constant 8960 : i32
      %add3A_827 = arith.addi %add3A_826, %mul3A_753 : i32
      %get3A_828 = arith.index_cast %add3A_827 : i32 to index
      %get3A_829 = tpu.vector_load %arg14[%get3A_828] {strides = array<i32>} : memref<10240xf32, #tpu.memory_space<vmem>>, vector<16xf32>,
      %add3A_830 = arith.addf %add3A_825, %get3A_829 : vector<16xf32>
      %add3A_831 = arith.constant 9600 : i32
      %add3A_832 = arith.addi %add3A_831, %mul3A_753 : i32
      %get3A_833 = arith.index_cast %add3A_832 : i32 to index
      %get3A_834 = tpu.vector_load %arg14[%get3A_833] {strides = array<i32>} : memref<10240xf32, #tpu.memory_space<vmem>>, vector<16xf32>,
      %add3A_835 = arith.addf %add3A_830, %get3A_834 : vector<16xf32>
      %add3A_836 = arith.addf %add3A_835, %get3A_758 : vector<16xf32>
      %mul3A_837 = arith.mulf %add3A_836, %get3A_756 : vector<16xf32>
      %add3A_838 = arith.addf %mul3A_837, %get3A_493 : vector<16xf32>
      %mul3A_839 = arith.mulf %add3A_838, %get3A_491 : vector<16xf32>
      %mul3A_840 = arith.mulf %mul3A_839, %get3A_756 : vector<16xf32>
      %swap3A = arith.index_cast %mul3A_753 : i32 to index
      %swap3A_841 = tpu.vector_load %arg17[%swap3A] {strides = array<i32>} : memref<640xf32, #tpu.memory_space<vmem>>, vector<16xf32>,
      tpu.vector_store %arg17[%swap3A], %mul3A_840 {strides = array<i32>} : memref<640xf32, #tpu.memory_space<vmem>>, vector<16xf32>,
    }
    %scan3A_499 = arith.constant 40 : i32
    "tpu.region"() ({
      %run_scoped3A = tpu.sem_alloc : memref<!tpu.dma_semaphore, #tpu.memory_space<semaphore_mem>>
      %dma_start3A_751 = tpu.memref_slice %arg20[%mul3A_2] : memref<20480xf32, #tpu.memory_space<vmem_shared>> -> memref<640xf32, #tpu.memory_space<vmem_shared>>
      %dma_start3A_752 = tpu.memref_slice %arg20[%mul3A_2] : memref<20480xf32, #tpu.memory_space<vmem_shared>> -> memref<640xf32, #tpu.memory_space<vmem_shared>>
      tpu.enqueue_dma source(%arg17 : memref<640xf32, #tpu.memory_space<vmem>>) target(%dma_start3A_752 : memref<640xf32, #tpu.memory_space<vmem_shared>>) target_semaphore(%run_scoped3A : memref<!tpu.dma_semaphore, #tpu.memory_space<semaphore_mem>>)
      %dma_wait3A_753 = tpu.memref_slice %arg20[%mul3A_2] : memref<20480xf32, #tpu.memory_space<vmem_shared>> -> memref<640xf32, #tpu.memory_space<vmem_shared>>
      %dma_wait3A_754 = tpu.memref_slice %arg20[%mul3A_2] : memref<20480xf32, #tpu.memory_space<vmem_shared>> -> memref<640xf32, #tpu.memory_space<vmem_shared>>
      tpu.wait_dma2 semaphore(%run_scoped3A : memref<!tpu.dma_semaphore, #tpu.memory_space<semaphore_mem>>) src(%arg17 : memref<640xf32, #tpu.memory_space<vmem>>) dst(%dma_wait3A_754 : memref<640xf32, #tpu.memory_space<vmem_shared>>)
      tpu.yield
    }) : () -> ()
    %barrier3A_500 = arith.constant 0 : index
    tpu.barrier barrier_id(%barrier3A_500)
    "tpu.region"() ({
      %run_scoped3A = tpu.sem_alloc : memref<!tpu.dma_semaphore, #tpu.memory_space<semaphore_mem>>
      %dma_start3A_751 = arith.constant 0 : i32
      %dma_start3A_752 = tpu.memref_slice %arg20[%dma_start3A_751] : memref<20480xf32, #tpu.memory_space<vmem_shared>> -> memref<10240xf32, #tpu.memory_space<vmem_shared>>
      %dma_start3A_753 = arith.constant 0 : i32
      %dma_start3A_754 = tpu.memref_slice %arg20[%dma_start3A_753] : memref<20480xf32, #tpu.memory_space<vmem_shared>> -> memref<10240xf32, #tpu.memory_space<vmem_shared>>
      tpu.enqueue_dma source(%dma_start3A_754 : memref<10240xf32, #tpu.memory_space<vmem_shared>>) target(%arg12 : memref<10240xf32, #tpu.memory_space<vmem>>) target_semaphore(%run_scoped3A : memref<!tpu.dma_semaphore, #tpu.memory_space<semaphore_mem>>)
      %dma_wait3A_755 = arith.constant 0 : i32
      %dma_wait3A_756 = tpu.memref_slice %arg20[%dma_wait3A_755] : memref<20480xf32, #tpu.memory_space<vmem_shared>> -> memref<10240xf32, #tpu.memory_space<vmem_shared>>
      %dma_wait3A_757 = arith.constant 0 : i32
      %dma_wait3A_758 = tpu.memref_slice %arg20[%dma_wait3A_757] : memref<20480xf32, #tpu.memory_space<vmem_shared>> -> memref<10240xf32, #tpu.memory_space<vmem_shared>>
      tpu.wait_dma2 semaphore(%run_scoped3A : memref<!tpu.dma_semaphore, #tpu.memory_space<semaphore_mem>>) src(%dma_wait3A_758 : memref<10240xf32, #tpu.memory_space<vmem_shared>>) dst(%arg12 : memref<10240xf32, #tpu.memory_space<vmem>>)
      tpu.yield
    }) : () -> ()
    %parallel_loop3A_501 = arith.constant 0 : i32
    %parallel_loop3A_502 = arith.constant 10240 : i32
    %parallel_loop3A_503 = arith.constant 16 : i32
    scf.for %parallel_loop3A_751 = %parallel_loop3A_501 to %parallel_loop3A_502 step %parallel_loop3A_503  : i32 {
      %parallel_loop3A_752 = arith.constant 0.000000e+00 : f32
      %parallel_loop3A_753 = vector.broadcast %parallel_loop3A_752 : f32 to vector<16xf32>
      %parallel_loop3A_754 = arith.index_cast %parallel_loop3A_751 : i32 to index
      %parallel_loop3A_755 = tpu.vector_load %arg13[%parallel_loop3A_754] {strides = array<i32>} : memref<10240xf32, #tpu.memory_space<vmem>>, vector<16xf32>,
      tpu.vector_store %arg13[%parallel_loop3A_754], %parallel_loop3A_753 {strides = array<i32>} : memref<10240xf32, #tpu.memory_space<vmem>>, vector<16xf32>,
    } {sc.loop_unroll_factor = 16 : i64, sc.parallel_access}
    %parallel_loop3A_504 = arith.constant 0 : i32
    %parallel_loop3A_505 = arith.constant 16 : i32
    scf.for %parallel_loop3A_751 = %parallel_loop3A_504 to %select_n3A step %parallel_loop3A_505  : i32 {
      %parallel_loop3A_752 = arith.index_cast %parallel_loop3A_751 : i32 to index
      %parallel_loop3A_753 = tpu.vector_load %arg8[%parallel_loop3A_752] {strides = array<i32>} : memref<20480xi32, #tpu.memory_space<vmem>>, vector<16xi32>,
      %parallel_loop3A_754 = arith.index_cast %parallel_loop3A_751 : i32 to index
      %parallel_loop3A_755 = tpu.vector_load %arg9[%parallel_loop3A_754] {strides = array<i32>} : memref<20480xi32, #tpu.memory_space<vmem>>, vector<16xi32>,
      %parallel_loop3A_756 = arith.index_cast %parallel_loop3A_751 : i32 to index
      %parallel_loop3A_757 = tpu.vector_load %arg10[%parallel_loop3A_756] {strides = array<i32>} : memref<20480xf32, #tpu.memory_space<vmem>>, vector<16xf32>,
      %parallel_loop3A_758 = tpu.vector_load_idx %arg12[%parallel_loop3A_753] : memref<10240xf32, #tpu.memory_space<vmem>>[vector<16xi32>], vector<16xf32>,
      %parallel_loop3A_759 = arith.mulf %parallel_loop3A_758, %parallel_loop3A_757 : vector<16xf32>
      tpu.vector_store_idx %arg13[%parallel_loop3A_755], %parallel_loop3A_759 {add = true} : memref<10240xf32, #tpu.memory_space<vmem>>[vector<16xi32>], vector<16xf32>,
    } {sc.loop_unroll_factor = 16 : i64, sc.parallel_access}
    %mul3A_506 = arith.constant 10240 : i32
    %mul3A_507 = arith.muli %arg1, %mul3A_506 : i32
    "tpu.region"() ({
      %run_scoped3A = tpu.sem_alloc : memref<!tpu.dma_semaphore, #tpu.memory_space<semaphore_mem>>
      %dma_start3A_751 = tpu.memref_slice %arg19[%mul3A_507] : memref<163840xf32, #tpu.memory_space<vmem_shared>> -> memref<10240xf32, #tpu.memory_space<vmem_shared>>
      %dma_start3A_752 = tpu.memref_slice %arg19[%mul3A_507] : memref<163840xf32, #tpu.memory_space<vmem_shared>> -> memref<10240xf32, #tpu.memory_space<vmem_shared>>
      tpu.enqueue_dma source(%arg13 : memref<10240xf32, #tpu.memory_space<vmem>>) target(%dma_start3A_752 : memref<10240xf32, #tpu.memory_space<vmem_shared>>) target_semaphore(%run_scoped3A : memref<!tpu.dma_semaphore, #tpu.memory_space<semaphore_mem>>)
      %dma_wait3A_753 = tpu.memref_slice %arg19[%mul3A_507] : memref<163840xf32, #tpu.memory_space<vmem_shared>> -> memref<10240xf32, #tpu.memory_space<vmem_shared>>
      %dma_wait3A_754 = tpu.memref_slice %arg19[%mul3A_507] : memref<163840xf32, #tpu.memory_space<vmem_shared>> -> memref<10240xf32, #tpu.memory_space<vmem_shared>>
      tpu.wait_dma2 semaphore(%run_scoped3A : memref<!tpu.dma_semaphore, #tpu.memory_space<semaphore_mem>>) src(%arg13 : memref<10240xf32, #tpu.memory_space<vmem>>) dst(%dma_wait3A_754 : memref<10240xf32, #tpu.memory_space<vmem_shared>>)
      tpu.yield
    }) : () -> ()
    %barrier3A_508 = arith.constant 0 : index
    tpu.barrier barrier_id(%barrier3A_508)
    %add3A_509 = arith.constant 0 : i32
    %add3A_510 = arith.addi %add3A_509, %mul3A_2 : i32
    %dma_start3A_511 = arith.constant 0 : i32
    %dma_start3A_512 = tpu.memref_slice %arg14[%dma_start3A_511] : memref<10240xf32, #tpu.memory_space<vmem>> -> memref<640xf32, #tpu.memory_space<vmem>>
    %dma_start3A_513 = tpu.memref_slice %arg19[%add3A_510] : memref<163840xf32, #tpu.memory_space<vmem_shared>> -> memref<640xf32, #tpu.memory_space<vmem_shared>>
    %dma_start3A_514 = arith.constant 0 : i32
    %dma_start3A_515 = tpu.memref_slice %arg14[%dma_start3A_514] : memref<10240xf32, #tpu.memory_space<vmem>> -> memref<640xf32, #tpu.memory_space<vmem>>
    %dma_start3A_516 = tpu.memref_slice %arg19[%add3A_510] : memref<163840xf32, #tpu.memory_space<vmem_shared>> -> memref<640xf32, #tpu.memory_space<vmem_shared>>
    tpu.enqueue_dma source(%dma_start3A_516 : memref<640xf32, #tpu.memory_space<vmem_shared>>) target(%dma_start3A_515 : memref<640xf32, #tpu.memory_space<vmem>>) target_semaphore(%arg21 : memref<!tpu.dma_semaphore, #tpu.memory_space<semaphore_mem>>)
    %add3A_517 = arith.constant 10240 : i32
    %add3A_518 = arith.addi %add3A_517, %mul3A_2 : i32
    %dma_start3A_519 = arith.constant 640 : i32
    %dma_start3A_520 = tpu.memref_slice %arg14[%dma_start3A_519] : memref<10240xf32, #tpu.memory_space<vmem>> -> memref<640xf32, #tpu.memory_space<vmem>>
    %dma_start3A_521 = tpu.memref_slice %arg19[%add3A_518] : memref<163840xf32, #tpu.memory_space<vmem_shared>> -> memref<640xf32, #tpu.memory_space<vmem_shared>>
    %dma_start3A_522 = arith.constant 640 : i32
    %dma_start3A_523 = tpu.memref_slice %arg14[%dma_start3A_522] : memref<10240xf32, #tpu.memory_space<vmem>> -> memref<640xf32, #tpu.memory_space<vmem>>
    %dma_start3A_524 = tpu.memref_slice %arg19[%add3A_518] : memref<163840xf32, #tpu.memory_space<vmem_shared>> -> memref<640xf32, #tpu.memory_space<vmem_shared>>
    tpu.enqueue_dma source(%dma_start3A_524 : memref<640xf32, #tpu.memory_space<vmem_shared>>) target(%dma_start3A_523 : memref<640xf32, #tpu.memory_space<vmem>>) target_semaphore(%arg21 : memref<!tpu.dma_semaphore, #tpu.memory_space<semaphore_mem>>)
    %add3A_525 = arith.constant 20480 : i32
    %add3A_526 = arith.addi %add3A_525, %mul3A_2 : i32
    %dma_start3A_527 = arith.constant 1280 : i32
    %dma_start3A_528 = tpu.memref_slice %arg14[%dma_start3A_527] : memref<10240xf32, #tpu.memory_space<vmem>> -> memref<640xf32, #tpu.memory_space<vmem>>
    %dma_start3A_529 = tpu.memref_slice %arg19[%add3A_526] : memref<163840xf32, #tpu.memory_space<vmem_shared>> -> memref<640xf32, #tpu.memory_space<vmem_shared>>
    %dma_start3A_530 = arith.constant 1280 : i32
    %dma_start3A_531 = tpu.memref_slice %arg14[%dma_start3A_530] : memref<10240xf32, #tpu.memory_space<vmem>> -> memref<640xf32, #tpu.memory_space<vmem>>
    %dma_start3A_532 = tpu.memref_slice %arg19[%add3A_526] : memref<163840xf32, #tpu.memory_space<vmem_shared>> -> memref<640xf32, #tpu.memory_space<vmem_shared>>
    tpu.enqueue_dma source(%dma_start3A_532 : memref<640xf32, #tpu.memory_space<vmem_shared>>) target(%dma_start3A_531 : memref<640xf32, #tpu.memory_space<vmem>>) target_semaphore(%arg21 : memref<!tpu.dma_semaphore, #tpu.memory_space<semaphore_mem>>)
    %add3A_533 = arith.constant 30720 : i32
    %add3A_534 = arith.addi %add3A_533, %mul3A_2 : i32
    %dma_start3A_535 = arith.constant 1920 : i32
    %dma_start3A_536 = tpu.memref_slice %arg14[%dma_start3A_535] : memref<10240xf32, #tpu.memory_space<vmem>> -> memref<640xf32, #tpu.memory_space<vmem>>
    %dma_start3A_537 = tpu.memref_slice %arg19[%add3A_534] : memref<163840xf32, #tpu.memory_space<vmem_shared>> -> memref<640xf32, #tpu.memory_space<vmem_shared>>
    %dma_start3A_538 = arith.constant 1920 : i32
    %dma_start3A_539 = tpu.memref_slice %arg14[%dma_start3A_538] : memref<10240xf32, #tpu.memory_space<vmem>> -> memref<640xf32, #tpu.memory_space<vmem>>
    %dma_start3A_540 = tpu.memref_slice %arg19[%add3A_534] : memref<163840xf32, #tpu.memory_space<vmem_shared>> -> memref<640xf32, #tpu.memory_space<vmem_shared>>
    tpu.enqueue_dma source(%dma_start3A_540 : memref<640xf32, #tpu.memory_space<vmem_shared>>) target(%dma_start3A_539 : memref<640xf32, #tpu.memory_space<vmem>>) target_semaphore(%arg21 : memref<!tpu.dma_semaphore, #tpu.memory_space<semaphore_mem>>)
    %add3A_541 = arith.constant 40960 : i32
    %add3A_542 = arith.addi %add3A_541, %mul3A_2 : i32
    %dma_start3A_543 = arith.constant 2560 : i32
    %dma_start3A_544 = tpu.memref_slice %arg14[%dma_start3A_543] : memref<10240xf32, #tpu.memory_space<vmem>> -> memref<640xf32, #tpu.memory_space<vmem>>
    %dma_start3A_545 = tpu.memref_slice %arg19[%add3A_542] : memref<163840xf32, #tpu.memory_space<vmem_shared>> -> memref<640xf32, #tpu.memory_space<vmem_shared>>
    %dma_start3A_546 = arith.constant 2560 : i32
    %dma_start3A_547 = tpu.memref_slice %arg14[%dma_start3A_546] : memref<10240xf32, #tpu.memory_space<vmem>> -> memref<640xf32, #tpu.memory_space<vmem>>
    %dma_start3A_548 = tpu.memref_slice %arg19[%add3A_542] : memref<163840xf32, #tpu.memory_space<vmem_shared>> -> memref<640xf32, #tpu.memory_space<vmem_shared>>
    tpu.enqueue_dma source(%dma_start3A_548 : memref<640xf32, #tpu.memory_space<vmem_shared>>) target(%dma_start3A_547 : memref<640xf32, #tpu.memory_space<vmem>>) target_semaphore(%arg21 : memref<!tpu.dma_semaphore, #tpu.memory_space<semaphore_mem>>)
    %add3A_549 = arith.constant 51200 : i32
    %add3A_550 = arith.addi %add3A_549, %mul3A_2 : i32
    %dma_start3A_551 = arith.constant 3200 : i32
    %dma_start3A_552 = tpu.memref_slice %arg14[%dma_start3A_551] : memref<10240xf32, #tpu.memory_space<vmem>> -> memref<640xf32, #tpu.memory_space<vmem>>
    %dma_start3A_553 = tpu.memref_slice %arg19[%add3A_550] : memref<163840xf32, #tpu.memory_space<vmem_shared>> -> memref<640xf32, #tpu.memory_space<vmem_shared>>
    %dma_start3A_554 = arith.constant 3200 : i32
    %dma_start3A_555 = tpu.memref_slice %arg14[%dma_start3A_554] : memref<10240xf32, #tpu.memory_space<vmem>> -> memref<640xf32, #tpu.memory_space<vmem>>
    %dma_start3A_556 = tpu.memref_slice %arg19[%add3A_550] : memref<163840xf32, #tpu.memory_space<vmem_shared>> -> memref<640xf32, #tpu.memory_space<vmem_shared>>
    tpu.enqueue_dma source(%dma_start3A_556 : memref<640xf32, #tpu.memory_space<vmem_shared>>) target(%dma_start3A_555 : memref<640xf32, #tpu.memory_space<vmem>>) target_semaphore(%arg21 : memref<!tpu.dma_semaphore, #tpu.memory_space<semaphore_mem>>)
    %add3A_557 = arith.constant 61440 : i32
    %add3A_558 = arith.addi %add3A_557, %mul3A_2 : i32
    %dma_start3A_559 = arith.constant 3840 : i32
    %dma_start3A_560 = tpu.memref_slice %arg14[%dma_start3A_559] : memref<10240xf32, #tpu.memory_space<vmem>> -> memref<640xf32, #tpu.memory_space<vmem>>
    %dma_start3A_561 = tpu.memref_slice %arg19[%add3A_558] : memref<163840xf32, #tpu.memory_space<vmem_shared>> -> memref<640xf32, #tpu.memory_space<vmem_shared>>
    %dma_start3A_562 = arith.constant 3840 : i32
    %dma_start3A_563 = tpu.memref_slice %arg14[%dma_start3A_562] : memref<10240xf32, #tpu.memory_space<vmem>> -> memref<640xf32, #tpu.memory_space<vmem>>
    %dma_start3A_564 = tpu.memref_slice %arg19[%add3A_558] : memref<163840xf32, #tpu.memory_space<vmem_shared>> -> memref<640xf32, #tpu.memory_space<vmem_shared>>
    tpu.enqueue_dma source(%dma_start3A_564 : memref<640xf32, #tpu.memory_space<vmem_shared>>) target(%dma_start3A_563 : memref<640xf32, #tpu.memory_space<vmem>>) target_semaphore(%arg21 : memref<!tpu.dma_semaphore, #tpu.memory_space<semaphore_mem>>)
    %add3A_565 = arith.constant 71680 : i32
    %add3A_566 = arith.addi %add3A_565, %mul3A_2 : i32
    %dma_start3A_567 = arith.constant 4480 : i32
    %dma_start3A_568 = tpu.memref_slice %arg14[%dma_start3A_567] : memref<10240xf32, #tpu.memory_space<vmem>> -> memref<640xf32, #tpu.memory_space<vmem>>
    %dma_start3A_569 = tpu.memref_slice %arg19[%add3A_566] : memref<163840xf32, #tpu.memory_space<vmem_shared>> -> memref<640xf32, #tpu.memory_space<vmem_shared>>
    %dma_start3A_570 = arith.constant 4480 : i32
    %dma_start3A_571 = tpu.memref_slice %arg14[%dma_start3A_570] : memref<10240xf32, #tpu.memory_space<vmem>> -> memref<640xf32, #tpu.memory_space<vmem>>
    %dma_start3A_572 = tpu.memref_slice %arg19[%add3A_566] : memref<163840xf32, #tpu.memory_space<vmem_shared>> -> memref<640xf32, #tpu.memory_space<vmem_shared>>
    tpu.enqueue_dma source(%dma_start3A_572 : memref<640xf32, #tpu.memory_space<vmem_shared>>) target(%dma_start3A_571 : memref<640xf32, #tpu.memory_space<vmem>>) target_semaphore(%arg21 : memref<!tpu.dma_semaphore, #tpu.memory_space<semaphore_mem>>)
    %add3A_573 = arith.constant 81920 : i32
    %add3A_574 = arith.addi %add3A_573, %mul3A_2 : i32
    %dma_start3A_575 = arith.constant 5120 : i32
    %dma_start3A_576 = tpu.memref_slice %arg14[%dma_start3A_575] : memref<10240xf32, #tpu.memory_space<vmem>> -> memref<640xf32, #tpu.memory_space<vmem>>
    %dma_start3A_577 = tpu.memref_slice %arg19[%add3A_574] : memref<163840xf32, #tpu.memory_space<vmem_shared>> -> memref<640xf32, #tpu.memory_space<vmem_shared>>
    %dma_start3A_578 = arith.constant 5120 : i32
    %dma_start3A_579 = tpu.memref_slice %arg14[%dma_start3A_578] : memref<10240xf32, #tpu.memory_space<vmem>> -> memref<640xf32, #tpu.memory_space<vmem>>
    %dma_start3A_580 = tpu.memref_slice %arg19[%add3A_574] : memref<163840xf32, #tpu.memory_space<vmem_shared>> -> memref<640xf32, #tpu.memory_space<vmem_shared>>
    tpu.enqueue_dma source(%dma_start3A_580 : memref<640xf32, #tpu.memory_space<vmem_shared>>) target(%dma_start3A_579 : memref<640xf32, #tpu.memory_space<vmem>>) target_semaphore(%arg21 : memref<!tpu.dma_semaphore, #tpu.memory_space<semaphore_mem>>)
    %add3A_581 = arith.constant 92160 : i32
    %add3A_582 = arith.addi %add3A_581, %mul3A_2 : i32
    %dma_start3A_583 = arith.constant 5760 : i32
    %dma_start3A_584 = tpu.memref_slice %arg14[%dma_start3A_583] : memref<10240xf32, #tpu.memory_space<vmem>> -> memref<640xf32, #tpu.memory_space<vmem>>
    %dma_start3A_585 = tpu.memref_slice %arg19[%add3A_582] : memref<163840xf32, #tpu.memory_space<vmem_shared>> -> memref<640xf32, #tpu.memory_space<vmem_shared>>
    %dma_start3A_586 = arith.constant 5760 : i32
    %dma_start3A_587 = tpu.memref_slice %arg14[%dma_start3A_586] : memref<10240xf32, #tpu.memory_space<vmem>> -> memref<640xf32, #tpu.memory_space<vmem>>
    %dma_start3A_588 = tpu.memref_slice %arg19[%add3A_582] : memref<163840xf32, #tpu.memory_space<vmem_shared>> -> memref<640xf32, #tpu.memory_space<vmem_shared>>
    tpu.enqueue_dma source(%dma_start3A_588 : memref<640xf32, #tpu.memory_space<vmem_shared>>) target(%dma_start3A_587 : memref<640xf32, #tpu.memory_space<vmem>>) target_semaphore(%arg21 : memref<!tpu.dma_semaphore, #tpu.memory_space<semaphore_mem>>)
    %add3A_589 = arith.constant 102400 : i32
    %add3A_590 = arith.addi %add3A_589, %mul3A_2 : i32
    %dma_start3A_591 = arith.constant 6400 : i32
    %dma_start3A_592 = tpu.memref_slice %arg14[%dma_start3A_591] : memref<10240xf32, #tpu.memory_space<vmem>> -> memref<640xf32, #tpu.memory_space<vmem>>
    %dma_start3A_593 = tpu.memref_slice %arg19[%add3A_590] : memref<163840xf32, #tpu.memory_space<vmem_shared>> -> memref<640xf32, #tpu.memory_space<vmem_shared>>
    %dma_start3A_594 = arith.constant 6400 : i32
    %dma_start3A_595 = tpu.memref_slice %arg14[%dma_start3A_594] : memref<10240xf32, #tpu.memory_space<vmem>> -> memref<640xf32, #tpu.memory_space<vmem>>
    %dma_start3A_596 = tpu.memref_slice %arg19[%add3A_590] : memref<163840xf32, #tpu.memory_space<vmem_shared>> -> memref<640xf32, #tpu.memory_space<vmem_shared>>
    tpu.enqueue_dma source(%dma_start3A_596 : memref<640xf32, #tpu.memory_space<vmem_shared>>) target(%dma_start3A_595 : memref<640xf32, #tpu.memory_space<vmem>>) target_semaphore(%arg21 : memref<!tpu.dma_semaphore, #tpu.memory_space<semaphore_mem>>)
    %add3A_597 = arith.constant 112640 : i32
    %add3A_598 = arith.addi %add3A_597, %mul3A_2 : i32
    %dma_start3A_599 = arith.constant 7040 : i32
    %dma_start3A_600 = tpu.memref_slice %arg14[%dma_start3A_599] : memref<10240xf32, #tpu.memory_space<vmem>> -> memref<640xf32, #tpu.memory_space<vmem>>
    %dma_start3A_601 = tpu.memref_slice %arg19[%add3A_598] : memref<163840xf32, #tpu.memory_space<vmem_shared>> -> memref<640xf32, #tpu.memory_space<vmem_shared>>
    %dma_start3A_602 = arith.constant 7040 : i32
    %dma_start3A_603 = tpu.memref_slice %arg14[%dma_start3A_602] : memref<10240xf32, #tpu.memory_space<vmem>> -> memref<640xf32, #tpu.memory_space<vmem>>
    %dma_start3A_604 = tpu.memref_slice %arg19[%add3A_598] : memref<163840xf32, #tpu.memory_space<vmem_shared>> -> memref<640xf32, #tpu.memory_space<vmem_shared>>
    tpu.enqueue_dma source(%dma_start3A_604 : memref<640xf32, #tpu.memory_space<vmem_shared>>) target(%dma_start3A_603 : memref<640xf32, #tpu.memory_space<vmem>>) target_semaphore(%arg21 : memref<!tpu.dma_semaphore, #tpu.memory_space<semaphore_mem>>)
    %add3A_605 = arith.constant 122880 : i32
    %add3A_606 = arith.addi %add3A_605, %mul3A_2 : i32
    %dma_start3A_607 = arith.constant 7680 : i32
    %dma_start3A_608 = tpu.memref_slice %arg14[%dma_start3A_607] : memref<10240xf32, #tpu.memory_space<vmem>> -> memref<640xf32, #tpu.memory_space<vmem>>
    %dma_start3A_609 = tpu.memref_slice %arg19[%add3A_606] : memref<163840xf32, #tpu.memory_space<vmem_shared>> -> memref<640xf32, #tpu.memory_space<vmem_shared>>
    %dma_start3A_610 = arith.constant 7680 : i32
    %dma_start3A_611 = tpu.memref_slice %arg14[%dma_start3A_610] : memref<10240xf32, #tpu.memory_space<vmem>> -> memref<640xf32, #tpu.memory_space<vmem>>
    %dma_start3A_612 = tpu.memref_slice %arg19[%add3A_606] : memref<163840xf32, #tpu.memory_space<vmem_shared>> -> memref<640xf32, #tpu.memory_space<vmem_shared>>
    tpu.enqueue_dma source(%dma_start3A_612 : memref<640xf32, #tpu.memory_space<vmem_shared>>) target(%dma_start3A_611 : memref<640xf32, #tpu.memory_space<vmem>>) target_semaphore(%arg21 : memref<!tpu.dma_semaphore, #tpu.memory_space<semaphore_mem>>)
    %add3A_613 = arith.constant 133120 : i32
    %add3A_614 = arith.addi %add3A_613, %mul3A_2 : i32
    %dma_start3A_615 = arith.constant 8320 : i32
    %dma_start3A_616 = tpu.memref_slice %arg14[%dma_start3A_615] : memref<10240xf32, #tpu.memory_space<vmem>> -> memref<640xf32, #tpu.memory_space<vmem>>
    %dma_start3A_617 = tpu.memref_slice %arg19[%add3A_614] : memref<163840xf32, #tpu.memory_space<vmem_shared>> -> memref<640xf32, #tpu.memory_space<vmem_shared>>
    %dma_start3A_618 = arith.constant 8320 : i32
    %dma_start3A_619 = tpu.memref_slice %arg14[%dma_start3A_618] : memref<10240xf32, #tpu.memory_space<vmem>> -> memref<640xf32, #tpu.memory_space<vmem>>
    %dma_start3A_620 = tpu.memref_slice %arg19[%add3A_614] : memref<163840xf32, #tpu.memory_space<vmem_shared>> -> memref<640xf32, #tpu.memory_space<vmem_shared>>
    tpu.enqueue_dma source(%dma_start3A_620 : memref<640xf32, #tpu.memory_space<vmem_shared>>) target(%dma_start3A_619 : memref<640xf32, #tpu.memory_space<vmem>>) target_semaphore(%arg21 : memref<!tpu.dma_semaphore, #tpu.memory_space<semaphore_mem>>)
    %add3A_621 = arith.constant 143360 : i32
    %add3A_622 = arith.addi %add3A_621, %mul3A_2 : i32
    %dma_start3A_623 = arith.constant 8960 : i32
    %dma_start3A_624 = tpu.memref_slice %arg14[%dma_start3A_623] : memref<10240xf32, #tpu.memory_space<vmem>> -> memref<640xf32, #tpu.memory_space<vmem>>
    %dma_start3A_625 = tpu.memref_slice %arg19[%add3A_622] : memref<163840xf32, #tpu.memory_space<vmem_shared>> -> memref<640xf32, #tpu.memory_space<vmem_shared>>
    %dma_start3A_626 = arith.constant 8960 : i32
    %dma_start3A_627 = tpu.memref_slice %arg14[%dma_start3A_626] : memref<10240xf32, #tpu.memory_space<vmem>> -> memref<640xf32, #tpu.memory_space<vmem>>
    %dma_start3A_628 = tpu.memref_slice %arg19[%add3A_622] : memref<163840xf32, #tpu.memory_space<vmem_shared>> -> memref<640xf32, #tpu.memory_space<vmem_shared>>
    tpu.enqueue_dma source(%dma_start3A_628 : memref<640xf32, #tpu.memory_space<vmem_shared>>) target(%dma_start3A_627 : memref<640xf32, #tpu.memory_space<vmem>>) target_semaphore(%arg21 : memref<!tpu.dma_semaphore, #tpu.memory_space<semaphore_mem>>)
    %add3A_629 = arith.constant 153600 : i32
    %add3A_630 = arith.addi %add3A_629, %mul3A_2 : i32
    %dma_start3A_631 = arith.constant 9600 : i32
    %dma_start3A_632 = tpu.memref_slice %arg14[%dma_start3A_631] : memref<10240xf32, #tpu.memory_space<vmem>> -> memref<640xf32, #tpu.memory_space<vmem>>
    %dma_start3A_633 = tpu.memref_slice %arg19[%add3A_630] : memref<163840xf32, #tpu.memory_space<vmem_shared>> -> memref<640xf32, #tpu.memory_space<vmem_shared>>
    %dma_start3A_634 = arith.constant 9600 : i32
    %dma_start3A_635 = tpu.memref_slice %arg14[%dma_start3A_634] : memref<10240xf32, #tpu.memory_space<vmem>> -> memref<640xf32, #tpu.memory_space<vmem>>
    %dma_start3A_636 = tpu.memref_slice %arg19[%add3A_630] : memref<163840xf32, #tpu.memory_space<vmem_shared>> -> memref<640xf32, #tpu.memory_space<vmem_shared>>
    tpu.enqueue_dma source(%dma_start3A_636 : memref<640xf32, #tpu.memory_space<vmem_shared>>) target(%dma_start3A_635 : memref<640xf32, #tpu.memory_space<vmem>>) target_semaphore(%arg21 : memref<!tpu.dma_semaphore, #tpu.memory_space<semaphore_mem>>)
    %dma_wait3A_637 = arith.constant 0 : i32
    %dma_wait3A_638 = tpu.memref_slice %arg14[%dma_wait3A_637] : memref<10240xf32, #tpu.memory_space<vmem>> -> memref<640xf32, #tpu.memory_space<vmem>>
    %dma_wait3A_639 = tpu.memref_slice %arg19[%add3A_510] : memref<163840xf32, #tpu.memory_space<vmem_shared>> -> memref<640xf32, #tpu.memory_space<vmem_shared>>
    %dma_wait3A_640 = arith.constant 0 : i32
    %dma_wait3A_641 = tpu.memref_slice %arg14[%dma_wait3A_640] : memref<10240xf32, #tpu.memory_space<vmem>> -> memref<640xf32, #tpu.memory_space<vmem>>
    %dma_wait3A_642 = tpu.memref_slice %arg19[%add3A_510] : memref<163840xf32, #tpu.memory_space<vmem_shared>> -> memref<640xf32, #tpu.memory_space<vmem_shared>>
    tpu.wait_dma2 semaphore(%arg21 : memref<!tpu.dma_semaphore, #tpu.memory_space<semaphore_mem>>) src(%dma_wait3A_642 : memref<640xf32, #tpu.memory_space<vmem_shared>>) dst(%dma_wait3A_641 : memref<640xf32, #tpu.memory_space<vmem>>)
    %dma_wait3A_643 = arith.constant 640 : i32
    %dma_wait3A_644 = tpu.memref_slice %arg14[%dma_wait3A_643] : memref<10240xf32, #tpu.memory_space<vmem>> -> memref<640xf32, #tpu.memory_space<vmem>>
    %dma_wait3A_645 = tpu.memref_slice %arg19[%add3A_518] : memref<163840xf32, #tpu.memory_space<vmem_shared>> -> memref<640xf32, #tpu.memory_space<vmem_shared>>
    %dma_wait3A_646 = arith.constant 640 : i32
    %dma_wait3A_647 = tpu.memref_slice %arg14[%dma_wait3A_646] : memref<10240xf32, #tpu.memory_space<vmem>> -> memref<640xf32, #tpu.memory_space<vmem>>
    %dma_wait3A_648 = tpu.memref_slice %arg19[%add3A_518] : memref<163840xf32, #tpu.memory_space<vmem_shared>> -> memref<640xf32, #tpu.memory_space<vmem_shared>>
    tpu.wait_dma2 semaphore(%arg21 : memref<!tpu.dma_semaphore, #tpu.memory_space<semaphore_mem>>) src(%dma_wait3A_648 : memref<640xf32, #tpu.memory_space<vmem_shared>>) dst(%dma_wait3A_647 : memref<640xf32, #tpu.memory_space<vmem>>)
    %dma_wait3A_649 = arith.constant 1280 : i32
    %dma_wait3A_650 = tpu.memref_slice %arg14[%dma_wait3A_649] : memref<10240xf32, #tpu.memory_space<vmem>> -> memref<640xf32, #tpu.memory_space<vmem>>
    %dma_wait3A_651 = tpu.memref_slice %arg19[%add3A_526] : memref<163840xf32, #tpu.memory_space<vmem_shared>> -> memref<640xf32, #tpu.memory_space<vmem_shared>>
    %dma_wait3A_652 = arith.constant 1280 : i32
    %dma_wait3A_653 = tpu.memref_slice %arg14[%dma_wait3A_652] : memref<10240xf32, #tpu.memory_space<vmem>> -> memref<640xf32, #tpu.memory_space<vmem>>
    %dma_wait3A_654 = tpu.memref_slice %arg19[%add3A_526] : memref<163840xf32, #tpu.memory_space<vmem_shared>> -> memref<640xf32, #tpu.memory_space<vmem_shared>>
    tpu.wait_dma2 semaphore(%arg21 : memref<!tpu.dma_semaphore, #tpu.memory_space<semaphore_mem>>) src(%dma_wait3A_654 : memref<640xf32, #tpu.memory_space<vmem_shared>>) dst(%dma_wait3A_653 : memref<640xf32, #tpu.memory_space<vmem>>)
    %dma_wait3A_655 = arith.constant 1920 : i32
    %dma_wait3A_656 = tpu.memref_slice %arg14[%dma_wait3A_655] : memref<10240xf32, #tpu.memory_space<vmem>> -> memref<640xf32, #tpu.memory_space<vmem>>
    %dma_wait3A_657 = tpu.memref_slice %arg19[%add3A_534] : memref<163840xf32, #tpu.memory_space<vmem_shared>> -> memref<640xf32, #tpu.memory_space<vmem_shared>>
    %dma_wait3A_658 = arith.constant 1920 : i32
    %dma_wait3A_659 = tpu.memref_slice %arg14[%dma_wait3A_658] : memref<10240xf32, #tpu.memory_space<vmem>> -> memref<640xf32, #tpu.memory_space<vmem>>
    %dma_wait3A_660 = tpu.memref_slice %arg19[%add3A_534] : memref<163840xf32, #tpu.memory_space<vmem_shared>> -> memref<640xf32, #tpu.memory_space<vmem_shared>>
    tpu.wait_dma2 semaphore(%arg21 : memref<!tpu.dma_semaphore, #tpu.memory_space<semaphore_mem>>) src(%dma_wait3A_660 : memref<640xf32, #tpu.memory_space<vmem_shared>>) dst(%dma_wait3A_659 : memref<640xf32, #tpu.memory_space<vmem>>)
    %dma_wait3A_661 = arith.constant 2560 : i32
    %dma_wait3A_662 = tpu.memref_slice %arg14[%dma_wait3A_661] : memref<10240xf32, #tpu.memory_space<vmem>> -> memref<640xf32, #tpu.memory_space<vmem>>
    %dma_wait3A_663 = tpu.memref_slice %arg19[%add3A_542] : memref<163840xf32, #tpu.memory_space<vmem_shared>> -> memref<640xf32, #tpu.memory_space<vmem_shared>>
    %dma_wait3A_664 = arith.constant 2560 : i32
    %dma_wait3A_665 = tpu.memref_slice %arg14[%dma_wait3A_664] : memref<10240xf32, #tpu.memory_space<vmem>> -> memref<640xf32, #tpu.memory_space<vmem>>
    %dma_wait3A_666 = tpu.memref_slice %arg19[%add3A_542] : memref<163840xf32, #tpu.memory_space<vmem_shared>> -> memref<640xf32, #tpu.memory_space<vmem_shared>>
    tpu.wait_dma2 semaphore(%arg21 : memref<!tpu.dma_semaphore, #tpu.memory_space<semaphore_mem>>) src(%dma_wait3A_666 : memref<640xf32, #tpu.memory_space<vmem_shared>>) dst(%dma_wait3A_665 : memref<640xf32, #tpu.memory_space<vmem>>)
    %dma_wait3A_667 = arith.constant 3200 : i32
    %dma_wait3A_668 = tpu.memref_slice %arg14[%dma_wait3A_667] : memref<10240xf32, #tpu.memory_space<vmem>> -> memref<640xf32, #tpu.memory_space<vmem>>
    %dma_wait3A_669 = tpu.memref_slice %arg19[%add3A_550] : memref<163840xf32, #tpu.memory_space<vmem_shared>> -> memref<640xf32, #tpu.memory_space<vmem_shared>>
    %dma_wait3A_670 = arith.constant 3200 : i32
    %dma_wait3A_671 = tpu.memref_slice %arg14[%dma_wait3A_670] : memref<10240xf32, #tpu.memory_space<vmem>> -> memref<640xf32, #tpu.memory_space<vmem>>
    %dma_wait3A_672 = tpu.memref_slice %arg19[%add3A_550] : memref<163840xf32, #tpu.memory_space<vmem_shared>> -> memref<640xf32, #tpu.memory_space<vmem_shared>>
    tpu.wait_dma2 semaphore(%arg21 : memref<!tpu.dma_semaphore, #tpu.memory_space<semaphore_mem>>) src(%dma_wait3A_672 : memref<640xf32, #tpu.memory_space<vmem_shared>>) dst(%dma_wait3A_671 : memref<640xf32, #tpu.memory_space<vmem>>)
    %dma_wait3A_673 = arith.constant 3840 : i32
    %dma_wait3A_674 = tpu.memref_slice %arg14[%dma_wait3A_673] : memref<10240xf32, #tpu.memory_space<vmem>> -> memref<640xf32, #tpu.memory_space<vmem>>
    %dma_wait3A_675 = tpu.memref_slice %arg19[%add3A_558] : memref<163840xf32, #tpu.memory_space<vmem_shared>> -> memref<640xf32, #tpu.memory_space<vmem_shared>>
    %dma_wait3A_676 = arith.constant 3840 : i32
    %dma_wait3A_677 = tpu.memref_slice %arg14[%dma_wait3A_676] : memref<10240xf32, #tpu.memory_space<vmem>> -> memref<640xf32, #tpu.memory_space<vmem>>
    %dma_wait3A_678 = tpu.memref_slice %arg19[%add3A_558] : memref<163840xf32, #tpu.memory_space<vmem_shared>> -> memref<640xf32, #tpu.memory_space<vmem_shared>>
    tpu.wait_dma2 semaphore(%arg21 : memref<!tpu.dma_semaphore, #tpu.memory_space<semaphore_mem>>) src(%dma_wait3A_678 : memref<640xf32, #tpu.memory_space<vmem_shared>>) dst(%dma_wait3A_677 : memref<640xf32, #tpu.memory_space<vmem>>)
    %dma_wait3A_679 = arith.constant 4480 : i32
    %dma_wait3A_680 = tpu.memref_slice %arg14[%dma_wait3A_679] : memref<10240xf32, #tpu.memory_space<vmem>> -> memref<640xf32, #tpu.memory_space<vmem>>
    %dma_wait3A_681 = tpu.memref_slice %arg19[%add3A_566] : memref<163840xf32, #tpu.memory_space<vmem_shared>> -> memref<640xf32, #tpu.memory_space<vmem_shared>>
    %dma_wait3A_682 = arith.constant 4480 : i32
    %dma_wait3A_683 = tpu.memref_slice %arg14[%dma_wait3A_682] : memref<10240xf32, #tpu.memory_space<vmem>> -> memref<640xf32, #tpu.memory_space<vmem>>
    %dma_wait3A_684 = tpu.memref_slice %arg19[%add3A_566] : memref<163840xf32, #tpu.memory_space<vmem_shared>> -> memref<640xf32, #tpu.memory_space<vmem_shared>>
    tpu.wait_dma2 semaphore(%arg21 : memref<!tpu.dma_semaphore, #tpu.memory_space<semaphore_mem>>) src(%dma_wait3A_684 : memref<640xf32, #tpu.memory_space<vmem_shared>>) dst(%dma_wait3A_683 : memref<640xf32, #tpu.memory_space<vmem>>)
    %dma_wait3A_685 = arith.constant 5120 : i32
    %dma_wait3A_686 = tpu.memref_slice %arg14[%dma_wait3A_685] : memref<10240xf32, #tpu.memory_space<vmem>> -> memref<640xf32, #tpu.memory_space<vmem>>
    %dma_wait3A_687 = tpu.memref_slice %arg19[%add3A_574] : memref<163840xf32, #tpu.memory_space<vmem_shared>> -> memref<640xf32, #tpu.memory_space<vmem_shared>>
    %dma_wait3A_688 = arith.constant 5120 : i32
    %dma_wait3A_689 = tpu.memref_slice %arg14[%dma_wait3A_688] : memref<10240xf32, #tpu.memory_space<vmem>> -> memref<640xf32, #tpu.memory_space<vmem>>
    %dma_wait3A_690 = tpu.memref_slice %arg19[%add3A_574] : memref<163840xf32, #tpu.memory_space<vmem_shared>> -> memref<640xf32, #tpu.memory_space<vmem_shared>>
    tpu.wait_dma2 semaphore(%arg21 : memref<!tpu.dma_semaphore, #tpu.memory_space<semaphore_mem>>) src(%dma_wait3A_690 : memref<640xf32, #tpu.memory_space<vmem_shared>>) dst(%dma_wait3A_689 : memref<640xf32, #tpu.memory_space<vmem>>)
    %dma_wait3A_691 = arith.constant 5760 : i32
    %dma_wait3A_692 = tpu.memref_slice %arg14[%dma_wait3A_691] : memref<10240xf32, #tpu.memory_space<vmem>> -> memref<640xf32, #tpu.memory_space<vmem>>
    %dma_wait3A_693 = tpu.memref_slice %arg19[%add3A_582] : memref<163840xf32, #tpu.memory_space<vmem_shared>> -> memref<640xf32, #tpu.memory_space<vmem_shared>>
    %dma_wait3A_694 = arith.constant 5760 : i32
    %dma_wait3A_695 = tpu.memref_slice %arg14[%dma_wait3A_694] : memref<10240xf32, #tpu.memory_space<vmem>> -> memref<640xf32, #tpu.memory_space<vmem>>
    %dma_wait3A_696 = tpu.memref_slice %arg19[%add3A_582] : memref<163840xf32, #tpu.memory_space<vmem_shared>> -> memref<640xf32, #tpu.memory_space<vmem_shared>>
    tpu.wait_dma2 semaphore(%arg21 : memref<!tpu.dma_semaphore, #tpu.memory_space<semaphore_mem>>) src(%dma_wait3A_696 : memref<640xf32, #tpu.memory_space<vmem_shared>>) dst(%dma_wait3A_695 : memref<640xf32, #tpu.memory_space<vmem>>)
    %dma_wait3A_697 = arith.constant 6400 : i32
    %dma_wait3A_698 = tpu.memref_slice %arg14[%dma_wait3A_697] : memref<10240xf32, #tpu.memory_space<vmem>> -> memref<640xf32, #tpu.memory_space<vmem>>
    %dma_wait3A_699 = tpu.memref_slice %arg19[%add3A_590] : memref<163840xf32, #tpu.memory_space<vmem_shared>> -> memref<640xf32, #tpu.memory_space<vmem_shared>>
    %dma_wait3A_700 = arith.constant 6400 : i32
    %dma_wait3A_701 = tpu.memref_slice %arg14[%dma_wait3A_700] : memref<10240xf32, #tpu.memory_space<vmem>> -> memref<640xf32, #tpu.memory_space<vmem>>
    %dma_wait3A_702 = tpu.memref_slice %arg19[%add3A_590] : memref<163840xf32, #tpu.memory_space<vmem_shared>> -> memref<640xf32, #tpu.memory_space<vmem_shared>>
    tpu.wait_dma2 semaphore(%arg21 : memref<!tpu.dma_semaphore, #tpu.memory_space<semaphore_mem>>) src(%dma_wait3A_702 : memref<640xf32, #tpu.memory_space<vmem_shared>>) dst(%dma_wait3A_701 : memref<640xf32, #tpu.memory_space<vmem>>)
    %dma_wait3A_703 = arith.constant 7040 : i32
    %dma_wait3A_704 = tpu.memref_slice %arg14[%dma_wait3A_703] : memref<10240xf32, #tpu.memory_space<vmem>> -> memref<640xf32, #tpu.memory_space<vmem>>
    %dma_wait3A_705 = tpu.memref_slice %arg19[%add3A_598] : memref<163840xf32, #tpu.memory_space<vmem_shared>> -> memref<640xf32, #tpu.memory_space<vmem_shared>>
    %dma_wait3A_706 = arith.constant 7040 : i32
    %dma_wait3A_707 = tpu.memref_slice %arg14[%dma_wait3A_706] : memref<10240xf32, #tpu.memory_space<vmem>> -> memref<640xf32, #tpu.memory_space<vmem>>
    %dma_wait3A_708 = tpu.memref_slice %arg19[%add3A_598] : memref<163840xf32, #tpu.memory_space<vmem_shared>> -> memref<640xf32, #tpu.memory_space<vmem_shared>>
    tpu.wait_dma2 semaphore(%arg21 : memref<!tpu.dma_semaphore, #tpu.memory_space<semaphore_mem>>) src(%dma_wait3A_708 : memref<640xf32, #tpu.memory_space<vmem_shared>>) dst(%dma_wait3A_707 : memref<640xf32, #tpu.memory_space<vmem>>)
    %dma_wait3A_709 = arith.constant 7680 : i32
    %dma_wait3A_710 = tpu.memref_slice %arg14[%dma_wait3A_709] : memref<10240xf32, #tpu.memory_space<vmem>> -> memref<640xf32, #tpu.memory_space<vmem>>
    %dma_wait3A_711 = tpu.memref_slice %arg19[%add3A_606] : memref<163840xf32, #tpu.memory_space<vmem_shared>> -> memref<640xf32, #tpu.memory_space<vmem_shared>>
    %dma_wait3A_712 = arith.constant 7680 : i32
    %dma_wait3A_713 = tpu.memref_slice %arg14[%dma_wait3A_712] : memref<10240xf32, #tpu.memory_space<vmem>> -> memref<640xf32, #tpu.memory_space<vmem>>
    %dma_wait3A_714 = tpu.memref_slice %arg19[%add3A_606] : memref<163840xf32, #tpu.memory_space<vmem_shared>> -> memref<640xf32, #tpu.memory_space<vmem_shared>>
    tpu.wait_dma2 semaphore(%arg21 : memref<!tpu.dma_semaphore, #tpu.memory_space<semaphore_mem>>) src(%dma_wait3A_714 : memref<640xf32, #tpu.memory_space<vmem_shared>>) dst(%dma_wait3A_713 : memref<640xf32, #tpu.memory_space<vmem>>)
    %dma_wait3A_715 = arith.constant 8320 : i32
    %dma_wait3A_716 = tpu.memref_slice %arg14[%dma_wait3A_715] : memref<10240xf32, #tpu.memory_space<vmem>> -> memref<640xf32, #tpu.memory_space<vmem>>
    %dma_wait3A_717 = tpu.memref_slice %arg19[%add3A_614] : memref<163840xf32, #tpu.memory_space<vmem_shared>> -> memref<640xf32, #tpu.memory_space<vmem_shared>>
    %dma_wait3A_718 = arith.constant 8320 : i32
    %dma_wait3A_719 = tpu.memref_slice %arg14[%dma_wait3A_718] : memref<10240xf32, #tpu.memory_space<vmem>> -> memref<640xf32, #tpu.memory_space<vmem>>
    %dma_wait3A_720 = tpu.memref_slice %arg19[%add3A_614] : memref<163840xf32, #tpu.memory_space<vmem_shared>> -> memref<640xf32, #tpu.memory_space<vmem_shared>>
    tpu.wait_dma2 semaphore(%arg21 : memref<!tpu.dma_semaphore, #tpu.memory_space<semaphore_mem>>) src(%dma_wait3A_720 : memref<640xf32, #tpu.memory_space<vmem_shared>>) dst(%dma_wait3A_719 : memref<640xf32, #tpu.memory_space<vmem>>)
    %dma_wait3A_721 = arith.constant 8960 : i32
    %dma_wait3A_722 = tpu.memref_slice %arg14[%dma_wait3A_721] : memref<10240xf32, #tpu.memory_space<vmem>> -> memref<640xf32, #tpu.memory_space<vmem>>
    %dma_wait3A_723 = tpu.memref_slice %arg19[%add3A_622] : memref<163840xf32, #tpu.memory_space<vmem_shared>> -> memref<640xf32, #tpu.memory_space<vmem_shared>>
    %dma_wait3A_724 = arith.constant 8960 : i32
    %dma_wait3A_725 = tpu.memref_slice %arg14[%dma_wait3A_724] : memref<10240xf32, #tpu.memory_space<vmem>> -> memref<640xf32, #tpu.memory_space<vmem>>
    %dma_wait3A_726 = tpu.memref_slice %arg19[%add3A_622] : memref<163840xf32, #tpu.memory_space<vmem_shared>> -> memref<640xf32, #tpu.memory_space<vmem_shared>>
    tpu.wait_dma2 semaphore(%arg21 : memref<!tpu.dma_semaphore, #tpu.memory_space<semaphore_mem>>) src(%dma_wait3A_726 : memref<640xf32, #tpu.memory_space<vmem_shared>>) dst(%dma_wait3A_725 : memref<640xf32, #tpu.memory_space<vmem>>)
    %dma_wait3A_727 = arith.constant 9600 : i32
    %dma_wait3A_728 = tpu.memref_slice %arg14[%dma_wait3A_727] : memref<10240xf32, #tpu.memory_space<vmem>> -> memref<640xf32, #tpu.memory_space<vmem>>
    %dma_wait3A_729 = tpu.memref_slice %arg19[%add3A_630] : memref<163840xf32, #tpu.memory_space<vmem_shared>> -> memref<640xf32, #tpu.memory_space<vmem_shared>>
    %dma_wait3A_730 = arith.constant 9600 : i32
    %dma_wait3A_731 = tpu.memref_slice %arg14[%dma_wait3A_730] : memref<10240xf32, #tpu.memory_space<vmem>> -> memref<640xf32, #tpu.memory_space<vmem>>
    %dma_wait3A_732 = tpu.memref_slice %arg19[%add3A_630] : memref<163840xf32, #tpu.memory_space<vmem_shared>> -> memref<640xf32, #tpu.memory_space<vmem_shared>>
    tpu.wait_dma2 semaphore(%arg21 : memref<!tpu.dma_semaphore, #tpu.memory_space<semaphore_mem>>) src(%dma_wait3A_732 : memref<640xf32, #tpu.memory_space<vmem_shared>>) dst(%dma_wait3A_731 : memref<640xf32, #tpu.memory_space<vmem>>)
    %get3A_733 = arith.constant 32 : index
    %get3A_734 = tpu.vector_load %arg18[%get3A_733] {strides = array<i32>} : memref<48xf32, #tpu.memory_space<vmem>>, vector<16xf32>,
    %scan3A_735 = arith.constant 0 : i32
    %scan3A_736 = arith.constant 0 : i32
    %scan3A_737 = arith.constant 40 : i32
    %scan3A_738 = arith.addi %scan3A_736, %scan3A_737 : i32
    %scan3A_739 = arith.constant 1 : i32
    scf.for %scan3A_751 = %scan3A_736 to %scan3A_738 step %scan3A_739  : i32 {
      %mul3A_752 = arith.constant 16 : i32
      %mul3A_753 = arith.muli %scan3A_751, %mul3A_752 : i32
      %add3A_754 = arith.addi %mul3A_2, %mul3A_753 : i32
      %get3A_755 = arith.index_cast %add3A_754 : i32 to index
      %get3A_756 = tpu.vector_load %arg11[%get3A_755] {strides = array<i32>} : memref<10240xf32, #tpu.memory_space<vmem>>, vector<16xf32>,
      %get3A_757 = arith.index_cast %add3A_754 : i32 to index
      %get3A_758 = tpu.vector_load %arg12[%get3A_757] {strides = array<i32>} : memref<10240xf32, #tpu.memory_space<vmem>>, vector<16xf32>,
      %get3A_759 = arith.index_cast %mul3A_753 : i32 to index
      %get3A_760 = tpu.vector_load %arg14[%get3A_759] {strides = array<i32>} : memref<10240xf32, #tpu.memory_space<vmem>>, vector<16xf32>,
      %add3A_761 = arith.constant 640 : i32
      %add3A_762 = arith.addi %add3A_761, %mul3A_753 : i32
      %get3A_763 = arith.index_cast %add3A_762 : i32 to index
      %get3A_764 = tpu.vector_load %arg14[%get3A_763] {strides = array<i32>} : memref<10240xf32, #tpu.memory_space<vmem>>, vector<16xf32>,
      %add3A_765 = arith.addf %get3A_760, %get3A_764 : vector<16xf32>
      %add3A_766 = arith.constant 1280 : i32
      %add3A_767 = arith.addi %add3A_766, %mul3A_753 : i32
      %get3A_768 = arith.index_cast %add3A_767 : i32 to index
      %get3A_769 = tpu.vector_load %arg14[%get3A_768] {strides = array<i32>} : memref<10240xf32, #tpu.memory_space<vmem>>, vector<16xf32>,
      %add3A_770 = arith.addf %add3A_765, %get3A_769 : vector<16xf32>
      %add3A_771 = arith.constant 1920 : i32
      %add3A_772 = arith.addi %add3A_771, %mul3A_753 : i32
      %get3A_773 = arith.index_cast %add3A_772 : i32 to index
      %get3A_774 = tpu.vector_load %arg14[%get3A_773] {strides = array<i32>} : memref<10240xf32, #tpu.memory_space<vmem>>, vector<16xf32>,
      %add3A_775 = arith.addf %add3A_770, %get3A_774 : vector<16xf32>
      %add3A_776 = arith.constant 2560 : i32
      %add3A_777 = arith.addi %add3A_776, %mul3A_753 : i32
      %get3A_778 = arith.index_cast %add3A_777 : i32 to index
      %get3A_779 = tpu.vector_load %arg14[%get3A_778] {strides = array<i32>} : memref<10240xf32, #tpu.memory_space<vmem>>, vector<16xf32>,
      %add3A_780 = arith.addf %add3A_775, %get3A_779 : vector<16xf32>
      %add3A_781 = arith.constant 3200 : i32
      %add3A_782 = arith.addi %add3A_781, %mul3A_753 : i32
      %get3A_783 = arith.index_cast %add3A_782 : i32 to index
      %get3A_784 = tpu.vector_load %arg14[%get3A_783] {strides = array<i32>} : memref<10240xf32, #tpu.memory_space<vmem>>, vector<16xf32>,
      %add3A_785 = arith.addf %add3A_780, %get3A_784 : vector<16xf32>
      %add3A_786 = arith.constant 3840 : i32
      %add3A_787 = arith.addi %add3A_786, %mul3A_753 : i32
      %get3A_788 = arith.index_cast %add3A_787 : i32 to index
      %get3A_789 = tpu.vector_load %arg14[%get3A_788] {strides = array<i32>} : memref<10240xf32, #tpu.memory_space<vmem>>, vector<16xf32>,
      %add3A_790 = arith.addf %add3A_785, %get3A_789 : vector<16xf32>
      %add3A_791 = arith.constant 4480 : i32
      %add3A_792 = arith.addi %add3A_791, %mul3A_753 : i32
      %get3A_793 = arith.index_cast %add3A_792 : i32 to index
      %get3A_794 = tpu.vector_load %arg14[%get3A_793] {strides = array<i32>} : memref<10240xf32, #tpu.memory_space<vmem>>, vector<16xf32>,
      %add3A_795 = arith.addf %add3A_790, %get3A_794 : vector<16xf32>
      %add3A_796 = arith.constant 5120 : i32
      %add3A_797 = arith.addi %add3A_796, %mul3A_753 : i32
      %get3A_798 = arith.index_cast %add3A_797 : i32 to index
      %get3A_799 = tpu.vector_load %arg14[%get3A_798] {strides = array<i32>} : memref<10240xf32, #tpu.memory_space<vmem>>, vector<16xf32>,
      %add3A_800 = arith.addf %add3A_795, %get3A_799 : vector<16xf32>
      %add3A_801 = arith.constant 5760 : i32
      %add3A_802 = arith.addi %add3A_801, %mul3A_753 : i32
      %get3A_803 = arith.index_cast %add3A_802 : i32 to index
      %get3A_804 = tpu.vector_load %arg14[%get3A_803] {strides = array<i32>} : memref<10240xf32, #tpu.memory_space<vmem>>, vector<16xf32>,
      %add3A_805 = arith.addf %add3A_800, %get3A_804 : vector<16xf32>
      %add3A_806 = arith.constant 6400 : i32
      %add3A_807 = arith.addi %add3A_806, %mul3A_753 : i32
      %get3A_808 = arith.index_cast %add3A_807 : i32 to index
      %get3A_809 = tpu.vector_load %arg14[%get3A_808] {strides = array<i32>} : memref<10240xf32, #tpu.memory_space<vmem>>, vector<16xf32>,
      %add3A_810 = arith.addf %add3A_805, %get3A_809 : vector<16xf32>
      %add3A_811 = arith.constant 7040 : i32
      %add3A_812 = arith.addi %add3A_811, %mul3A_753 : i32
      %get3A_813 = arith.index_cast %add3A_812 : i32 to index
      %get3A_814 = tpu.vector_load %arg14[%get3A_813] {strides = array<i32>} : memref<10240xf32, #tpu.memory_space<vmem>>, vector<16xf32>,
      %add3A_815 = arith.addf %add3A_810, %get3A_814 : vector<16xf32>
      %add3A_816 = arith.constant 7680 : i32
      %add3A_817 = arith.addi %add3A_816, %mul3A_753 : i32
      %get3A_818 = arith.index_cast %add3A_817 : i32 to index
      %get3A_819 = tpu.vector_load %arg14[%get3A_818] {strides = array<i32>} : memref<10240xf32, #tpu.memory_space<vmem>>, vector<16xf32>,
      %add3A_820 = arith.addf %add3A_815, %get3A_819 : vector<16xf32>
      %add3A_821 = arith.constant 8320 : i32
      %add3A_822 = arith.addi %add3A_821, %mul3A_753 : i32
      %get3A_823 = arith.index_cast %add3A_822 : i32 to index
      %get3A_824 = tpu.vector_load %arg14[%get3A_823] {strides = array<i32>} : memref<10240xf32, #tpu.memory_space<vmem>>, vector<16xf32>,
      %add3A_825 = arith.addf %add3A_820, %get3A_824 : vector<16xf32>
      %add3A_826 = arith.constant 8960 : i32
      %add3A_827 = arith.addi %add3A_826, %mul3A_753 : i32
      %get3A_828 = arith.index_cast %add3A_827 : i32 to index
      %get3A_829 = tpu.vector_load %arg14[%get3A_828] {strides = array<i32>} : memref<10240xf32, #tpu.memory_space<vmem>>, vector<16xf32>,
      %add3A_830 = arith.addf %add3A_825, %get3A_829 : vector<16xf32>
      %add3A_831 = arith.constant 9600 : i32
      %add3A_832 = arith.addi %add3A_831, %mul3A_753 : i32
      %get3A_833 = arith.index_cast %add3A_832 : i32 to index
      %get3A_834 = tpu.vector_load %arg14[%get3A_833] {strides = array<i32>} : memref<10240xf32, #tpu.memory_space<vmem>>, vector<16xf32>,
      %add3A_835 = arith.addf %add3A_830, %get3A_834 : vector<16xf32>
      %add3A_836 = arith.addf %add3A_835, %get3A_758 : vector<16xf32>
      %mul3A_837 = arith.mulf %add3A_836, %get3A_756 : vector<16xf32>
      %add3A_838 = arith.addf %mul3A_837, %get3A_734 : vector<16xf32>
      %swap3A = arith.index_cast %mul3A_753 : i32 to index
      %swap3A_839 = tpu.vector_load %arg17[%swap3A] {strides = array<i32>} : memref<640xf32, #tpu.memory_space<vmem>>, vector<16xf32>,
      tpu.vector_store %arg17[%swap3A], %add3A_838 {strides = array<i32>} : memref<640xf32, #tpu.memory_space<vmem>>, vector<16xf32>,
    }
    %scan3A_740 = arith.constant 40 : i32
    %lt3A_741 = arith.constant 15 : i32
    %lt3A_742 = arith.cmpi slt, %arg1, %lt3A_741 : i32
    %convert_element_type3A_743 = arith.extui %lt3A_742 : i1 to i32
    %cond3A_744 = arith.constant 0 : i32
    %cond3A_745 = arith.cmpi ne, %convert_element_type3A_743, %cond3A_744 : i32
    scf.if %cond3A_745 {
      "tpu.region"() ({
        %run_scoped3A = tpu.sem_alloc : memref<!tpu.dma_semaphore, #tpu.memory_space<semaphore_mem>>
        %dma_start3A_751 = tpu.memref_slice %arg7[%mul3A_2] : memref<10000xf32, #tpu.memory_space<hbm>> -> memref<640xf32, #tpu.memory_space<hbm>>
        %dma_start3A_752 = tpu.memref_slice %arg7[%mul3A_2] : memref<10000xf32, #tpu.memory_space<hbm>> -> memref<640xf32, #tpu.memory_space<hbm>>
        tpu.enqueue_dma source(%arg17 : memref<640xf32, #tpu.memory_space<vmem>>) target(%dma_start3A_752 : memref<640xf32, #tpu.memory_space<hbm>>) target_semaphore(%run_scoped3A : memref<!tpu.dma_semaphore, #tpu.memory_space<semaphore_mem>>)
        %dma_wait3A_753 = tpu.memref_slice %arg7[%mul3A_2] : memref<10000xf32, #tpu.memory_space<hbm>> -> memref<640xf32, #tpu.memory_space<hbm>>
        %dma_wait3A_754 = tpu.memref_slice %arg7[%mul3A_2] : memref<10000xf32, #tpu.memory_space<hbm>> -> memref<640xf32, #tpu.memory_space<hbm>>
        tpu.wait_dma2 semaphore(%run_scoped3A : memref<!tpu.dma_semaphore, #tpu.memory_space<semaphore_mem>>) src(%arg17 : memref<640xf32, #tpu.memory_space<vmem>>) dst(%dma_wait3A_754 : memref<640xf32, #tpu.memory_space<hbm>>)
        tpu.yield
      }) : () -> ()
    } else {
    }
    %eq3A_746 = arith.constant 15 : i32
    %eq3A_747 = arith.cmpi eq, %arg1, %eq3A_746 : i32
    %convert_element_type3A_748 = arith.extui %eq3A_747 : i1 to i32
    %cond3A_749 = arith.constant 0 : i32
    %cond3A_750 = arith.cmpi ne, %convert_element_type3A_748, %cond3A_749 : i32
    scf.if %cond3A_750 {
      "tpu.region"() ({
        %run_scoped3A = tpu.sem_alloc : memref<!tpu.dma_semaphore, #tpu.memory_space<semaphore_mem>>
        %dma_start3A_751 = arith.constant 0 : i32
        %dma_start3A_752 = tpu.memref_slice %arg17[%dma_start3A_751] : memref<640xf32, #tpu.memory_space<vmem>> -> memref<400xf32, #tpu.memory_space<vmem>>
        %dma_start3A_753 = arith.constant 9600 : i32
        %dma_start3A_754 = tpu.memref_slice %arg7[%dma_start3A_753] : memref<10000xf32, #tpu.memory_space<hbm>> -> memref<400xf32, #tpu.memory_space<hbm>>
        %dma_start3A_755 = arith.constant 9600 : i32
        %dma_start3A_756 = tpu.memref_slice %arg7[%dma_start3A_755] : memref<10000xf32, #tpu.memory_space<hbm>> -> memref<400xf32, #tpu.memory_space<hbm>>
        %dma_start3A_757 = arith.constant 0 : i32
        %dma_start3A_758 = tpu.memref_slice %arg17[%dma_start3A_757] : memref<640xf32, #tpu.memory_space<vmem>> -> memref<400xf32, #tpu.memory_space<vmem>>
        tpu.enqueue_dma source(%dma_start3A_758 : memref<400xf32, #tpu.memory_space<vmem>>) target(%dma_start3A_756 : memref<400xf32, #tpu.memory_space<hbm>>) target_semaphore(%run_scoped3A : memref<!tpu.dma_semaphore, #tpu.memory_space<semaphore_mem>>)
        %dma_wait3A_759 = arith.constant 0 : i32
        %dma_wait3A_760 = tpu.memref_slice %arg17[%dma_wait3A_759] : memref<640xf32, #tpu.memory_space<vmem>> -> memref<400xf32, #tpu.memory_space<vmem>>
        %dma_wait3A_761 = arith.constant 9600 : i32
        %dma_wait3A_762 = tpu.memref_slice %arg7[%dma_wait3A_761] : memref<10000xf32, #tpu.memory_space<hbm>> -> memref<400xf32, #tpu.memory_space<hbm>>
        %dma_wait3A_763 = arith.constant 9600 : i32
        %dma_wait3A_764 = tpu.memref_slice %arg7[%dma_wait3A_763] : memref<10000xf32, #tpu.memory_space<hbm>> -> memref<400xf32, #tpu.memory_space<hbm>>
        %dma_wait3A_765 = arith.constant 0 : i32
        %dma_wait3A_766 = tpu.memref_slice %arg17[%dma_wait3A_765] : memref<640xf32, #tpu.memory_space<vmem>> -> memref<400xf32, #tpu.memory_space<vmem>>
        tpu.wait_dma2 semaphore(%run_scoped3A : memref<!tpu.dma_semaphore, #tpu.memory_space<semaphore_mem>>) src(%dma_wait3A_766 : memref<400xf32, #tpu.memory_space<vmem>>) dst(%dma_wait3A_764 : memref<400xf32, #tpu.memory_space<hbm>>)
        tpu.yield
      }) : () -> ()
    } else {
    }
    return
  }
}

module attributes {stable_mosaic.version = 14 : i64} {
  func.func @_mv_body(%arg0: i32, %arg1: memref<1000x128xf32, #tpu.memory_space<vmem>>, %arg2: memref<128x1xf32, #tpu.memory_space<vmem>>, %arg3: memref<1000x1xf32, #tpu.memory_space<vmem>>) attributes {dimension_semantics = [#tpu.dimension_semantics<arbitrary>], iteration_bounds = array<i64: 10>, scalar_prefetch = 0 : i64, scratch_operands = 0 : i64, tpu.core_type = #tpu.core_type<tc>, window_params = [{transform_indices = @transform_0, window_bounds = array<i64: 1000, 128>}, {pipeline_mode = #tpu.pipeline_mode<synchronous>, transform_indices = @transform_1, window_bounds = array<i64: 128, 1>}, {transform_indices = @transform_2, window_bounds = array<i64: 1000, 1>}]} {
    %get3A = arith.constant 0 : index
    %get3A_0 = arith.constant 0 : index
    %get3A_1 = vector.load %arg1[%get3A, %get3A_0] : memref<1000x128xf32, #tpu.memory_space<vmem>>, vector<1000x128xf32>
    %get3A_2 = arith.constant 0 : index
    %get3A_3 = arith.constant 0 : index
    %get3A_4 = vector.load %arg2[%get3A_2, %get3A_3] : memref<128x1xf32, #tpu.memory_space<vmem>>, vector<128x1xf32>
    %dot_general3A = arith.constant dense<0.000000e+00> : vector<1000x1xf32>
    %dot_general3A_5 = tpu.matmul %get3A_1, %get3A_4, %dot_general3A {dimension_numbers = #tpu.dot_dimension_numbers<[1], [0], [0], [1], [0, 0, 1, 1], [], []>, transpose_lhs_hint = false} : vector<1000x128xf32>, vector<128x1xf32>, vector<1000x1xf32> -> vector<1000x1xf32>
    %swap3A = arith.constant 0 : index
    %swap3A_6 = arith.constant 0 : index
    %swap3A_7 = vector.load %arg3[%swap3A, %swap3A_6] : memref<1000x1xf32, #tpu.memory_space<vmem>>, vector<1000x1xf32>
    tpu.vector_store %arg3[%swap3A, %swap3A_6], %dot_general3A_5 {strides = array<i32>} : memref<1000x1xf32, #tpu.memory_space<vmem>>, vector<1000x1xf32>,
    return
  }
  func.func @transform_0(%arg0: i32) -> (i32, i32) {
    %c0_i32 = arith.constant 0 : i32
    %c0_i32_0 = arith.constant 0 : i32
    return %arg0, %c0_i32 : i32, i32
  }
  func.func @transform_1(%arg0: i32) -> (i32, i32) {
    %c0_i32 = arith.constant 0 : i32
    %c0_i32_0 = arith.constant 0 : i32
    %c0_i32_1 = arith.constant 0 : i32
    return %c0_i32, %c0_i32_0 : i32, i32
  }
  func.func @transform_2(%arg0: i32) -> (i32, i32) {
    %c0_i32 = arith.constant 0 : i32
    %c0_i32_0 = arith.constant 0 : i32
    return %arg0, %c0_i32 : i32, i32
  }
}

</mosaic_0001>

<sc_bundles>
// kernel: kernel.4.cloned.1.call-start
scs
__scs_entry_jumppad:
0x0: {  	(pc) =	sbr.rel $0x88, $3  }
0x1: {  	(tag) =	ssettag $0x0;
	lr =	simm.s32 $0x1  }
0x2: {  	[smem:$0x3F9A] =	sst lr;
	_ =	strace $0xD0000000  }
0x3: {  	_ = 	snop  }
0x4: {  	_ = 	snop  }
0x5: {  	_ = 	snop  }
0x6: {  	_ = 	snop  }
0x7: {  	_ = 	snop  }
__scs_overlays_trampoline_lowered:
0x8: {  	[smem:$0x3FA9] =	sst s0  }
0x9: {  	[smem:$0x3FAA] =	sst s1  }
0xa: {  	[smem:$0x3FAB] =	sst s2  }
0xb: {  	[smem:$0x3FAC] =	sst s3  }
0xc: {  	[smem:$0x3FAD] =	sst s4  }
0xd: {  	[smem:$0x3FAE] =	sst s5  }
0xe: {  	[smem:$0x3FAF] =	sst s6  }
0xf: {  	[smem:$0x3FB0] =	sst s7  }
0x10: {  	[smem:$0x3FB1] =	sst s8  }
0x11: {  	[smem:$0x3FB2] =	sst s9;
	s0 =	simm.s32 @!p0 $0x0  }
0x12: {  	s1 =	sld [smem:$0x3F98];
	s0 =	simm.s32 @p0 $0x1  }
0x13: {  	[smem:$0x3FB3] =	sst s0;
	s0 =	simm.s32 @!p1 $0x0  }
0x14: {  	s2 =	sld [smem:$0x3F97];
	s0 =	simm.s32 @p1 $0x1  }
0x15: {  	[smem:$0x3FB4] =	sst s0;
	s0 =	simm.s32 @!p2 $0x0  }
0x16: {  	s3 =	sld [smem:$0x3FDB];
	s0 =	simm.s32 @p2 $0x1  }
0x17: {  	s4 =	simm.s32 $0x1BF5;
	[smem:$0x3FB6] =	sst s0  }
0x18: {  	s0 =	sld [smem:$0x3F99];
	_ =	swait.ge [sflag:s4], $0x0  }
0x19: {  	s7 =	sld [smem:$0x3F9A]  }
0x1a: {  	s8 =	sadd.s32 $0xFFFFE003, lr  }
0x1b: {  	s9 =	sadd.s32 $0xFFFFFEF7, lr;
	s5 =	simm.s32 $0xFFFFFFFF;
	p2 =	slt.u32 s8, $0xFFFFF086  }
0x1c: {  	p1 =	slt.u32 s9, $0xF7A;
	s5 =	simm.s32 @!p2 $0x0  }
0x1d: {  	s5 =	simm.s32 @p1 $0x1;
	p0 =	seq.s32 s7, s2  }
0x1e: {  	s7 =	smul.u32 @!p0 $0xF7A, s2;
	p2 =	seq.s32 @!p0 s5, $0x0  }
0x1f: {  	s9 =	smul.u32 $0xF7A, s1;
	s8 =	simm.s32 @!p0 $0x1BF5;
	p2 =	por !p2, p0  }
0x20: {  	[sflag:s8] =	ssyncset.s32 @!p0 $0xFFFFF086;
	s6 =	sadd.s32 @!p0 s3, s7;
	s7 =	simm.s32 @!p0 $0x108  }
0x21: {  	s3 =	sadd.s32 s3, s9;
	s6 =	sadd.s32 @!p0 $0x88, s6;
	s7 =	simm.s32 @p2 $0x1082  }
0x22: {  	[simem:s7], [sflag:s8] =	dma.local @!p0 [hbm:s6], $0xF7A  }
0x23: {  	s9 =	sor.u32 $0xD0000000, s2;
	s6 =	simm.s32 $0x108;
	_ =	swait.ge @!p0 [sflag:s8], $0x0  }
0x24: {  	s3 =	sadd.s32 $0x88, s3;
	s6 =	simm.s32 @!p1 $0x1082;
	[sflag:s4] =	ssyncset.s32 $0xFFFFF086  }
0x25: {  	[simem:s6], [sflag:s4] =	dma.local [hbm:s3], $0xF7A  }
0x26: {  	[smem:$0x3F9A] =	sst s1;
	(tag) =	ssettag s2;
	_ =	strace s9  }
0x27: {  	s1 =	sld [smem:$0x3FAA]  }
0x28: {  	s2 =	sld [smem:$0x3FAB]  }
0x29: {  	s4 =	sld [smem:$0x3FAD]  }
0x2a: {  	p0 =	seq.s32 s5, $0x0;
	s5 =	sld [smem:$0x3FAE]  }
0x2b: {  	s6 =	sld [smem:$0x3FAF]  }
0x2c: {  	s7 =	sld [smem:$0x3FB0]  }
0x2d: {  	s3 =	simm.s32 $0x108;
	s8 =	sld [smem:$0x3FB1]  }
0x2e: {  	s3 =	simm.s32 @!p0 $0x1082;
	s9 =	sld [smem:$0x3FB2]  }
0x2f: {  	lr =	sadd.s32 s0, s3;
	s0 =	sld [smem:$0x3FA9]  }
0x30: {  	s3 =	sld [smem:$0x3FAC]  }
0x31: {  	[smem:$0x3FB5] =	sst s10  }
0x32: {  	s10 =	sld [smem:$0x3FB3];
	_ =	sdelay $0x3  }
0x33: {  	p0 =	seq.s32 s10, $0x1;
	s10 =	sld [smem:$0x3FB5];
	_ =	sdelay $0x3  }
0x34: {  	[smem:$0x3FB5] =	sst s10  }
0x35: {  	s10 =	sld [smem:$0x3FB4];
	_ =	sdelay $0x3  }
0x36: {  	p1 =	seq.s32 s10, $0x1;
	s10 =	sld [smem:$0x3FB5];
	_ =	sdelay $0x3  }
0x37: {  	[smem:$0x3FB5] =	sst s10  }
0x38: {  	s10 =	sld [smem:$0x3FB6]  }
0x39: {  	_ = 	snop;
	(pc) =	sbr.ind lr, $3  }
0x3a: {  	_ = 	snop  }
0x3b: {  	_ = 	snop  }
0x3c: {  	p2 =	seq.s32 s10, $0x1;
	s10 =	sld [smem:$0x3FB5]  }
0x3d: {  	_ =	shalt  }
0x3e: {  	_ =	shalt  }
0x3f: {  	_ =	shalt  }
0x40: {  	_ =	shalt  }
0x41: {  	_ =	shalt  }
0x42: {  	_ =	shalt  }
0x43: {  	_ =	shalt  }
0x44: {  	_ =	shalt  }
0x45: {  	_ =	shalt  }
0x46: {  	_ =	shalt  }
0x47: {  	_ =	shalt  }
0x48: {  	_ =	shalt  }
0x49: {  	_ =	shalt  }
0x4a: {  	_ =	shalt  }
0x4b: {  	_ =	shalt  }
0x4c: {  	_ =	shalt  }
0x4d: {  	_ =	shalt  }
0x4e: {  	_ =	shalt  }
0x4f: {  	_ =	shalt  }
0x50: {  	_ =	shalt  }
0x51: {  	_ =	shalt  }
0x52: {  	_ =	shalt  }
0x53: {  	_ =	shalt  }
0x54: {  	_ =	shalt  }
0x55: {  	_ =	shalt  }
0x56: {  	_ =	shalt  }
0x57: {  	_ =	shalt  }
0x58: {  	_ =	shalt  }
0x59: {  	_ =	shalt  }
0x5a: {  	_ =	shalt  }
0x5b: {  	_ =	shalt  }
0x5c: {  	_ =	shalt  }
0x5d: {  	_ =	shalt  }
0x5e: {  	_ =	shalt  }
0x5f: {  	_ =	shalt  }
0x60: {  	_ =	shalt  }
0x61: {  	_ =	shalt  }
0x62: {  	_ =	shalt  }
0x63: {  	_ =	shalt  }
0x64: {  	_ =	shalt  }
0x65: {  	_ =	shalt  }
0x66: {  	_ =	shalt  }
0x67: {  	_ =	shalt  }
0x68: {  	_ =	shalt  }
0x69: {  	_ =	shalt  }
0x6a: {  	_ =	shalt  }
0x6b: {  	_ =	shalt  }
0x6c: {  	_ =	shalt  }
0x6d: {  	_ =	shalt  }
0x6e: {  	_ =	shalt  }
0x6f: {  	_ =	shalt  }
0x70: {  	_ =	shalt  }
0x71: {  	_ =	shalt  }
0x72: {  	_ =	shalt  }
0x73: {  	_ =	shalt  }
0x74: {  	_ =	shalt  }
0x75: {  	_ =	shalt  }
0x76: {  	_ =	shalt  }
0x77: {  	_ =	shalt  }
0x78: {  	_ =	shalt  }
0x79: {  	_ =	shalt  }
0x7a: {  	_ =	shalt  }
0x7b: {  	_ =	shalt  }
0x7c: {  	_ =	shalt  }
0x7d: {  	_ =	shalt  }
0x7e: {  	_ =	shalt  }
0x7f: {  	_ =	shalt  }
0x80: {  	_ =	shalt  }
0x81: {  	_ =	shalt  }
0x82: {  	_ =	shalt  }
0x83: {  	_ =	shalt  }
0x84: {  	_ =	shalt  }
0x85: {  	_ =	shalt  }
0x86: {  	_ =	shalt  }
0x87: {  	_ =	shalt  }
.Lfunc_end0:
.L_simem_size_0:
called_computation_lowered:
.L_overlay_start_0:
0x88: {  	s0 =	sld [smem:$0x3FD9]  }
0x89: {  	s1 =	sld [smem:$0x3FFE];
	_ =	sdelay $0x3  }
0x8a: {  	s0 =	sadd.s32 s1, s0  }
0x8b: {  	[smem:$0x3FC1] =	sst s0  }
0x8c: {  	_ = 	snop  }
0x8d: {  	s0 =	sld [smem:$0x3FD0];
	_ =	sdelay $0x2  }
0x8e: {  	s13 =	simm.s32 $0xA;
	s2 =	simm.s32 $0x10  }
0x8f: {  	[smem:s2], [sflag:s13] =	dma.local [hbm:s0], $0x1  }
0x90: {  	_ =	swait.eq [sflag:s13], $0x1  }
0x91: {  	[sflag:s13] =	ssyncset.done $0x0  }
0x92: {  	[sflag:s13] =	ssyncadd.s32 $0xFFFFFFFF  }
0x93: {  	s14 =	sld [smem:$0x11];
	(tm) =	ssettm $0x1  }
0x94: {  	s15 =	sld [smem:$0x3FFB];
	_ =	sdelay $0x3  }
0x95: {  	_ =	strace s15  }
0x96: {  	s1 =	sld [smem:$0x3FFC];
	_ =	sdelay $0x3  }
0x97: {  	_ =	strace s1  }
0x98: {  	s1 =	sld [smem:$0x3FFD];
	_ =	sdelay $0x3  }
0x99: {  	_ =	strace s1  }
0x9a: {  	_ =	strace $0x8FFFFFFF  }
0x9b: {  	s16 =	sld [smem:$0x3FDB];
	_ =	sdelay $0x1  }
0x9c: {  	s17 =	simm.s32 $_scs_section_size  }
0x9d: {  	s3 =	simm.s32 $_size__tile_overlayer_lowered;
	s4 =	simm.s32 $_tile_overlayer_lowered  }
0x9e: {  	s20 =	simm.s32 $0x1BFF;
	s19 =	sshll.u32 s4, $0x1;
	s1 =	sadd.s32 s17, s16  }
0x9f: {  	s5 =	simm.s32 $0x0;
	s18 =	sshll.u32 s3, $0x1;
	s3 =	sadd.s32 s19, s1  }
0xa0: {  	[timem:s5], [sflag:s20] =	dma.local [hbm:s3], s18  }
0xa1: {  	_ =	swait.ge [sflag:s20], s18  }
0xa2: {  	s2 =	ssub.s32 $0x0, s18;
	[sflag:s20] =	ssyncset.done $0x0  }
0xa3: {  	[sflag:s20] =	ssyncadd.s32 s2;
	_ =	sdelay $0x1  }
0xa4: {  	s21 =	simm.s32 $0x1B8B  }
0xa5: {  	_ =	swait.ge [sflag:s21], $0x1  }
0xa6: {  	[sflag:s21] =	ssyncset.done $0x0  }
0xa7: {  	s23 =	simm.s32 $0x1B8E;
	s22 =	sld [smem:$0x3FFE];
	[sflag:s21] =	ssyncadd.s32 $0xFFFFFFFF  }
0xa8: {  	s24 =	simm.s32 $execute0_lowered;
	[smem:$0x3FD2] =	sst s23  }
0xa9: {  	s3 =	sshll.u32 s24, $0x1;
	_ =	strace $0x80000046;
	[dreg:$0x1] =	wrdreg $0xFFFFFFFF  }
0xaa: {  	s25 =	simm.s32 $_size_execute0_lowered;
	s1 =	sadd.s32 s1, s3;
	[dreg:$0x0] =	wrdreg $0x0  }
0xab: {  	s3 =	sshll.u32 s25, $0x1;
	[dreg:$0x2] =	wrdreg s1  }
0xac: {  	[dreg:$0x3] =	wrdreg s3  }
0xad: {  	[dreg:$0x4] =	wrdreg $0xC0  }
0xae: {  	_ =	task [dreg:s5], $0x5FFFF  }
0xaf: {  	[dreg:$0x1] =	wrdreg $0xFFFFFFFF  }
0xb0: {  	[dreg:$0x0] =	wrdreg $0x60  }
0xb1: {  	[dreg:$0x2] =	wrdreg s22  }
0xb2: {  	[dreg:$0x3] =	wrdreg s14  }
0xb3: {  	[dreg:$0x4] =	wrdreg $0x198000  }
0xb4: {  	[dreg:$0x5] =	wrdreg $0x1C0000  }
0xb5: {  	[dreg:$0x6] =	wrdreg $0x9  }
0xb6: {  	_ =	task.clear_ibuf [dreg:s5], $0x7FFFF;
	_ =	strace $0x90000046  }
0xb7: {  	s26 =	simm.s32 $0x9;
	_ =	strace $0x80000048  }
0xb8: {  	_ =	swait.ge [sflag:s26], $0x1  }
0xb9: {  	[sflag:s26] =	ssyncadd.s32 $0xFFFFFFFF  }
0xba: {  	_ =	strace $0x90000048  }
0xbb: {  	_ =	sfence  }
0xbc: {  	s28 =	sld [smem:$0x0];
	_ =	sdelay $0x1  }
0xbd: {  	s29 =	srdreg.scid  }
0xbe: {  	s30 =	sshll.u32 s29, $0xD;
	s31 =	sshrl.u32 s29, $0x2  }
0xbf: {  	s2 =	sand.u32 $0x4000, s30;
	s1 =	sand.u32 $0x1, s29;
	s0 =	sadd.s32 s31, s28  }
0xc0: {  	s1 =	sor.u32 s2, s1;
	s0 =	sshll.u32 s0, $0x11  }
0xc1: {  	s0 =	sor.u32 s0, s1  }
0xc2: {  	s0 =	sadd.s32 $0x8F2B, s0  }
0xc3: {  	[sflag:s0] =	ssyncadd.remote.s32 $0x1  }
0xc4: {  	_ =	sfence.sel $0xFFFF  }
0xc5: {  	[dreg:$0x0] =	wrdreg $0xFFFFFFFF;
	(pc) =	sbr.abs _section_cstart, $3  }
0xc6: {  	[dreg:$0x1] =	wrdreg $0xFFFFFFFF  }
0xc7: {  	_ =	task.clear_ibuf [dreg:s5], $0x2FFFF;
	_ =	strace $0x9FFFFFFF  }
0xc8: {  	(tm) =	ssettm $0x7FFFFFFF  }
0xc9: {  	_ =	shalt  }
tec
execute0_lowered:
.L_overlay_start_1:
0x0: {  	(tag) =	ssettag $0x1  }
0x1: {  	s1 =	rddreg [dreg:$0x0];
	s0 =	stileid.u32  }
0x2: {  	s2 =	rddreg [dreg:$0x1];
	s4 =	smul.u32 $0x9C0, s0  }
0x3: {  	s3 =	rddreg [dreg:$0x2];
	s5 =	simm.s32 $0x0  }
0x4: {  	[smem:$0x7FF] =	sst s5;
	s4 =	sadd.s32 s1, s4  }
0x5: {  	s23 =	rddreg [dreg:$0x3];
	_ =	strace $0x80000047;
	s6 =	sadd.s32 $0x9E00, s4  }
0x6: {  	[tilespmem:s5], [sflag:$0x1] =	stream.linear.gather [hbm4b:s6+s5], $0x5000, $0x38;
	[tilespmem:$0x1C500] =	vst v63  }
0x7: {  	s22 =	simm.s32 $0x5000  }
0x8: {  	[tilespmem:s22], [sflag:$0x1] =	stream.linear.gather [hbm4b:s4+s5], $0x5000, $0x38;
	[tilespmem:$0x1C500] =	vst v63  }
0x9: {  	s24 =	simm.s32 $0xA000;
	s4 =	sadd.s32 $0x14200, s4  }
0xa: {  	[tilespmem:s24], [sflag:$0x1] =	stream.linear.gather [hbm4b:s4+s5], $0x5000, $0x38;
	[tilespmem:$0x1C500] =	vst v63  }
0xb: {  	s25 =	simm.s32 $0x19780;
	p0 =	seq.s32 s0, $0xF  }
0xc: {  	v0 =	vimm.f32 @p0 $0.0e+00;
	[tilespmem:s25], [sflag:$0x1] =	stream.linear.gather [hbm4b:s2+s5], $0x80, $0x38;
	[tilespmem:$0x1C500] =	vst v63  }
0xd: {  	[tilespmem:$0x19180] =	vst @p0 v0  }
0xe: {  	[tilespmem:$0x19190] =	vst @p0 v0  }
0xf: {  	[tilespmem:$0x191A0] =	vst @p0 v0  }
0x10: {  	[tilespmem:$0x191B0] =	vst @p0 v0  }
0x11: {  	[tilespmem:$0x191C0] =	vst @p0 v0  }
0x12: {  	[tilespmem:$0x191D0] =	vst @p0 v0  }
0x13: {  	[tilespmem:$0x191E0] =	vst @p0 v0  }
0x14: {  	[tilespmem:$0x191F0] =	vst @p0 v0  }
0x15: {  	[tilespmem:$0x19200] =	vst @p0 v0  }
0x16: {  	[tilespmem:$0x19210] =	vst @p0 v0  }
0x17: {  	[tilespmem:$0x19220] =	vst @p0 v0  }
0x18: {  	[tilespmem:$0x19230] =	vst @p0 v0  }
0x19: {  	[tilespmem:$0x19240] =	vst @p0 v0  }
0x1a: {  	[tilespmem:$0x19250] =	vst @p0 v0  }
0x1b: {  	s4 =	sadd.s32 $0x13C00, s1;
	[tilespmem:$0x19260] =	vst @p0 v0  }
0x1c: {  	s6 =	simm.s32 @p0 $0x19000;
	s2 =	sadd.s32 @p0 $0x4B0, s4;
	s5 =	simm.s32 @p0 $0x0;
	[tilespmem:$0x19270] =	vst @p0 v0  }
0x1d: {  	[tilespmem:s6], [sflag:$0x2] =	stream.linear.gather @p0 [hbm4b:s2+s5], $0x190, $0x38;
	[tilespmem:$0x1C500] =	vst v63  }
0x1e: {  	s5 =	simm.s32 @p0 $0x2;
	s2 =	smul.u32 $0x280, s0  }
0x1f: {  	_ =	swait.ge @p0 [sflag:s5], $0x190  }
0x20: {  	s7 =	simm.s32 @!p0 $0x19000;
	[sflag:s5] =	ssyncset.done @p0 $0x0;
	s6 =	sshrl.u32 s2, $0x3  }
0x21: {  	[sflag:s5] =	ssyncadd.s32 @p0 $0xFFFFFE70;
	s4 =	sadd.s32 @!p0 s4, s6;
	s5 =	simm.s32 @!p0 $0x0  }
0x22: {  	[tilespmem:s7], [sflag:$0x2] =	stream.linear.gather @!p0 [hbm4b:s4+s5], $0x280, $0x38;
	[tilespmem:$0x1C500] =	vst v63  }
0x23: {  	s4 =	simm.s32 @!p0 $0x2  }
0x24: {  	_ =	swait.ge @!p0 [sflag:s4], $0x280  }
0x25: {  	[sflag:s4] =	ssyncset.done @!p0 $0x0  }
0x26: {  	s26 =	simm.s32 $0x1;
	[sflag:s4] =	ssyncadd.s32 @!p0 $0xFFFFFD80  }
0x27: {  	_ =	swait.ge [sflag:s26], $0x5000  }
0x28: {  	[sflag:s26] =	ssyncset.done $0x0  }
0x29: {  	[sflag:s26] =	ssyncadd.s32 $0xFFFFB000  }
0x2a: {  	_ =	swait.ge [sflag:s26], $0x5000  }
0x2b: {  	[sflag:s26] =	ssyncset.done $0x0  }
0x2c: {  	[sflag:s26] =	ssyncadd.s32 $0xFFFFB000  }
0x2d: {  	_ =	swait.ge [sflag:s26], $0x5000  }
0x2e: {  	[sflag:s26] =	ssyncset.done $0x0  }
0x2f: {  	[sflag:s26] =	ssyncadd.s32 $0xFFFFB000  }
0x30: {  	_ =	swait.ge [sflag:s26], $0x80  }
0x31: {  	[sflag:s26] =	ssyncset.done $0x0  }
0x32: {  	s28 =	simm.s32 $0x14080;
	v0 =	vimm.f32 $0.0e+00;
	[sflag:s26] =	ssyncadd.s32 $0xFFFFFF80  }
0x33: {  	[tilespmem:s28+$0xFFFFFF80] =	vst v0  }
0x34: {  	[tilespmem:s28+$0x70] =	vst v0  }
0x35: {  	[tilespmem:s28+$0x60] =	vst v0  }
0x36: {  	[tilespmem:s28+$0x50] =	vst v0  }
0x37: {  	[tilespmem:s28+$0x40] =	vst v0  }
0x38: {  	[tilespmem:s28+$0x30] =	vst v0  }
0x39: {  	s21 =	simm.s32 $0x5000;
	[tilespmem:s28+$0x20] =	vst v0  }
0x3a: {  	s29 =	smul.u32 $0xA000, s0;
	s21 =	simm.s32 @!p0 $0x4E00;
	s25 =	sadd.s32 $0x2800, s23;
	[tilespmem:s28+$0x10] =	vst v0  }
0x3b: {  	s18 =	sadd.s32 s2, s3;
	s30 =	sadd.s32 $0x2800, s2;
	s24 =	sadd.s32 s6, s1;
	[tilespmem:s28+$0x0] =	vst v0  }
0x3c: {  	s20 =	sadd.s32 s30, s3;
	s19 =	sadd.s32 $0x5000, s18;
	s16 =	sadd.s32 $0x7800, s18;
	[tilespmem:s28+$0xFFFFFFF0] =	vst v0  }
0x3d: {  	s17 =	sadd.s32 $0xA000, s18;
	s15 =	sadd.s32 $0xC800, s18;
	s13 =	sadd.s32 $0xF000, s18;
	[tilespmem:s28+$0xFFFFFFE0] =	vst v0  }
0x3e: {  	s14 =	sadd.s32 $0x11800, s18;
	s12 =	sadd.s32 $0x14000, s18;
	s10 =	sadd.s32 $0x16800, s18;
	[tilespmem:s28+$0xFFFFFFD0] =	vst v0  }
0x3f: {  	s11 =	sadd.s32 $0x19000, s18;
	s9 =	sadd.s32 $0x1B800, s18;
	s31 =	sadd.s32 $0x1E000, s24;
	[tilespmem:s28+$0xFFFFFFC0] =	vst v0  }
0x40: {  	s8 =	sadd.s32 $0x20800, s18;
	s1 =	sadd.s32 $0x1E4B0, s1;
	[dreg:$0x5] =	wrdreg s31  }
0x41: {  	s6 =	sadd.s32 $0x23000, s18;
	s7 =	sadd.s32 $0x1E000, s18;
	[dreg:$0x6] =	wrdreg s1  }
0x42: {  	s5 =	sadd.s32 $0x25800, s18;
	s24 =	sadd.s32 s2, s23;
	s4 =	sshrl.u32 s29, $0x2;
	[tilespmem:s28+$0xFFFFFFB0] =	vst v0  }
0x43: {  	s22 =	sadd.s32 s4, s3;
	s26 =	sadd.s32 s30, s23;
	s1 =	simm.s32 $0x0;
	[tilespmem:s28+$0xFFFFFFA0] =	vst v0  }
.LBB2_1:
0x44: {  	s1 =	sadd.s32 $0x100, s1;
	[tilespmem:s28+$0xFFFFFF90] =	vst v0;
	s28 =	sadd.s32 $0x100, s28  }
0x45: {  	[tilespmem:s28+$0xFFFFFF80] =	vst v0;
	p1 =	slt.u32 s1, $0x2700  }
0x46: {  	[tilespmem:s28+$0x70] =	vst v0  }
0x47: {  	[tilespmem:s28+$0x60] =	vst v0  }
0x48: {  	[tilespmem:s28+$0x50] =	vst v0  }
0x49: {  	[tilespmem:s28+$0x40] =	vst v0  }
0x4a: {  	[tilespmem:s28+$0x30] =	vst v0  }
0x4b: {  	[tilespmem:s28+$0x20] =	vst v0  }
0x4c: {  	[tilespmem:s28+$0x10] =	vst v0  }
0x4d: {  	[tilespmem:s28+$0x0] =	vst v0  }
0x4e: {  	[tilespmem:s28+$0xFFFFFFF0] =	vst v0  }
.Ltmp0:
0x4f: {  	[tilespmem:s28+$0xFFFFFFE0] =	vst v0;
	(pc) =	sbr.rel @p1 .LBB2_1-.Ltmp0, $4  }
0x50: {  	[tilespmem:s28+$0xFFFFFFD0] =	vst v0  }
0x51: {  	[tilespmem:s28+$0xFFFFFFC0] =	vst v0  }
0x52: {  	[tilespmem:s28+$0xFFFFFFB0] =	vst v0  }
0x53: {  	[tilespmem:s28+$0xFFFFFFA0] =	vst v0  }
0x54: {  	[tilespmem:s28+$0xFFFFFF90] =	vst v0;
	s1 =	simm.s32 $0x5080  }
0x55: {  	v0 =	vld [tilespmem:s1+$0x70]  }
0x56: {  	v1 =	vld [tilespmem:s1+$0xFFFFFF90]  }
0x57: {  	s28 =	simm.s32 $0xA080;
	v2 =	vld [tilespmem:s1+$0xFFFFFFA0]  }
0x58: {  	v3 =	vld [tilespmem:s28+$0x70]  }
0x59: {  	v4 =	vld [tilespmem:s1+$0xFFFFFFB0]  }
0x5a: {  	v5 =	vld [tilespmem:s1+$0xFFFFFFC0]  }
0x5b: {  	v6 =	vld [tilespmem:s1+$0xFFFFFFD0]  }
0x5c: {  	v7 =	vld [tilespmem:s1+$0xFFFFFFE0]  }
0x5d: {  	v62 =	vld [tilespmem:s1+$0xFFFFFFF0]  }
0x5e: {  	v63 =	vld [tilespmem:s1+$0x0]  }
0x5f: {  	v8 =	vld [tilespmem:s1+$0x10]  }
0x60: {  	v9 =	vld [tilespmem:s1+$0x20]  }
0x61: {  	v10 =	vld [tilespmem:s1+$0x30]  }
0x62: {  	v11 =	vld [tilespmem:s1+$0x40]  }
0x63: {  	v12 =	vld [tilespmem:s1+$0x50]  }
0x64: {  	v13 =	vld [tilespmem:s1+$0x60]  }
0x65: {  	v14 =	vld [tilespmem:s1+$0xFFFFFF80]  }
0x66: {  	v15 =	vld [tilespmem:s28+$0xFFFFFF80]  }
0x67: {  	v16 =	vld [tilespmem:s28+$0xFFFFFF90]  }
0x68: {  	v17 =	vld [tilespmem:s28+$0xFFFFFFA0]  }
0x69: {  	v18 =	vld [tilespmem:s28+$0xFFFFFFB0]  }
0x6a: {  	v19 =	vld [tilespmem:s28+$0xFFFFFFC0]  }
0x6b: {  	v20 =	vld [tilespmem:s28+$0xFFFFFFD0]  }
0x6c: {  	v21 =	vld [tilespmem:s28+$0xFFFFFFE0]  }
0x6d: {  	v22 =	vld [tilespmem:s28+$0xFFFFFFF0]  }
0x6e: {  	v23 =	vld [tilespmem:s28+$0x0]  }
0x6f: {  	v24 =	vld [tilespmem:s28+$0x10]  }
0x70: {  	v25 =	vld [tilespmem:s28+$0x20]  }
0x71: {  	v26 =	vld [tilespmem:s28+$0x30]  }
0x72: {  	v27 =	vld [tilespmem:s28+$0x40]  }
0x73: {  	v28 =	vld [tilespmem:s28+$0x50]  }
0x74: {  	s29 =	simm.s32 $0x14000;
	v29 =	vld [tilespmem:s28+$0x60]  }
0x75: {  	[tilespmem:v0+s29+$0x0] =	vst.idx.add.f32.msk $0xffff, v3  }
0x76: {  	[tilespmem:v14+s29+$0x0] =	vst.idx.add.f32.msk $0xffff, v15  }
0x77: {  	[tilespmem:v1+s29+$0x0] =	vst.idx.add.f32.msk $0xffff, v16  }
0x78: {  	[tilespmem:v2+s29+$0x0] =	vst.idx.add.f32.msk $0xffff, v17  }
0x79: {  	[tilespmem:v4+s29+$0x0] =	vst.idx.add.f32.msk $0xffff, v18  }
0x7a: {  	[tilespmem:v5+s29+$0x0] =	vst.idx.add.f32.msk $0xffff, v19  }
0x7b: {  	[tilespmem:v6+s29+$0x0] =	vst.idx.add.f32.msk $0xffff, v20  }
0x7c: {  	[tilespmem:v7+s29+$0x0] =	vst.idx.add.f32.msk $0xffff, v21  }
0x7d: {  	[tilespmem:v62+s29+$0x0] =	vst.idx.add.f32.msk $0xffff, v22  }
0x7e: {  	[tilespmem:v63+s29+$0x0] =	vst.idx.add.f32.msk $0xffff, v23  }
0x7f: {  	p1 =	sgt.u32 s21, $0x100;
	[tilespmem:v8+s29+$0x0] =	vst.idx.add.f32.msk $0xffff, v24  }
.Ltmp1:
0x80: {  	[tilespmem:v9+s29+$0x0] =	vst.idx.add.f32.msk $0xffff, v25;
	(pc) =	sbr.rel @!p1 .LBB2_4-.Ltmp1, $4  }
0x81: {  	[tilespmem:v10+s29+$0x0] =	vst.idx.add.f32.msk $0xffff, v26  }
0x82: {  	[tilespmem:v11+s29+$0x0] =	vst.idx.add.f32.msk $0xffff, v27  }
0x83: {  	[tilespmem:v12+s29+$0x0] =	vst.idx.add.f32.msk $0xffff, v28  }
0x84: {  	s3 =	simm.s32 $0x5180;
	s1 =	simm.s32 $0x100;
	[tilespmem:v13+s29+$0x0] =	vst.idx.add.f32.msk $0xffff, v29  }
.LBB2_3:
0x85: {  	v0 =	vld [tilespmem:s3+$0x70];
	s1 =	sadd.s32 $0x100, s1  }
0x86: {  	v1 =	vld [tilespmem:s3+$0xFFFFFF90];
	p1 =	slt.u32 s1, s21  }
0x87: {  	s28 =	sadd.s32 $0x100, s28;
	v2 =	vld [tilespmem:s3+$0xFFFFFFA0]  }
0x88: {  	v3 =	vld [tilespmem:s28+$0x70]  }
0x89: {  	v4 =	vld [tilespmem:s3+$0xFFFFFFB0]  }
0x8a: {  	v5 =	vld [tilespmem:s3+$0xFFFFFFC0]  }
0x8b: {  	v6 =	vld [tilespmem:s3+$0xFFFFFFD0]  }
0x8c: {  	v7 =	vld [tilespmem:s3+$0xFFFFFFE0]  }
0x8d: {  	[tilespmem:v0+s29+$0x0] =	vst.idx.add.f32.msk $0xffff, v3  }
0x8e: {  	v0 =	vld [tilespmem:s3+$0xFFFFFFF0]  }
0x8f: {  	v3 =	vld [tilespmem:s3+$0x0]  }
0x90: {  	v8 =	vld [tilespmem:s3+$0x10]  }
0x91: {  	v9 =	vld [tilespmem:s3+$0x20]  }
0x92: {  	v10 =	vld [tilespmem:s3+$0x30]  }
0x93: {  	v11 =	vld [tilespmem:s3+$0x40]  }
0x94: {  	v12 =	vld [tilespmem:s3+$0x50]  }
0x95: {  	v13 =	vld [tilespmem:s3+$0x60]  }
0x96: {  	v14 =	vld [tilespmem:s3+$0xFFFFFF80]  }
0x97: {  	v15 =	vld [tilespmem:s28+$0xFFFFFF80]  }
0x98: {  	v16 =	vld [tilespmem:s28+$0xFFFFFF90]  }
0x99: {  	v17 =	vld [tilespmem:s28+$0xFFFFFFA0]  }
0x9a: {  	v18 =	vld [tilespmem:s28+$0xFFFFFFB0]  }
0x9b: {  	v19 =	vld [tilespmem:s28+$0xFFFFFFC0]  }
0x9c: {  	v20 =	vld [tilespmem:s28+$0xFFFFFFD0]  }
0x9d: {  	v21 =	vld [tilespmem:s28+$0xFFFFFFE0]  }
0x9e: {  	v22 =	vld [tilespmem:s28+$0xFFFFFFF0]  }
0x9f: {  	v23 =	vld [tilespmem:s28+$0x0]  }
0xa0: {  	v24 =	vld [tilespmem:s28+$0x10]  }
0xa1: {  	v25 =	vld [tilespmem:s28+$0x20]  }
0xa2: {  	v26 =	vld [tilespmem:s28+$0x30]  }
0xa3: {  	v27 =	vld [tilespmem:s28+$0x40]  }
0xa4: {  	v28 =	vld [tilespmem:s28+$0x50]  }
0xa5: {  	v29 =	vld [tilespmem:s28+$0x60]  }
0xa6: {  	[tilespmem:v14+s29+$0x0] =	vst.idx.add.f32.msk $0xffff, v15  }
0xa7: {  	[tilespmem:v1+s29+$0x0] =	vst.idx.add.f32.msk $0xffff, v16  }
0xa8: {  	[tilespmem:v2+s29+$0x0] =	vst.idx.add.f32.msk $0xffff, v17  }
0xa9: {  	[tilespmem:v4+s29+$0x0] =	vst.idx.add.f32.msk $0xffff, v18  }
0xaa: {  	[tilespmem:v5+s29+$0x0] =	vst.idx.add.f32.msk $0xffff, v19  }
0xab: {  	[tilespmem:v6+s29+$0x0] =	vst.idx.add.f32.msk $0xffff, v20  }
0xac: {  	[tilespmem:v7+s29+$0x0] =	vst.idx.add.f32.msk $0xffff, v21  }
0xad: {  	[tilespmem:v0+s29+$0x0] =	vst.idx.add.f32.msk $0xffff, v22  }
0xae: {  	[tilespmem:v3+s29+$0x0] =	vst.idx.add.f32.msk $0xffff, v23  }
0xaf: {  	[tilespmem:v8+s29+$0x0] =	vst.idx.add.f32.msk $0xffff, v24  }
.Ltmp2:
0xb0: {  	[tilespmem:v9+s29+$0x0] =	vst.idx.add.f32.msk $0xffff, v25;
	(pc) =	sbr.rel @p1 .LBB2_3-.Ltmp2, $4  }
0xb1: {  	[tilespmem:v10+s29+$0x0] =	vst.idx.add.f32.msk $0xffff, v26  }
0xb2: {  	[tilespmem:v11+s29+$0x0] =	vst.idx.add.f32.msk $0xffff, v27  }
0xb3: {  	[tilespmem:v12+s29+$0x0] =	vst.idx.add.f32.msk $0xffff, v28  }
0xb4: {  	s3 =	sadd.s32 $0x100, s3;
	[tilespmem:v13+s29+$0x0] =	vst.idx.add.f32.msk $0xffff, v29  }
.LBB2_4:
0xb5: {  	s1 =	simm.s32 $0x14000;
	s3 =	simm.s32 $0x2  }
0xb6: {  	[spmem:s22] =	stream.linear.scatter [tilespmem:s1], [sflag:$0x2], $0x2800, $0x38;
	[tilespmem:$0x1C500] =	vst v63  }
0xb7: {  	_ =	swait.ge [sflag:s3], $0x2800  }
0xb8: {  	[sflag:s3] =	ssyncset.done $0x0  }
0xb9: {  	[sflag:s3] =	ssyncadd.s32 $0xFFFFD800  }
0xba: {  	s28 =	simm.s32 $0x16800;
	[bflag:$0x0] =	sbarrier.arrive $0xFFFF  }
0xbb: {  	[tilespmem:s28], [sflag:$0x1] =	stream.linear.gather [spmem:s18], $0x280, $0x38;
	[tilespmem:$0x1C500] =	vst v63  }
0xbc: {  	s4 =	simm.s32 $0x16A80  }
0xbd: {  	[tilespmem:s4], [sflag:$0x1] =	stream.linear.gather [spmem:s20], $0x280, $0x38;
	[tilespmem:$0x1C500] =	vst v63  }
0xbe: {  	s3 =	simm.s32 $0x16D00  }
0xbf: {  	[tilespmem:s3], [sflag:$0x1] =	stream.linear.gather [spmem:s19], $0x280, $0x38;
	[tilespmem:$0x1C500] =	vst v63  }
0xc0: {  	s4 =	simm.s32 $0x16F80  }
0xc1: {  	[tilespmem:s4], [sflag:$0x1] =	stream.linear.gather [spmem:s16], $0x280, $0x38;
	[tilespmem:$0x1C500] =	vst v63  }
0xc2: {  	s3 =	simm.s32 $0x17200  }
0xc3: {  	[tilespmem:s3], [sflag:$0x1] =	stream.linear.gather [spmem:s17], $0x280, $0x38;
	[tilespmem:$0x1C500] =	vst v63  }
0xc4: {  	s4 =	simm.s32 $0x17480  }
0xc5: {  	[tilespmem:s4], [sflag:$0x1] =	stream.linear.gather [spmem:s15], $0x280, $0x38;
	[tilespmem:$0x1C500] =	vst v63  }
0xc6: {  	s3 =	simm.s32 $0x17700  }
0xc7: {  	[tilespmem:s3], [sflag:$0x1] =	stream.linear.gather [spmem:s13], $0x280, $0x38;
	[tilespmem:$0x1C500] =	vst v63  }
0xc8: {  	s4 =	simm.s32 $0x17980  }
0xc9: {  	[tilespmem:s4], [sflag:$0x1] =	stream.linear.gather [spmem:s14], $0x280, $0x38;
	[tilespmem:$0x1C500] =	vst v63  }
0xca: {  	s3 =	simm.s32 $0x17C00  }
0xcb: {  	[tilespmem:s3], [sflag:$0x1] =	stream.linear.gather [spmem:s12], $0x280, $0x38;
	[tilespmem:$0x1C500] =	vst v63  }
0xcc: {  	s4 =	simm.s32 $0x17E80  }
0xcd: {  	[tilespmem:s4], [sflag:$0x1] =	stream.linear.gather [spmem:s10], $0x280, $0x38;
	[tilespmem:$0x1C500] =	vst v63  }
0xce: {  	s3 =	simm.s32 $0x18100  }
0xcf: {  	[tilespmem:s3], [sflag:$0x1] =	stream.linear.gather [spmem:s11], $0x280, $0x38;
	[tilespmem:$0x1C500] =	vst v63  }
0xd0: {  	s4 =	simm.s32 $0x18380  }
0xd1: {  	[tilespmem:s4], [sflag:$0x1] =	stream.linear.gather [spmem:s9], $0x280, $0x38;
	[tilespmem:$0x1C500] =	vst v63  }
0xd2: {  	s3 =	simm.s32 $0x18600  }
0xd3: {  	[tilespmem:s3], [sflag:$0x1] =	stream.linear.gather [spmem:s7], $0x280, $0x38;
	[tilespmem:$0x1C500] =	vst v63  }
0xd4: {  	s4 =	simm.s32 $0x18880  }
0xd5: {  	[tilespmem:s4], [sflag:$0x1] =	stream.linear.gather [spmem:s8], $0x280, $0x38;
	[tilespmem:$0x1C500] =	vst v63  }
0xd6: {  	s3 =	simm.s32 $0x18B00  }
0xd7: {  	[tilespmem:s3], [sflag:$0x1] =	stream.linear.gather [spmem:s6], $0x280, $0x38;
	[tilespmem:$0x1C500] =	vst v63  }
0xd8: {  	s4 =	simm.s32 $0x18D80;
	s3 =	simm.s32 $0x1  }
0xd9: {  	[tilespmem:s4], [sflag:$0x1] =	stream.linear.gather [spmem:s5], $0x280, $0x38;
	[tilespmem:$0x1C500] =	vst v63  }
0xda: {  	_ =	swait.ge [sflag:s3], $0x280  }
0xdb: {  	[sflag:s3] =	ssyncset.done $0x0  }
0xdc: {  	[sflag:s3] =	ssyncadd.s32 $0xFFFFFD80  }
0xdd: {  	_ =	swait.ge [sflag:s3], $0x280  }
0xde: {  	[sflag:s3] =	ssyncset.done $0x0  }
0xdf: {  	[sflag:s3] =	ssyncadd.s32 $0xFFFFFD80  }
0xe0: {  	_ =	swait.ge [sflag:s3], $0x280  }
0xe1: {  	[sflag:s3] =	ssyncset.done $0x0  }
0xe2: {  	[sflag:s3] =	ssyncadd.s32 $0xFFFFFD80  }
0xe3: {  	_ =	swait.ge [sflag:s3], $0x280  }
0xe4: {  	[sflag:s3] =	ssyncset.done $0x0  }
0xe5: {  	[sflag:s3] =	ssyncadd.s32 $0xFFFFFD80  }
0xe6: {  	_ =	swait.ge [sflag:s3], $0x280  }
0xe7: {  	[sflag:s3] =	ssyncset.done $0x0  }
0xe8: {  	[sflag:s3] =	ssyncadd.s32 $0xFFFFFD80  }
0xe9: {  	_ =	swait.ge [sflag:s3], $0x280  }
0xea: {  	[sflag:s3] =	ssyncset.done $0x0  }
0xeb: {  	[sflag:s3] =	ssyncadd.s32 $0xFFFFFD80  }
0xec: {  	_ =	swait.ge [sflag:s3], $0x280  }
0xed: {  	[sflag:s3] =	ssyncset.done $0x0  }
0xee: {  	[sflag:s3] =	ssyncadd.s32 $0xFFFFFD80  }
0xef: {  	_ =	swait.ge [sflag:s3], $0x280  }
0xf0: {  	[sflag:s3] =	ssyncset.done $0x0  }
0xf1: {  	[sflag:s3] =	ssyncadd.s32 $0xFFFFFD80  }
0xf2: {  	_ =	swait.ge [sflag:s3], $0x280  }
0xf3: {  	[sflag:s3] =	ssyncset.done $0x0  }
0xf4: {  	[sflag:s3] =	ssyncadd.s32 $0xFFFFFD80  }
0xf5: {  	_ =	swait.ge [sflag:s3], $0x280  }
0xf6: {  	[sflag:s3] =	ssyncset.done $0x0  }
0xf7: {  	[sflag:s3] =	ssyncadd.s32 $0xFFFFFD80  }
0xf8: {  	_ =	swait.ge [sflag:s3], $0x280  }
0xf9: {  	[sflag:s3] =	ssyncset.done $0x0  }
0xfa: {  	[sflag:s3] =	ssyncadd.s32 $0xFFFFFD80  }
0xfb: {  	_ =	swait.ge [sflag:s3], $0x280  }
0xfc: {  	[sflag:s3] =	ssyncset.done $0x0  }
0xfd: {  	[sflag:s3] =	ssyncadd.s32 $0xFFFFFD80  }
0xfe: {  	_ =	swait.ge [sflag:s3], $0x280  }
0xff: {  	[sflag:s3] =	ssyncset.done $0x0  }
0x100: {  	[sflag:s3] =	ssyncadd.s32 $0xFFFFFD80  }
0x101: {  	_ =	swait.ge [sflag:s3], $0x280  }
0x102: {  	[sflag:s3] =	ssyncset.done $0x0  }
0x103: {  	[sflag:s3] =	ssyncadd.s32 $0xFFFFFD80  }
0x104: {  	_ =	swait.ge [sflag:s3], $0x280  }
0x105: {  	[sflag:s3] =	ssyncset.done $0x0  }
0x106: {  	[sflag:s3] =	ssyncadd.s32 $0xFFFFFD80  }
0x107: {  	_ =	swait.ge [sflag:s3], $0x280  }
0x108: {  	[sflag:s3] =	ssyncset.done $0x0  }
0x109: {  	s4 =	simm.s32 $0x0;
	[sflag:s3] =	ssyncadd.s32 $0xFFFFFD80  }
0x10a: {  	s1 =	sand.u32 $0x3F0, s4;
	v0 =	vld [tilespmem:s28+$0x0]  }
0x10b: {  	v1 =	vld [tilespmem:s1+$0x16A80];
	_ =	sdelay $0x1  }
0x10c: {  	v2 =	vld [tilespmem:s1+$0x16D00];
	_ =	sdelay $0x1  }
0x10d: {  	v3 =	vld [tilespmem:s1+$0x16F80]  }
0x10e: {  	v0 =	vadd.f32 v1, v0  }
0x10f: {  	v1 =	vld [tilespmem:s1+$0x17200]  }
0x110: {  	v0 =	vadd.f32 v2, v0  }
0x111: {  	v2 =	vld [tilespmem:s1+$0x17480]  }
0x112: {  	v0 =	vadd.f32 v3, v0  }
0x113: {  	v3 =	vld [tilespmem:s1+$0x17700]  }
0x114: {  	v0 =	vadd.f32 v1, v0  }
0x115: {  	v1 =	vld [tilespmem:s1+$0x17980]  }
0x116: {  	v0 =	vadd.f32 v2, v0  }
0x117: {  	v2 =	vld [tilespmem:s1+$0x17C00]  }
0x118: {  	v0 =	vadd.f32 v3, v0  }
0x119: {  	v3 =	vld [tilespmem:s1+$0x17E80]  }
0x11a: {  	v0 =	vadd.f32 v1, v0  }
0x11b: {  	v1 =	vld [tilespmem:s1+$0x18100]  }
0x11c: {  	v0 =	vadd.f32 v2, v0  }
0x11d: {  	v2 =	vld [tilespmem:s1+$0x18380]  }
0x11e: {  	v0 =	vadd.f32 v3, v0  }
0x11f: {  	v3 =	vld [tilespmem:s1+$0x18600]  }
0x120: {  	v0 =	vadd.f32 v1, v0  }
0x121: {  	v1 =	vld [tilespmem:s1+$0x18880]  }
0x122: {  	v0 =	vadd.f32 v2, v0  }
0x123: {  	v2 =	vld [tilespmem:s1+$0x18B00]  }
0x124: {  	v0 =	vadd.f32 v3, v0  }
0x125: {  	v3 =	vld [tilespmem:s1+$0x18D80]  }
0x126: {  	v0 =	vadd.f32 v1, v0;
	_ =	sdelay $0x1  }
0x127: {  	v0 =	vadd.f32 v2, v0;
	_ =	sdelay $0x1  }
0x128: {  	v0 =	vadd.f32 v3, v0;
	_ =	sdelay $0x1  }
0x129: {  	v0 =	vadd.f32 $1.000000000e+00, v0;
	_ =	sdelay $0x1  }
0x12a: {  	v1 =	vshra.s32 v0, $0x1;
	v0 =	vmul.f32 $5.000000000e-01, v0  }
0x12b: {  	v1 =	vsub.s32 $0x5F3759DF, v1  }
0x12c: {  	v2 =	vmul.f32 v1, v0;
	_ =	sdelay $0x1  }
0x12d: {  	v2 =	vmul.f32 v1, v2;
	_ =	sdelay $0x1  }
0x12e: {  	v2 =	vsub.f32 $1.500000000e+00, v2;
	_ =	sdelay $0x1  }
0x12f: {  	v1 =	vmul.f32 v1, v2;
	_ =	sdelay $0x1  }
0x130: {  	v2 =	vmul.f32 v1, v0;
	_ =	sdelay $0x1  }
0x131: {  	v2 =	vmul.f32 v2, v1;
	_ =	sdelay $0x1  }
0x132: {  	v2 =	vsub.f32 $1.500000000e+00, v2;
	_ =	sdelay $0x1  }
0x133: {  	v1 =	vmul.f32 v2, v1;
	_ =	sdelay $0x1  }
0x134: {  	v0 =	vmul.f32 v1, v0;
	_ =	sdelay $0x1  }
0x135: {  	v0 =	vmul.f32 v0, v1;
	_ =	sdelay $0x1  }
0x136: {  	v0 =	vsub.f32 $1.500000000e+00, v0;
	_ =	sdelay $0x1  }
0x137: {  	v0 =	vmul.f32 v0, v1  }
0x138: {  	s29 =	simm.s32 $0x19280  }
0x139: {  	s30 =	simm.s32 $0x19000;
	[tilespmem:s29+$0x0] =	vst v0  }
0x13a: {  	v1 =	vld [tilespmem:s30+$0x0];
	_ =	sdelay $0x4  }
0x13b: {  	v0 =	vmul.f32 v0, v1  }
0x13c: {  	s31 =	simm.s32 $0x19500;
	s3 =	simm.s32 $0x19510;
	s1 =	simm.s32 $0x10  }
.LBB2_5:
0x13d: {  	[tilespmem:s31+$0x0] =	vst v0;
	s28 =	sadd.s32 $0x10, s28;
	s29 =	sadd.s32 $0x10, s29;
	s30 =	sadd.s32 $0x10, s30  }
0x13e: {  	s4 =	sand.u32 $0x3F0, s1;
	p1 =	sne.s32 s1, $0x270;
	s1 =	sadd.s32 $0x10, s1;
	v0 =	vld [tilespmem:s28+$0x0]  }
0x13f: {  	s31 =	smov.u32 s3;
	v1 =	vld [tilespmem:s4+$0x16A80];
	_ =	sdelay $0x1  }
0x140: {  	v2 =	vld [tilespmem:s4+$0x16D00];
	_ =	sdelay $0x1  }
0x141: {  	v3 =	vld [tilespmem:s4+$0x16F80]  }
0x142: {  	v0 =	vadd.f32 v1, v0  }
0x143: {  	v1 =	vld [tilespmem:s4+$0x17200]  }
0x144: {  	v0 =	vadd.f32 v2, v0  }
0x145: {  	v2 =	vld [tilespmem:s4+$0x17480]  }
0x146: {  	v0 =	vadd.f32 v3, v0  }
0x147: {  	v3 =	vld [tilespmem:s4+$0x17700]  }
0x148: {  	v0 =	vadd.f32 v1, v0  }
0x149: {  	v1 =	vld [tilespmem:s4+$0x17980]  }
0x14a: {  	v0 =	vadd.f32 v2, v0  }
0x14b: {  	v2 =	vld [tilespmem:s4+$0x17C00]  }
0x14c: {  	v0 =	vadd.f32 v3, v0  }
0x14d: {  	v3 =	vld [tilespmem:s4+$0x17E80]  }
0x14e: {  	v0 =	vadd.f32 v1, v0  }
0x14f: {  	v1 =	vld [tilespmem:s4+$0x18100]  }
0x150: {  	v0 =	vadd.f32 v2, v0  }
0x151: {  	v2 =	vld [tilespmem:s4+$0x18380]  }
0x152: {  	v0 =	vadd.f32 v3, v0  }
0x153: {  	v3 =	vld [tilespmem:s4+$0x18600]  }
0x154: {  	v0 =	vadd.f32 v1, v0  }
0x155: {  	v1 =	vld [tilespmem:s4+$0x18880]  }
0x156: {  	v0 =	vadd.f32 v2, v0  }
0x157: {  	v2 =	vld [tilespmem:s4+$0x18B00]  }
0x158: {  	v0 =	vadd.f32 v3, v0  }
0x159: {  	v3 =	vld [tilespmem:s4+$0x18D80]  }
0x15a: {  	v0 =	vadd.f32 v1, v0;
	_ =	sdelay $0x1  }
0x15b: {  	v0 =	vadd.f32 v2, v0;
	_ =	sdelay $0x1  }
0x15c: {  	v0 =	vadd.f32 v3, v0;
	_ =	sdelay $0x1  }
0x15d: {  	v0 =	vadd.f32 $1.000000000e+00, v0;
	_ =	sdelay $0x1  }
0x15e: {  	v1 =	vshra.s32 v0, $0x1;
	v0 =	vmul.f32 $5.000000000e-01, v0  }
0x15f: {  	v1 =	vsub.s32 $0x5F3759DF, v1  }
0x160: {  	v2 =	vmul.f32 v1, v0;
	_ =	sdelay $0x1  }
0x161: {  	v2 =	vmul.f32 v1, v2;
	_ =	sdelay $0x1  }
0x162: {  	v2 =	vsub.f32 $1.500000000e+00, v2;
	_ =	sdelay $0x1  }
0x163: {  	v1 =	vmul.f32 v1, v2;
	_ =	sdelay $0x1  }
0x164: {  	v2 =	vmul.f32 v1, v0;
	_ =	sdelay $0x1  }
0x165: {  	v2 =	vmul.f32 v2, v1;
	_ =	sdelay $0x1  }
0x166: {  	v2 =	vsub.f32 $1.500000000e+00, v2;
	_ =	sdelay $0x1  }
0x167: {  	v1 =	vmul.f32 v2, v1;
	_ =	sdelay $0x1  }
0x168: {  	v0 =	vmul.f32 v1, v0;
	_ =	sdelay $0x1  }
0x169: {  	v0 =	vmul.f32 v0, v1;
	_ =	sdelay $0x1  }
0x16a: {  	v0 =	vsub.f32 $1.500000000e+00, v0;
	_ =	sdelay $0x1  }
0x16b: {  	v0 =	vmul.f32 v0, v1;
	_ =	sdelay $0x1  }
0x16c: {  	[tilespmem:s29+$0x0] =	vst v0  }
0x16d: {  	v1 =	vld [tilespmem:s30+$0x0];
	_ =	sdelay $0x1  }
.Ltmp3:
0x16e: {  	(pc) =	sbr.rel @p1 .LBB2_5-.Ltmp3, $3  }
0x16f: {  	_ =	sdelay $0x1  }
0x170: {  	v0 =	vmul.f32 v0, v1  }
0x171: {  	s3 =	sadd.s32 $0x10, s3  }
0x172: {  	[tilespmem:s31+$0x0] =	vst v0;
	s1 =	simm.s32 $0x19280;
	s29 =	simm.s32 $0x2  }
0x173: {  	[spmem:s24] =	stream.linear.scatter [tilespmem:s1], [sflag:$0x2], $0x280, $0x38;
	[tilespmem:$0x1C500] =	vst v63  }
0x174: {  	_ =	swait.ge [sflag:s29], $0x280  }
0x175: {  	[sflag:s29] =	ssyncset.done $0x0  }
0x176: {  	s3 =	simm.s32 $0x19500;
	[sflag:s29] =	ssyncadd.s32 $0xFFFFFD80  }
0x177: {  	[spmem:s26] =	stream.linear.scatter [tilespmem:s3], [sflag:$0x2], $0x280, $0x38;
	[tilespmem:$0x1C500] =	vst v63  }
0x178: {  	_ =	swait.ge [sflag:s29], $0x280  }
0x179: {  	[sflag:s29] =	ssyncset.done $0x0  }
0x17a: {  	[sflag:s29] =	ssyncadd.s32 $0xFFFFFD80  }
0x17b: {  	s30 =	simm.s32 $0xF000;
	[bflag:$0x0] =	sbarrier.arrive $0xFFFF  }
0x17c: {  	[tilespmem:s30], [sflag:$0x2] =	stream.linear.gather [spmem:s23], $0x2800, $0x38;
	[tilespmem:$0x1C500] =	vst v63  }
0x17d: {  	_ =	swait.ge [sflag:s29], $0x2800  }
0x17e: {  	[sflag:s29] =	ssyncset.done $0x0  }
0x17f: {  	s31 =	simm.s32 $0x11800;
	[sflag:s29] =	ssyncadd.s32 $0xFFFFD800  }
0x180: {  	[tilespmem:s31], [sflag:$0x2] =	stream.linear.gather [spmem:s25], $0x2800, $0x38;
	[tilespmem:$0x1C500] =	vst v63  }
0x181: {  	_ =	swait.ge [sflag:s29], $0x2800  }
0x182: {  	[sflag:s29] =	ssyncset.done $0x0  }
0x183: {  	v0 =	vimm.f32 $0.0e+00;
	s1 =	simm.s32 $0x14080;
	[sflag:s29] =	ssyncadd.s32 $0xFFFFD800  }
0x184: {  	[tilespmem:s1+$0xFFFFFF80] =	vst v0  }
0x185: {  	[tilespmem:s1+$0x70] =	vst v0  }
0x186: {  	[tilespmem:s1+$0x60] =	vst v0  }
0x187: {  	[tilespmem:s1+$0x50] =	vst v0  }
0x188: {  	[tilespmem:s1+$0x40] =	vst v0  }
0x189: {  	[tilespmem:s1+$0x30] =	vst v0  }
0x18a: {  	[tilespmem:s1+$0x20] =	vst v0  }
0x18b: {  	[tilespmem:s1+$0x10] =	vst v0  }
0x18c: {  	[tilespmem:s1+$0x0] =	vst v0  }
0x18d: {  	[tilespmem:s1+$0xFFFFFFF0] =	vst v0  }
0x18e: {  	[tilespmem:s1+$0xFFFFFFE0] =	vst v0  }
0x18f: {  	[tilespmem:s1+$0xFFFFFFD0] =	vst v0  }
0x190: {  	[tilespmem:s1+$0xFFFFFFC0] =	vst v0  }
0x191: {  	[tilespmem:s1+$0xFFFFFFB0] =	vst v0  }
0x192: {  	s3 =	simm.s32 $0x0;
	[tilespmem:s1+$0xFFFFFFA0] =	vst v0  }
.LBB2_7:
0x193: {  	s3 =	sadd.s32 $0x100, s3;
	[tilespmem:s1+$0xFFFFFF90] =	vst v0;
	s1 =	sadd.s32 $0x100, s1  }
0x194: {  	[tilespmem:s1+$0xFFFFFF80] =	vst v0;
	p1 =	slt.u32 s3, $0x2700  }
0x195: {  	[tilespmem:s1+$0x70] =	vst v0  }
0x196: {  	[tilespmem:s1+$0x60] =	vst v0  }
0x197: {  	[tilespmem:s1+$0x50] =	vst v0  }
0x198: {  	[tilespmem:s1+$0x40] =	vst v0  }
0x199: {  	[tilespmem:s1+$0x30] =	vst v0  }
0x19a: {  	[tilespmem:s1+$0x20] =	vst v0  }
0x19b: {  	[tilespmem:s1+$0x10] =	vst v0  }
0x19c: {  	[tilespmem:s1+$0x0] =	vst v0  }
0x19d: {  	[tilespmem:s1+$0xFFFFFFF0] =	vst v0  }
.Ltmp4:
0x19e: {  	[tilespmem:s1+$0xFFFFFFE0] =	vst v0;
	(pc) =	sbr.rel @p1 .LBB2_7-.Ltmp4, $4  }
0x19f: {  	[tilespmem:s1+$0xFFFFFFD0] =	vst v0  }
0x1a0: {  	[tilespmem:s1+$0xFFFFFFC0] =	vst v0  }
0x1a1: {  	[tilespmem:s1+$0xFFFFFFB0] =	vst v0  }
0x1a2: {  	[tilespmem:s1+$0xFFFFFFA0] =	vst v0  }
0x1a3: {  	[tilespmem:s1+$0xFFFFFF90] =	vst v0;
	s4 =	simm.s32 $0x80  }
0x1a4: {  	v0 =	vld [tilespmem:s4+$0x70]  }
0x1a5: {  	v1 =	vld [tilespmem:s4+$0xFFFFFF90]  }
0x1a6: {  	v2 =	vld [tilespmem:s4+$0xFFFFFFA0]  }
0x1a7: {  	v3 =	vld [tilespmem:s4+$0xFFFFFFB0]  }
0x1a8: {  	v4 =	vld [tilespmem:s4+$0xFFFFFFC0]  }
0x1a9: {  	v5 =	vld [tilespmem:s4+$0xFFFFFFD0]  }
0x1aa: {  	s26 =	simm.s32 $0x5080;
	v6 =	vld [tilespmem:s4+$0xFFFFFFE0]  }
0x1ab: {  	s25 =	simm.s32 $0xA080;
	v7 =	vld [tilespmem:s26+$0x70]  }
0x1ac: {  	v8 =	vld [tilespmem:s25+$0x70]  }
0x1ad: {  	v9 =	vld [tilespmem:s4+$0xFFFFFFF0]  }
0x1ae: {  	v10 =	vld [tilespmem:s4+$0x0]  }
0x1af: {  	v11 =	vld [tilespmem:s4+$0x10]  }
0x1b0: {  	v12 =	vld [tilespmem:s4+$0x20]  }
0x1b1: {  	v13 =	vld [tilespmem:s4+$0x30]  }
0x1b2: {  	v40 =	vld [tilespmem:s4+$0x40]  }
0x1b3: {  	v41 =	vld [tilespmem:s4+$0x50]  }
0x1b4: {  	v42 =	vld [tilespmem:s4+$0x60]  }
0x1b5: {  	v14 =	vld [tilespmem:s4+$0xFFFFFF80]  }
0x1b6: {  	v15 =	vld [tilespmem:s25+$0xFFFFFF80]  }
0x1b7: {  	v16 =	vld [tilespmem:s25+$0xFFFFFF90]  }
0x1b8: {  	v17 =	vld [tilespmem:s25+$0xFFFFFFA0]  }
0x1b9: {  	v18 =	vld [tilespmem:s25+$0xFFFFFFB0]  }
0x1ba: {  	v19 =	vld [tilespmem:s25+$0xFFFFFFC0]  }
0x1bb: {  	v20 =	vld [tilespmem:s25+$0xFFFFFFD0]  }
0x1bc: {  	v21 =	vld [tilespmem:s25+$0xFFFFFFE0]  }
0x1bd: {  	v22 =	vld [tilespmem:s25+$0xFFFFFFF0]  }
0x1be: {  	v23 =	vld [tilespmem:s25+$0x0]  }
0x1bf: {  	v24 =	vld [tilespmem:s26+$0xFFFFFF80]  }
0x1c0: {  	v25 =	vld [tilespmem:s25+$0x10]  }
0x1c1: {  	v26 =	vld [tilespmem:s25+$0x20]  }
0x1c2: {  	v27 =	vld [tilespmem:s25+$0x30]  }
0x1c3: {  	v28 =	vld [tilespmem:s26+$0xFFFFFF90]  }
0x1c4: {  	v29 =	vld [tilespmem:s25+$0x40]  }
0x1c5: {  	v43 =	vld [tilespmem:s25+$0x50]  }
0x1c6: {  	v30 =	vld [tilespmem:s26+$0xFFFFFFA0]  }
0x1c7: {  	v44 =	vld [tilespmem:s25+$0x60]  }
0x1c8: {  	v45 =	vld [tilespmem:s26+$0xFFFFFFB0]  }
0x1c9: {  	v46 =	vld [tilespmem:s26+$0xFFFFFFC0]  }
0x1ca: {  	v47 =	vld [tilespmem:s26+$0xFFFFFFD0]  }
0x1cb: {  	v48 =	vld [tilespmem:s26+$0xFFFFFFE0]  }
0x1cc: {  	v49 =	vld [tilespmem:s26+$0xFFFFFFF0]  }
0x1cd: {  	v50 =	vld [tilespmem:s26+$0x0]  }
0x1ce: {  	v51 =	vld [tilespmem:s26+$0x10]  }
0x1cf: {  	v52 =	vld [tilespmem:s26+$0x20]  }
0x1d0: {  	v53 =	vld [tilespmem:s26+$0x30]  }
0x1d1: {  	v54 =	vld [tilespmem:s26+$0x40]  }
0x1d2: {  	v55 =	vld [tilespmem:s26+$0x50]  }
0x1d3: {  	s28 =	simm.s32 $0x11800;
	v56 =	vld [tilespmem:s26+$0x60]  }
0x1d4: {  	v0 =	vld.idx.msk [tilespmem:v0+s28+$0x0], $0xffff  }
0x1d5: {  	v1 =	vld.idx.msk [tilespmem:v1+s28+$0x0], $0xffff  }
0x1d6: {  	v2 =	vld.idx.msk [tilespmem:v2+s28+$0x0], $0xffff  }
0x1d7: {  	v3 =	vld.idx.msk [tilespmem:v3+s28+$0x0], $0xffff  }
0x1d8: {  	v4 =	vld.idx.msk [tilespmem:v4+s28+$0x0], $0xffff  }
0x1d9: {  	v5 =	vld.idx.msk [tilespmem:v5+s28+$0x0], $0xffff  }
0x1da: {  	v6 =	vld.idx.msk [tilespmem:v6+s28+$0x0], $0xffff  }
0x1db: {  	v9 =	vld.idx.msk [tilespmem:v9+s28+$0x0], $0xffff  }
0x1dc: {  	v14 =	vld.idx.msk [tilespmem:v14+s28+$0x0], $0xffff  }
0x1dd: {  	v10 =	vld.idx.msk [tilespmem:v10+s28+$0x0], $0xffff  }
0x1de: {  	v11 =	vld.idx.msk [tilespmem:v11+s28+$0x0], $0xffff  }
0x1df: {  	v12 =	vld.idx.msk [tilespmem:v12+s28+$0x0], $0xffff  }
0x1e0: {  	v13 =	vld.idx.msk [tilespmem:v13+s28+$0x0], $0xffff;
	v0 =	vmul.f32 v0, v8  }
0x1e1: {  	s29 =	simm.s32 $0x14000;
	v8 =	vld.idx.msk [tilespmem:v40+s28+$0x0], $0xffff  }
0x1e2: {  	[tilespmem:v7+s29+$0x0] =	vst.idx.add.f32.msk $0xffff, v0  }
0x1e3: {  	v14 =	vmul.f32 v14, v15;
	v0 =	vld.idx.msk [tilespmem:v41+s28+$0x0], $0xffff  }
0x1e4: {  	v1 =	vmul.f32 v1, v16;
	v7 =	vld.idx.msk [tilespmem:v42+s28+$0x0], $0xffff  }
0x1e5: {  	v2 =	vmul.f32 v2, v17;
	[tilespmem:v24+s29+$0x0] =	vst.idx.add.f32.msk $0xffff, v14  }
0x1e6: {  	v3 =	vmul.f32 v3, v18;
	[tilespmem:v28+s29+$0x0] =	vst.idx.add.f32.msk $0xffff, v1  }
0x1e7: {  	v4 =	vmul.f32 v4, v19;
	[tilespmem:v30+s29+$0x0] =	vst.idx.add.f32.msk $0xffff, v2  }
0x1e8: {  	v5 =	vmul.f32 v5, v20;
	[tilespmem:v45+s29+$0x0] =	vst.idx.add.f32.msk $0xffff, v3  }
0x1e9: {  	v6 =	vmul.f32 v6, v21;
	[tilespmem:v46+s29+$0x0] =	vst.idx.add.f32.msk $0xffff, v4  }
0x1ea: {  	v57 =	vmul.f32 v9, v22;
	[tilespmem:v47+s29+$0x0] =	vst.idx.add.f32.msk $0xffff, v5  }
0x1eb: {  	v58 =	vmul.f32 v10, v23;
	[tilespmem:v48+s29+$0x0] =	vst.idx.add.f32.msk $0xffff, v6  }
0x1ec: {  	v59 =	vmul.f32 v11, v25;
	[tilespmem:v49+s29+$0x0] =	vst.idx.add.f32.msk $0xffff, v57  }
0x1ed: {  	v60 =	vmul.f32 v12, v26;
	[tilespmem:v50+s29+$0x0] =	vst.idx.add.f32.msk $0xffff, v58  }
0x1ee: {  	p1 =	sgt.u32 s21, $0x100;
	v61 =	vmul.f32 v13, v27;
	[tilespmem:v51+s29+$0x0] =	vst.idx.add.f32.msk $0xffff, v59  }
.Ltmp5:
0x1ef: {  	[tilespmem:v52+s29+$0x0] =	vst.idx.add.f32.msk $0xffff, v60;
	v62 =	vmul.f32 v8, v29;
	(pc) =	sbr.rel @!p1 .LBB2_10-.Ltmp5, $4  }
0x1f0: {  	[tilespmem:v53+s29+$0x0] =	vst.idx.add.f32.msk $0xffff, v61;
	v0 =	vmul.f32 v0, v43  }
0x1f1: {  	v63 =	vmul.f32 v7, v44;
	[tilespmem:v54+s29+$0x0] =	vst.idx.add.f32.msk $0xffff, v62  }
0x1f2: {  	[tilespmem:v55+s29+$0x0] =	vst.idx.add.f32.msk $0xffff, v0  }
0x1f3: {  	s30 =	simm.s32 $0x100;
	s31 =	simm.s32 $0x180;
	[tilespmem:v56+s29+$0x0] =	vst.idx.add.f32.msk $0xffff, v63  }
.LBB2_9:
0x1f4: {  	v0 =	vld [tilespmem:s31+$0x70];
	s30 =	sadd.s32 $0x100, s30  }
0x1f5: {  	v1 =	vld [tilespmem:s31+$0xFFFFFF90];
	p1 =	slt.u32 s30, s21  }
0x1f6: {  	v2 =	vld [tilespmem:s31+$0xFFFFFFA0]  }
0x1f7: {  	v3 =	vld [tilespmem:s31+$0xFFFFFFB0]  }
0x1f8: {  	v4 =	vld [tilespmem:s31+$0xFFFFFFC0]  }
0x1f9: {  	v5 =	vld [tilespmem:s31+$0xFFFFFFD0]  }
0x1fa: {  	s26 =	sadd.s32 $0x100, s26;
	v6 =	vld [tilespmem:s31+$0xFFFFFFE0]  }
0x1fb: {  	v7 =	vld [tilespmem:s26+$0x70]  }
0x1fc: {  	s25 =	sadd.s32 $0x100, s25;
	v0 =	vld.idx.msk [tilespmem:v0+s28+$0x0], $0xffff  }
0x1fd: {  	v8 =	vld [tilespmem:s25+$0x70]  }
0x1fe: {  	v9 =	vld [tilespmem:s31+$0xFFFFFFF0]  }
0x1ff: {  	v10 =	vld [tilespmem:s31+$0x0]  }
0x200: {  	v11 =	vld [tilespmem:s31+$0x10]  }
0x201: {  	v12 =	vld [tilespmem:s31+$0x20]  }
0x202: {  	v13 =	vld [tilespmem:s31+$0x30];
	v0 =	vmul.f32 v0, v8  }
0x203: {  	v8 =	vld [tilespmem:s31+$0x40]  }
0x204: {  	[tilespmem:v7+s29+$0x0] =	vst.idx.add.f32.msk $0xffff, v0  }
0x205: {  	v0 =	vld [tilespmem:s31+$0x50]  }
0x206: {  	v7 =	vld [tilespmem:s31+$0x60]  }
0x207: {  	v14 =	vld [tilespmem:s31+$0xFFFFFF80]  }
0x208: {  	v1 =	vld.idx.msk [tilespmem:v1+s28+$0x0], $0xffff  }
0x209: {  	v2 =	vld.idx.msk [tilespmem:v2+s28+$0x0], $0xffff  }
0x20a: {  	v3 =	vld.idx.msk [tilespmem:v3+s28+$0x0], $0xffff  }
0x20b: {  	v4 =	vld.idx.msk [tilespmem:v4+s28+$0x0], $0xffff  }
0x20c: {  	v5 =	vld.idx.msk [tilespmem:v5+s28+$0x0], $0xffff  }
0x20d: {  	v6 =	vld.idx.msk [tilespmem:v6+s28+$0x0], $0xffff  }
0x20e: {  	v9 =	vld.idx.msk [tilespmem:v9+s28+$0x0], $0xffff  }
0x20f: {  	v14 =	vld.idx.msk [tilespmem:v14+s28+$0x0], $0xffff  }
0x210: {  	v10 =	vld.idx.msk [tilespmem:v10+s28+$0x0], $0xffff  }
0x211: {  	v11 =	vld.idx.msk [tilespmem:v11+s28+$0x0], $0xffff  }
0x212: {  	v12 =	vld.idx.msk [tilespmem:v12+s28+$0x0], $0xffff  }
0x213: {  	v13 =	vld.idx.msk [tilespmem:v13+s28+$0x0], $0xffff  }
0x214: {  	v8 =	vld.idx.msk [tilespmem:v8+s28+$0x0], $0xffff  }
0x215: {  	v0 =	vld.idx.msk [tilespmem:v0+s28+$0x0], $0xffff  }
0x216: {  	v7 =	vld.idx.msk [tilespmem:v7+s28+$0x0], $0xffff  }
0x217: {  	v15 =	vld [tilespmem:s25+$0xFFFFFF80]  }
0x218: {  	v16 =	vld [tilespmem:s25+$0xFFFFFF90]  }
0x219: {  	v17 =	vld [tilespmem:s25+$0xFFFFFFA0]  }
0x21a: {  	v18 =	vld [tilespmem:s25+$0xFFFFFFB0]  }
0x21b: {  	v19 =	vld [tilespmem:s25+$0xFFFFFFC0]  }
0x21c: {  	v14 =	vmul.f32 v14, v15;
	v15 =	vld [tilespmem:s25+$0xFFFFFFD0]  }
0x21d: {  	v1 =	vmul.f32 v1, v16;
	v16 =	vld [tilespmem:s25+$0xFFFFFFE0]  }
0x21e: {  	v2 =	vmul.f32 v2, v17;
	v17 =	vld [tilespmem:s25+$0xFFFFFFF0]  }
0x21f: {  	v3 =	vmul.f32 v3, v18;
	v18 =	vld [tilespmem:s25+$0x0]  }
0x220: {  	v4 =	vmul.f32 v4, v19;
	v19 =	vld [tilespmem:s25+$0x10]  }
0x221: {  	v5 =	vmul.f32 v5, v15;
	v15 =	vld [tilespmem:s25+$0x20]  }
0x222: {  	v6 =	vmul.f32 v6, v16;
	v16 =	vld [tilespmem:s25+$0x30]  }
0x223: {  	v9 =	vmul.f32 v9, v17;
	v17 =	vld [tilespmem:s25+$0x40]  }
0x224: {  	v10 =	vmul.f32 v10, v18;
	v18 =	vld [tilespmem:s25+$0x50]  }
0x225: {  	v11 =	vmul.f32 v11, v19;
	v19 =	vld [tilespmem:s25+$0x60]  }
0x226: {  	v20 =	vld [tilespmem:s26+$0xFFFFFF80];
	v12 =	vmul.f32 v12, v15  }
0x227: {  	v15 =	vld [tilespmem:s26+$0xFFFFFF90];
	v13 =	vmul.f32 v13, v16  }
0x228: {  	v16 =	vld [tilespmem:s26+$0xFFFFFFA0];
	v8 =	vmul.f32 v8, v17  }
0x229: {  	v17 =	vld [tilespmem:s26+$0xFFFFFFB0];
	v0 =	vmul.f32 v0, v18  }
0x22a: {  	v18 =	vld [tilespmem:s26+$0xFFFFFFC0];
	v7 =	vmul.f32 v7, v19  }
0x22b: {  	v19 =	vld [tilespmem:s26+$0xFFFFFFD0]  }
0x22c: {  	v21 =	vld [tilespmem:s26+$0xFFFFFFE0]  }
0x22d: {  	v22 =	vld [tilespmem:s26+$0xFFFFFFF0]  }
0x22e: {  	v23 =	vld [tilespmem:s26+$0x0]  }
0x22f: {  	v24 =	vld [tilespmem:s26+$0x10]  }
0x230: {  	v25 =	vld [tilespmem:s26+$0x20]  }
0x231: {  	v26 =	vld [tilespmem:s26+$0x30]  }
0x232: {  	v27 =	vld [tilespmem:s26+$0x40]  }
0x233: {  	v28 =	vld [tilespmem:s26+$0x50]  }
0x234: {  	v29 =	vld [tilespmem:s26+$0x60]  }
0x235: {  	[tilespmem:v20+s29+$0x0] =	vst.idx.add.f32.msk $0xffff, v14  }
0x236: {  	[tilespmem:v15+s29+$0x0] =	vst.idx.add.f32.msk $0xffff, v1  }
0x237: {  	[tilespmem:v16+s29+$0x0] =	vst.idx.add.f32.msk $0xffff, v2  }
0x238: {  	[tilespmem:v17+s29+$0x0] =	vst.idx.add.f32.msk $0xffff, v3  }
0x239: {  	[tilespmem:v18+s29+$0x0] =	vst.idx.add.f32.msk $0xffff, v4  }
0x23a: {  	[tilespmem:v19+s29+$0x0] =	vst.idx.add.f32.msk $0xffff, v5  }
0x23b: {  	[tilespmem:v21+s29+$0x0] =	vst.idx.add.f32.msk $0xffff, v6  }
0x23c: {  	[tilespmem:v22+s29+$0x0] =	vst.idx.add.f32.msk $0xffff, v9  }
0x23d: {  	[tilespmem:v23+s29+$0x0] =	vst.idx.add.f32.msk $0xffff, v10  }
0x23e: {  	[tilespmem:v24+s29+$0x0] =	vst.idx.add.f32.msk $0xffff, v11  }
.Ltmp6:
0x23f: {  	[tilespmem:v25+s29+$0x0] =	vst.idx.add.f32.msk $0xffff, v12;
	(pc) =	sbr.rel @p1 .LBB2_9-.Ltmp6, $4  }
0x240: {  	[tilespmem:v26+s29+$0x0] =	vst.idx.add.f32.msk $0xffff, v13  }
0x241: {  	[tilespmem:v27+s29+$0x0] =	vst.idx.add.f32.msk $0xffff, v8  }
0x242: {  	[tilespmem:v28+s29+$0x0] =	vst.idx.add.f32.msk $0xffff, v0  }
0x243: {  	s31 =	sadd.s32 $0x100, s31;
	[tilespmem:v29+s29+$0x0] =	vst.idx.add.f32.msk $0xffff, v7  }
.LBB2_10:
0x244: {  	s1 =	simm.s32 $0x14000;
	s3 =	simm.s32 $0x2  }
0x245: {  	[spmem:s22] =	stream.linear.scatter [tilespmem:s1], [sflag:$0x2], $0x2800, $0x38;
	[tilespmem:$0x1C500] =	vst v63  }
0x246: {  	_ =	swait.ge [sflag:s3], $0x2800  }
0x247: {  	[sflag:s3] =	ssyncset.done $0x0  }
0x248: {  	[sflag:s3] =	ssyncadd.s32 $0xFFFFD800  }
0x249: {  	s1 =	simm.s32 $0x16800;
	[bflag:$0x0] =	sbarrier.arrive $0xFFFF  }
0x24a: {  	[tilespmem:s1], [sflag:$0x1] =	stream.linear.gather [spmem:s18], $0x280, $0x38;
	[tilespmem:$0x1C500] =	vst v63  }
0x24b: {  	s3 =	simm.s32 $0x16A80  }
0x24c: {  	[tilespmem:s3], [sflag:$0x1] =	stream.linear.gather [spmem:s20], $0x280, $0x38;
	[tilespmem:$0x1C500] =	vst v63  }
0x24d: {  	s4 =	simm.s32 $0x16D00  }
0x24e: {  	[tilespmem:s4], [sflag:$0x1] =	stream.linear.gather [spmem:s19], $0x280, $0x38;
	[tilespmem:$0x1C500] =	vst v63  }
0x24f: {  	s25 =	simm.s32 $0x16F80  }
0x250: {  	[tilespmem:s25], [sflag:$0x1] =	stream.linear.gather [spmem:s16], $0x280, $0x38;
	[tilespmem:$0x1C500] =	vst v63  }
0x251: {  	s26 =	simm.s32 $0x17200  }
0x252: {  	[tilespmem:s26], [sflag:$0x1] =	stream.linear.gather [spmem:s17], $0x280, $0x38;
	[tilespmem:$0x1C500] =	vst v63  }
0x253: {  	s29 =	simm.s32 $0x17480  }
0x254: {  	[tilespmem:s29], [sflag:$0x1] =	stream.linear.gather [spmem:s15], $0x280, $0x38;
	[tilespmem:$0x1C500] =	vst v63  }
0x255: {  	s30 =	simm.s32 $0x17700  }
0x256: {  	[tilespmem:s30], [sflag:$0x1] =	stream.linear.gather [spmem:s13], $0x280, $0x38;
	[tilespmem:$0x1C500] =	vst v63  }
0x257: {  	s31 =	simm.s32 $0x17980  }
0x258: {  	[tilespmem:s31], [sflag:$0x1] =	stream.linear.gather [spmem:s14], $0x280, $0x38;
	[tilespmem:$0x1C500] =	vst v63  }
0x259: {  	s4 =	simm.s32 $0x17C00  }
0x25a: {  	[tilespmem:s4], [sflag:$0x1] =	stream.linear.gather [spmem:s12], $0x280, $0x38;
	[tilespmem:$0x1C500] =	vst v63  }
0x25b: {  	s25 =	simm.s32 $0x17E80  }
0x25c: {  	[tilespmem:s25], [sflag:$0x1] =	stream.linear.gather [spmem:s10], $0x280, $0x38;
	[tilespmem:$0x1C500] =	vst v63  }
0x25d: {  	s26 =	simm.s32 $0x18100  }
0x25e: {  	[tilespmem:s26], [sflag:$0x1] =	stream.linear.gather [spmem:s11], $0x280, $0x38;
	[tilespmem:$0x1C500] =	vst v63  }
0x25f: {  	s29 =	simm.s32 $0x18380  }
0x260: {  	[tilespmem:s29], [sflag:$0x1] =	stream.linear.gather [spmem:s9], $0x280, $0x38;
	[tilespmem:$0x1C500] =	vst v63  }
0x261: {  	s30 =	simm.s32 $0x18600  }
0x262: {  	[tilespmem:s30], [sflag:$0x1] =	stream.linear.gather [spmem:s7], $0x280, $0x38;
	[tilespmem:$0x1C500] =	vst v63  }
0x263: {  	s31 =	simm.s32 $0x18880  }
0x264: {  	[tilespmem:s31], [sflag:$0x1] =	stream.linear.gather [spmem:s8], $0x280, $0x38;
	[tilespmem:$0x1C500] =	vst v63  }
0x265: {  	s4 =	simm.s32 $0x18B00  }
0x266: {  	[tilespmem:s4], [sflag:$0x1] =	stream.linear.gather [spmem:s6], $0x280, $0x38;
	[tilespmem:$0x1C500] =	vst v63  }
0x267: {  	s25 =	simm.s32 $0x18D80;
	s26 =	simm.s32 $0x1  }
0x268: {  	[tilespmem:s25], [sflag:$0x1] =	stream.linear.gather [spmem:s5], $0x280, $0x38;
	[tilespmem:$0x1C500] =	vst v63  }
0x269: {  	_ =	swait.ge [sflag:s26], $0x280  }
0x26a: {  	[sflag:s26] =	ssyncset.done $0x0  }
0x26b: {  	[sflag:s26] =	ssyncadd.s32 $0xFFFFFD80  }
0x26c: {  	_ =	swait.ge [sflag:s26], $0x280  }
0x26d: {  	[sflag:s26] =	ssyncset.done $0x0  }
0x26e: {  	[sflag:s26] =	ssyncadd.s32 $0xFFFFFD80  }
0x26f: {  	_ =	swait.ge [sflag:s26], $0x280  }
0x270: {  	[sflag:s26] =	ssyncset.done $0x0  }
0x271: {  	[sflag:s26] =	ssyncadd.s32 $0xFFFFFD80  }
0x272: {  	_ =	swait.ge [sflag:s26], $0x280  }
0x273: {  	[sflag:s26] =	ssyncset.done $0x0  }
0x274: {  	[sflag:s26] =	ssyncadd.s32 $0xFFFFFD80  }
0x275: {  	_ =	swait.ge [sflag:s26], $0x280  }
0x276: {  	[sflag:s26] =	ssyncset.done $0x0  }
0x277: {  	[sflag:s26] =	ssyncadd.s32 $0xFFFFFD80  }
0x278: {  	_ =	swait.ge [sflag:s26], $0x280  }
0x279: {  	[sflag:s26] =	ssyncset.done $0x0  }
0x27a: {  	[sflag:s26] =	ssyncadd.s32 $0xFFFFFD80  }
0x27b: {  	_ =	swait.ge [sflag:s26], $0x280  }
0x27c: {  	[sflag:s26] =	ssyncset.done $0x0  }
0x27d: {  	[sflag:s26] =	ssyncadd.s32 $0xFFFFFD80  }
0x27e: {  	_ =	swait.ge [sflag:s26], $0x280  }
0x27f: {  	[sflag:s26] =	ssyncset.done $0x0  }
0x280: {  	[sflag:s26] =	ssyncadd.s32 $0xFFFFFD80  }
0x281: {  	_ =	swait.ge [sflag:s26], $0x280  }
0x282: {  	[sflag:s26] =	ssyncset.done $0x0  }
0x283: {  	[sflag:s26] =	ssyncadd.s32 $0xFFFFFD80  }
0x284: {  	_ =	swait.ge [sflag:s26], $0x280  }
0x285: {  	[sflag:s26] =	ssyncset.done $0x0  }
0x286: {  	[sflag:s26] =	ssyncadd.s32 $0xFFFFFD80  }
0x287: {  	_ =	swait.ge [sflag:s26], $0x280  }
0x288: {  	[sflag:s26] =	ssyncset.done $0x0  }
0x289: {  	[sflag:s26] =	ssyncadd.s32 $0xFFFFFD80  }
0x28a: {  	_ =	swait.ge [sflag:s26], $0x280  }
0x28b: {  	[sflag:s26] =	ssyncset.done $0x0  }
0x28c: {  	[sflag:s26] =	ssyncadd.s32 $0xFFFFFD80  }
0x28d: {  	_ =	swait.ge [sflag:s26], $0x280  }
0x28e: {  	[sflag:s26] =	ssyncset.done $0x0  }
0x28f: {  	[sflag:s26] =	ssyncadd.s32 $0xFFFFFD80  }
0x290: {  	_ =	swait.ge [sflag:s26], $0x280  }
0x291: {  	[sflag:s26] =	ssyncset.done $0x0  }
0x292: {  	[sflag:s26] =	ssyncadd.s32 $0xFFFFFD80  }
0x293: {  	_ =	swait.ge [sflag:s26], $0x280  }
0x294: {  	[sflag:s26] =	ssyncset.done $0x0  }
0x295: {  	[sflag:s26] =	ssyncadd.s32 $0xFFFFFD80  }
0x296: {  	_ =	swait.ge [sflag:s26], $0x280  }
0x297: {  	[sflag:s26] =	ssyncset.done $0x0  }
0x298: {  	s29 =	simm.s32 $0x0;
	[sflag:s26] =	ssyncadd.s32 $0xFFFFFD80  }
0x299: {  	s30 =	sand.u32 $0x3F0, s29;
	v2 =	vld [tilespmem:s1+$0x0]  }
0x29a: {  	v3 =	vld [tilespmem:s30+$0x16A80];
	_ =	sdelay $0x1  }
0x29b: {  	v4 =	vld [tilespmem:s30+$0x16D00];
	_ =	sdelay $0x1  }
0x29c: {  	v5 =	vld [tilespmem:s30+$0x16F80]  }
0x29d: {  	v2 =	vadd.f32 v3, v2  }
0x29e: {  	v3 =	vld [tilespmem:s30+$0x17200]  }
0x29f: {  	v2 =	vadd.f32 v4, v2  }
0x2a0: {  	v55 =	vld [tilespmem:s30+$0x17480]  }
0x2a1: {  	v2 =	vadd.f32 v5, v2  }
0x2a2: {  	v56 =	vld [tilespmem:s30+$0x17700]  }
0x2a3: {  	v2 =	vadd.f32 v3, v2  }
0x2a4: {  	v3 =	vld [tilespmem:s30+$0x17980]  }
0x2a5: {  	v2 =	vadd.f32 v55, v2  }
0x2a6: {  	v57 =	vld [tilespmem:s30+$0x17C00]  }
0x2a7: {  	v2 =	vadd.f32 v56, v2  }
0x2a8: {  	v58 =	vld [tilespmem:s30+$0x17E80]  }
0x2a9: {  	v2 =	vadd.f32 v3, v2  }
0x2aa: {  	v3 =	vld [tilespmem:s30+$0x18100]  }
0x2ab: {  	v2 =	vadd.f32 v57, v2  }
0x2ac: {  	v59 =	vld [tilespmem:s30+$0x18380]  }
0x2ad: {  	v2 =	vadd.f32 v58, v2  }
0x2ae: {  	v60 =	vld [tilespmem:s30+$0x18600]  }
0x2af: {  	v2 =	vadd.f32 v3, v2  }
0x2b0: {  	v3 =	vld [tilespmem:s30+$0x18880]  }
0x2b1: {  	v2 =	vadd.f32 v59, v2  }
0x2b2: {  	v61 =	vld [tilespmem:s30+$0x18B00]  }
0x2b3: {  	s4 =	sadd.s32 $0x0, s2;
	v2 =	vadd.f32 v60, v2  }
0x2b4: {  	s3 =	sand.u32 $0x70, s29;
	s4 =	sand.u32 $0x7F80, s4;
	v62 =	vld [tilespmem:s30+$0x18D80]  }
0x2b5: {  	s31 =	sor.u32 s3, s4;
	v2 =	vadd.f32 v3, v2  }
0x2b6: {  	v3 =	vld [tilespmem:s31+$0x11800]  }
0x2b7: {  	v2 =	vadd.f32 v61, v2  }
0x2b8: {  	v63 =	vld [tilespmem:s31+$0xF000]  }
0x2b9: {  	v2 =	vadd.f32 v62, v2  }
0x2ba: {  	v1 =	vld [tilespmem:$0x19790]  }
0x2bb: {  	v2 =	vadd.f32 v2, v3  }
0x2bc: {  	v0 =	vld [tilespmem:$0x19780]  }
0x2bd: {  	v2 =	vmul.f32 v2, v63;
	_ =	sdelay $0x1  }
0x2be: {  	v2 =	vadd.f32 v2, v1;
	_ =	sdelay $0x1  }
0x2bf: {  	v2 =	vmul.f32 v2, v0;
	_ =	sdelay $0x1  }
0x2c0: {  	v2 =	vmul.f32 v2, v63  }
0x2c1: {  	s25 =	simm.s32 $0x19500  }
0x2c2: {  	s3 =	simm.s32 $0x16810;
	s1 =	simm.s32 $0x10;
	[tilespmem:s25+$0x0] =	vst v2  }
0x2c3: {  	s26 =	simm.s32 $0x20;
	s28 =	sand.u32 $0x3F0, s1;
	v2 =	vld [tilespmem:s3+$0x0]  }
.LBB2_11:
0x2c4: {  	p1 =	sne.s32 s26, $0x270;
	v3 =	vld [tilespmem:s28+$0x16A80];
	_ =	sdelay $0x1  }
0x2c5: {  	v4 =	vld [tilespmem:s28+$0x16D00];
	_ =	sdelay $0x1  }
0x2c6: {  	v5 =	vld [tilespmem:s28+$0x16F80]  }
0x2c7: {  	v2 =	vadd.f32 v3, v2  }
0x2c8: {  	v3 =	vld [tilespmem:s28+$0x17200]  }
0x2c9: {  	v2 =	vadd.f32 v4, v2  }
0x2ca: {  	v4 =	vld [tilespmem:s28+$0x17480]  }
0x2cb: {  	v2 =	vadd.f32 v5, v2  }
0x2cc: {  	v5 =	vld [tilespmem:s28+$0x17700]  }
0x2cd: {  	v2 =	vadd.f32 v3, v2  }
0x2ce: {  	v3 =	vld [tilespmem:s28+$0x17980]  }
0x2cf: {  	v2 =	vadd.f32 v4, v2  }
0x2d0: {  	v4 =	vld [tilespmem:s28+$0x17C00]  }
0x2d1: {  	v2 =	vadd.f32 v5, v2  }
0x2d2: {  	v5 =	vld [tilespmem:s28+$0x17E80]  }
0x2d3: {  	v2 =	vadd.f32 v3, v2  }
0x2d4: {  	v3 =	vld [tilespmem:s28+$0x18100]  }
0x2d5: {  	v2 =	vadd.f32 v4, v2  }
0x2d6: {  	v4 =	vld [tilespmem:s28+$0x18380]  }
0x2d7: {  	v2 =	vadd.f32 v5, v2  }
0x2d8: {  	v5 =	vld [tilespmem:s28+$0x18600]  }
0x2d9: {  	v2 =	vadd.f32 v3, v2  }
0x2da: {  	v3 =	vld [tilespmem:s28+$0x18880]  }
0x2db: {  	v2 =	vadd.f32 v4, v2  }
0x2dc: {  	v4 =	vld [tilespmem:s28+$0x18B00]  }
0x2dd: {  	s4 =	sadd.s32 s1, s2;
	v2 =	vadd.f32 v5, v2  }
0x2de: {  	s29 =	sand.u32 $0x70, s1;
	s1 =	smov.u32 s26;
	s4 =	sand.u32 $0x7F80, s4;
	v5 =	vld [tilespmem:s28+$0x18D80]  }
0x2df: {  	s4 =	sor.u32 s29, s4;
	v2 =	vadd.f32 v3, v2  }
0x2e0: {  	v3 =	vld [tilespmem:s4+$0x11800]  }
0x2e1: {  	v2 =	vadd.f32 v4, v2  }
0x2e2: {  	v4 =	vld [tilespmem:s4+$0xF000]  }
0x2e3: {  	v2 =	vadd.f32 v5, v2;
	_ =	sdelay $0x1  }
0x2e4: {  	v2 =	vadd.f32 v2, v3;
	_ =	sdelay $0x1  }
0x2e5: {  	v2 =	vmul.f32 v2, v4;
	_ =	sdelay $0x1  }
0x2e6: {  	v2 =	vadd.f32 v2, v1;
	_ =	sdelay $0x1  }
0x2e7: {  	v2 =	vmul.f32 v2, v0  }
.Ltmp7:
0x2e8: {  	(pc) =	sbr.rel @p1 .LBB2_11-.Ltmp7, $4  }
0x2e9: {  	v2 =	vmul.f32 v2, v4  }
0x2ea: {  	s25 =	sadd.s32 $0x10, s25  }
0x2eb: {  	s3 =	sadd.s32 $0x10, s3;
	[tilespmem:s25+$0x0] =	vst v2  }
0x2ec: {  	s26 =	sadd.s32 $0x10, s26;
	s28 =	sand.u32 $0x3F0, s1;
	v2 =	vld [tilespmem:s3+$0x0]  }
0x2ed: {  	v3 =	vld [tilespmem:s28+$0x16A80];
	_ =	sdelay $0x1  }
0x2ee: {  	v4 =	vld [tilespmem:s28+$0x16D00];
	_ =	sdelay $0x1  }
0x2ef: {  	v5 =	vld [tilespmem:s28+$0x16F80]  }
0x2f0: {  	v2 =	vadd.f32 v3, v2  }
0x2f1: {  	v3 =	vld [tilespmem:s28+$0x17200]  }
0x2f2: {  	v2 =	vadd.f32 v4, v2  }
0x2f3: {  	v55 =	vld [tilespmem:s28+$0x17480]  }
0x2f4: {  	v2 =	vadd.f32 v5, v2  }
0x2f5: {  	v56 =	vld [tilespmem:s28+$0x17700]  }
0x2f6: {  	v2 =	vadd.f32 v3, v2  }
0x2f7: {  	v3 =	vld [tilespmem:s28+$0x17980]  }
0x2f8: {  	v2 =	vadd.f32 v55, v2  }
0x2f9: {  	v57 =	vld [tilespmem:s28+$0x17C00]  }
0x2fa: {  	v2 =	vadd.f32 v56, v2  }
0x2fb: {  	v58 =	vld [tilespmem:s28+$0x17E80]  }
0x2fc: {  	v2 =	vadd.f32 v3, v2  }
0x2fd: {  	v3 =	vld [tilespmem:s28+$0x18100]  }
0x2fe: {  	v2 =	vadd.f32 v57, v2  }
0x2ff: {  	v59 =	vld [tilespmem:s28+$0x18380]  }
0x300: {  	v2 =	vadd.f32 v58, v2  }
0x301: {  	v60 =	vld [tilespmem:s28+$0x18600]  }
0x302: {  	v2 =	vadd.f32 v3, v2  }
0x303: {  	v3 =	vld [tilespmem:s28+$0x18880]  }
0x304: {  	v2 =	vadd.f32 v59, v2  }
0x305: {  	v61 =	vld [tilespmem:s28+$0x18B00]  }
0x306: {  	s3 =	sadd.s32 s1, s2;
	v2 =	vadd.f32 v60, v2  }
0x307: {  	s26 =	sand.u32 $0x70, s1;
	v62 =	vld [tilespmem:s28+$0x18D80];
	s3 =	sand.u32 $0x7F80, s3  }
0x308: {  	s1 =	sor.u32 s26, s3;
	v2 =	vadd.f32 v3, v2  }
0x309: {  	v3 =	vld [tilespmem:s1+$0x11800]  }
0x30a: {  	v2 =	vadd.f32 v61, v2  }
0x30b: {  	v63 =	vld [tilespmem:s1+$0xF000]  }
0x30c: {  	v2 =	vadd.f32 v62, v2;
	_ =	sdelay $0x1  }
0x30d: {  	v2 =	vadd.f32 v2, v3;
	_ =	sdelay $0x1  }
0x30e: {  	v2 =	vmul.f32 v2, v63;
	_ =	sdelay $0x1  }
0x30f: {  	v1 =	vadd.f32 v2, v1;
	_ =	sdelay $0x1  }
0x310: {  	v0 =	vmul.f32 v1, v0;
	_ =	sdelay $0x1  }
0x311: {  	v0 =	vmul.f32 v0, v63  }
0x312: {  	s28 =	sadd.s32 $0x10, s25  }
0x313: {  	s29 =	simm.s32 $0x19500;
	s30 =	simm.s32 $0x2;
	[tilespmem:s28+$0x0] =	vst v0  }
0x314: {  	[spmem:s24] =	stream.linear.scatter [tilespmem:s29], [sflag:$0x2], $0x280, $0x38;
	[tilespmem:$0x1C500] =	vst v63  }
0x315: {  	_ =	swait.ge [sflag:s30], $0x280  }
0x316: {  	[sflag:s30] =	ssyncset.done $0x0  }
0x317: {  	[sflag:s30] =	ssyncadd.s32 $0xFFFFFD80  }
0x318: {  	s31 =	simm.s32 $0x11800;
	[bflag:$0x0] =	sbarrier.arrive $0xFFFF  }
0x319: {  	[tilespmem:s31], [sflag:$0x2] =	stream.linear.gather [spmem:s23], $0x2800, $0x38;
	[tilespmem:$0x1C500] =	vst v63  }
0x31a: {  	_ =	swait.ge [sflag:s30], $0x2800  }
0x31b: {  	[sflag:s30] =	ssyncset.done $0x0  }
0x31c: {  	s1 =	simm.s32 $0x14080;
	v0 =	vimm.f32 $0.0e+00;
	[sflag:s30] =	ssyncadd.s32 $0xFFFFD800  }
0x31d: {  	[tilespmem:s1+$0xFFFFFF80] =	vst v0  }
0x31e: {  	[tilespmem:s1+$0x70] =	vst v0  }
0x31f: {  	[tilespmem:s1+$0x60] =	vst v0  }
0x320: {  	[tilespmem:s1+$0x50] =	vst v0  }
0x321: {  	[tilespmem:s1+$0x40] =	vst v0  }
0x322: {  	[tilespmem:s1+$0x30] =	vst v0  }
0x323: {  	[tilespmem:s1+$0x20] =	vst v0  }
0x324: {  	[tilespmem:s1+$0x10] =	vst v0  }
0x325: {  	[tilespmem:s1+$0x0] =	vst v0  }
0x326: {  	[tilespmem:s1+$0xFFFFFFF0] =	vst v0  }
0x327: {  	[tilespmem:s1+$0xFFFFFFE0] =	vst v0  }
0x328: {  	[tilespmem:s1+$0xFFFFFFD0] =	vst v0  }
0x329: {  	[tilespmem:s1+$0xFFFFFFC0] =	vst v0  }
0x32a: {  	[tilespmem:s1+$0xFFFFFFB0] =	vst v0  }
0x32b: {  	s3 =	simm.s32 $0x0;
	[tilespmem:s1+$0xFFFFFFA0] =	vst v0  }
.LBB2_13:
0x32c: {  	s3 =	sadd.s32 $0x100, s3;
	[tilespmem:s1+$0xFFFFFF90] =	vst v0;
	s1 =	sadd.s32 $0x100, s1  }
0x32d: {  	[tilespmem:s1+$0xFFFFFF80] =	vst v0;
	p1 =	slt.u32 s3, $0x2700  }
0x32e: {  	[tilespmem:s1+$0x70] =	vst v0  }
0x32f: {  	[tilespmem:s1+$0x60] =	vst v0  }
0x330: {  	[tilespmem:s1+$0x50] =	vst v0  }
0x331: {  	[tilespmem:s1+$0x40] =	vst v0  }
0x332: {  	[tilespmem:s1+$0x30] =	vst v0  }
0x333: {  	[tilespmem:s1+$0x20] =	vst v0  }
0x334: {  	[tilespmem:s1+$0x10] =	vst v0  }
0x335: {  	[tilespmem:s1+$0x0] =	vst v0  }
0x336: {  	[tilespmem:s1+$0xFFFFFFF0] =	vst v0  }
.Ltmp8:
0x337: {  	[tilespmem:s1+$0xFFFFFFE0] =	vst v0;
	(pc) =	sbr.rel @p1 .LBB2_13-.Ltmp8, $4  }
0x338: {  	[tilespmem:s1+$0xFFFFFFD0] =	vst v0  }
0x339: {  	[tilespmem:s1+$0xFFFFFFC0] =	vst v0  }
0x33a: {  	[tilespmem:s1+$0xFFFFFFB0] =	vst v0  }
0x33b: {  	[tilespmem:s1+$0xFFFFFFA0] =	vst v0  }
0x33c: {  	[tilespmem:s1+$0xFFFFFF90] =	vst v0;
	s31 =	simm.s32 $0x80  }
0x33d: {  	v0 =	vld [tilespmem:s31+$0x70]  }
0x33e: {  	v1 =	vld [tilespmem:s31+$0xFFFFFF90]  }
0x33f: {  	v2 =	vld [tilespmem:s31+$0xFFFFFFA0]  }
0x340: {  	v3 =	vld [tilespmem:s31+$0xFFFFFFB0]  }
0x341: {  	v4 =	vld [tilespmem:s31+$0xFFFFFFC0]  }
0x342: {  	v5 =	vld [tilespmem:s31+$0xFFFFFFD0]  }
0x343: {  	s24 =	simm.s32 $0x5080;
	v6 =	vld [tilespmem:s31+$0xFFFFFFE0]  }
0x344: {  	s23 =	simm.s32 $0xA080;
	v7 =	vld [tilespmem:s24+$0x70]  }
0x345: {  	v8 =	vld [tilespmem:s23+$0x70]  }
0x346: {  	v9 =	vld [tilespmem:s31+$0xFFFFFFF0]  }
0x347: {  	v10 =	vld [tilespmem:s31+$0x0]  }
0x348: {  	v11 =	vld [tilespmem:s31+$0x10]  }
0x349: {  	v12 =	vld [tilespmem:s31+$0x20]  }
0x34a: {  	v13 =	vld [tilespmem:s31+$0x30]  }
0x34b: {  	v40 =	vld [tilespmem:s31+$0x40]  }
0x34c: {  	v41 =	vld [tilespmem:s31+$0x50]  }
0x34d: {  	v42 =	vld [tilespmem:s31+$0x60]  }
0x34e: {  	v14 =	vld [tilespmem:s31+$0xFFFFFF80]  }
0x34f: {  	v15 =	vld [tilespmem:s23+$0xFFFFFF80]  }
0x350: {  	v16 =	vld [tilespmem:s23+$0xFFFFFF90]  }
0x351: {  	v17 =	vld [tilespmem:s23+$0xFFFFFFA0]  }
0x352: {  	v18 =	vld [tilespmem:s23+$0xFFFFFFB0]  }
0x353: {  	v19 =	vld [tilespmem:s23+$0xFFFFFFC0]  }
0x354: {  	v20 =	vld [tilespmem:s23+$0xFFFFFFD0]  }
0x355: {  	v21 =	vld [tilespmem:s23+$0xFFFFFFE0]  }
0x356: {  	v22 =	vld [tilespmem:s23+$0xFFFFFFF0]  }
0x357: {  	v23 =	vld [tilespmem:s23+$0x0]  }
0x358: {  	v24 =	vld [tilespmem:s24+$0xFFFFFF80]  }
0x359: {  	v25 =	vld [tilespmem:s23+$0x10]  }
0x35a: {  	v26 =	vld [tilespmem:s23+$0x20]  }
0x35b: {  	v27 =	vld [tilespmem:s23+$0x30]  }
0x35c: {  	v28 =	vld [tilespmem:s24+$0xFFFFFF90]  }
0x35d: {  	v29 =	vld [tilespmem:s23+$0x40]  }
0x35e: {  	v43 =	vld [tilespmem:s23+$0x50]  }
0x35f: {  	v30 =	vld [tilespmem:s24+$0xFFFFFFA0]  }
0x360: {  	v44 =	vld [tilespmem:s23+$0x60]  }
0x361: {  	v45 =	vld [tilespmem:s24+$0xFFFFFFB0]  }
0x362: {  	v46 =	vld [tilespmem:s24+$0xFFFFFFC0]  }
0x363: {  	v47 =	vld [tilespmem:s24+$0xFFFFFFD0]  }
0x364: {  	v48 =	vld [tilespmem:s24+$0xFFFFFFE0]  }
0x365: {  	v49 =	vld [tilespmem:s24+$0xFFFFFFF0]  }
0x366: {  	v50 =	vld [tilespmem:s24+$0x0]  }
0x367: {  	v51 =	vld [tilespmem:s24+$0x10]  }
0x368: {  	v52 =	vld [tilespmem:s24+$0x20]  }
0x369: {  	v53 =	vld [tilespmem:s24+$0x30]  }
0x36a: {  	v54 =	vld [tilespmem:s24+$0x40]  }
0x36b: {  	v55 =	vld [tilespmem:s24+$0x50]  }
0x36c: {  	s25 =	simm.s32 $0x11800;
	v56 =	vld [tilespmem:s24+$0x60]  }
0x36d: {  	v0 =	vld.idx.msk [tilespmem:v0+s25+$0x0], $0xffff  }
0x36e: {  	v1 =	vld.idx.msk [tilespmem:v1+s25+$0x0], $0xffff  }
0x36f: {  	v2 =	vld.idx.msk [tilespmem:v2+s25+$0x0], $0xffff  }
0x370: {  	v3 =	vld.idx.msk [tilespmem:v3+s25+$0x0], $0xffff  }
0x371: {  	v4 =	vld.idx.msk [tilespmem:v4+s25+$0x0], $0xffff  }
0x372: {  	v5 =	vld.idx.msk [tilespmem:v5+s25+$0x0], $0xffff  }
0x373: {  	v6 =	vld.idx.msk [tilespmem:v6+s25+$0x0], $0xffff  }
0x374: {  	v9 =	vld.idx.msk [tilespmem:v9+s25+$0x0], $0xffff  }
0x375: {  	v14 =	vld.idx.msk [tilespmem:v14+s25+$0x0], $0xffff  }
0x376: {  	v10 =	vld.idx.msk [tilespmem:v10+s25+$0x0], $0xffff  }
0x377: {  	v11 =	vld.idx.msk [tilespmem:v11+s25+$0x0], $0xffff  }
0x378: {  	v12 =	vld.idx.msk [tilespmem:v12+s25+$0x0], $0xffff  }
0x379: {  	v13 =	vld.idx.msk [tilespmem:v13+s25+$0x0], $0xffff;
	v0 =	vmul.f32 v0, v8  }
0x37a: {  	s26 =	simm.s32 $0x14000;
	v8 =	vld.idx.msk [tilespmem:v40+s25+$0x0], $0xffff  }
0x37b: {  	[tilespmem:v7+s26+$0x0] =	vst.idx.add.f32.msk $0xffff, v0  }
0x37c: {  	v14 =	vmul.f32 v14, v15;
	v0 =	vld.idx.msk [tilespmem:v41+s25+$0x0], $0xffff  }
0x37d: {  	v1 =	vmul.f32 v1, v16;
	v7 =	vld.idx.msk [tilespmem:v42+s25+$0x0], $0xffff  }
0x37e: {  	v2 =	vmul.f32 v2, v17;
	[tilespmem:v24+s26+$0x0] =	vst.idx.add.f32.msk $0xffff, v14  }
0x37f: {  	v3 =	vmul.f32 v3, v18;
	[tilespmem:v28+s26+$0x0] =	vst.idx.add.f32.msk $0xffff, v1  }
0x380: {  	v4 =	vmul.f32 v4, v19;
	[tilespmem:v30+s26+$0x0] =	vst.idx.add.f32.msk $0xffff, v2  }
0x381: {  	v5 =	vmul.f32 v5, v20;
	[tilespmem:v45+s26+$0x0] =	vst.idx.add.f32.msk $0xffff, v3  }
0x382: {  	v6 =	vmul.f32 v6, v21;
	[tilespmem:v46+s26+$0x0] =	vst.idx.add.f32.msk $0xffff, v4  }
0x383: {  	v57 =	vmul.f32 v9, v22;
	[tilespmem:v47+s26+$0x0] =	vst.idx.add.f32.msk $0xffff, v5  }
0x384: {  	v58 =	vmul.f32 v10, v23;
	[tilespmem:v48+s26+$0x0] =	vst.idx.add.f32.msk $0xffff, v6  }
0x385: {  	v59 =	vmul.f32 v11, v25;
	[tilespmem:v49+s26+$0x0] =	vst.idx.add.f32.msk $0xffff, v57  }
0x386: {  	v60 =	vmul.f32 v12, v26;
	[tilespmem:v50+s26+$0x0] =	vst.idx.add.f32.msk $0xffff, v58  }
0x387: {  	p1 =	sgt.u32 s21, $0x100;
	v61 =	vmul.f32 v13, v27;
	[tilespmem:v51+s26+$0x0] =	vst.idx.add.f32.msk $0xffff, v59  }
.Ltmp9:
0x388: {  	[tilespmem:v52+s26+$0x0] =	vst.idx.add.f32.msk $0xffff, v60;
	v62 =	vmul.f32 v8, v29;
	(pc) =	sbr.rel @!p1 .LBB2_16-.Ltmp9, $4  }
0x389: {  	[tilespmem:v53+s26+$0x0] =	vst.idx.add.f32.msk $0xffff, v61;
	v0 =	vmul.f32 v0, v43  }
0x38a: {  	v63 =	vmul.f32 v7, v44;
	[tilespmem:v54+s26+$0x0] =	vst.idx.add.f32.msk $0xffff, v62  }
0x38b: {  	[tilespmem:v55+s26+$0x0] =	vst.idx.add.f32.msk $0xffff, v0  }
0x38c: {  	s28 =	simm.s32 $0x100;
	s29 =	simm.s32 $0x180;
	[tilespmem:v56+s26+$0x0] =	vst.idx.add.f32.msk $0xffff, v63  }
.LBB2_15:
0x38d: {  	v0 =	vld [tilespmem:s29+$0x70];
	s28 =	sadd.s32 $0x100, s28  }
0x38e: {  	v1 =	vld [tilespmem:s29+$0xFFFFFF90];
	p1 =	slt.u32 s28, s21  }
0x38f: {  	v2 =	vld [tilespmem:s29+$0xFFFFFFA0]  }
0x390: {  	v3 =	vld [tilespmem:s29+$0xFFFFFFB0]  }
0x391: {  	v4 =	vld [tilespmem:s29+$0xFFFFFFC0]  }
0x392: {  	v5 =	vld [tilespmem:s29+$0xFFFFFFD0]  }
0x393: {  	s24 =	sadd.s32 $0x100, s24;
	v6 =	vld [tilespmem:s29+$0xFFFFFFE0]  }
0x394: {  	v7 =	vld [tilespmem:s24+$0x70]  }
0x395: {  	s23 =	sadd.s32 $0x100, s23;
	v0 =	vld.idx.msk [tilespmem:v0+s25+$0x0], $0xffff  }
0x396: {  	v8 =	vld [tilespmem:s23+$0x70]  }
0x397: {  	v9 =	vld [tilespmem:s29+$0xFFFFFFF0]  }
0x398: {  	v10 =	vld [tilespmem:s29+$0x0]  }
0x399: {  	v11 =	vld [tilespmem:s29+$0x10]  }
0x39a: {  	v12 =	vld [tilespmem:s29+$0x20]  }
0x39b: {  	v13 =	vld [tilespmem:s29+$0x30];
	v0 =	vmul.f32 v0, v8  }
0x39c: {  	v8 =	vld [tilespmem:s29+$0x40]  }
0x39d: {  	[tilespmem:v7+s26+$0x0] =	vst.idx.add.f32.msk $0xffff, v0  }
0x39e: {  	v0 =	vld [tilespmem:s29+$0x50]  }
0x39f: {  	v7 =	vld [tilespmem:s29+$0x60]  }
0x3a0: {  	v14 =	vld [tilespmem:s29+$0xFFFFFF80]  }
0x3a1: {  	v1 =	vld.idx.msk [tilespmem:v1+s25+$0x0], $0xffff  }
0x3a2: {  	v2 =	vld.idx.msk [tilespmem:v2+s25+$0x0], $0xffff  }
0x3a3: {  	v3 =	vld.idx.msk [tilespmem:v3+s25+$0x0], $0xffff  }
0x3a4: {  	v4 =	vld.idx.msk [tilespmem:v4+s25+$0x0], $0xffff  }
0x3a5: {  	v5 =	vld.idx.msk [tilespmem:v5+s25+$0x0], $0xffff  }
0x3a6: {  	v6 =	vld.idx.msk [tilespmem:v6+s25+$0x0], $0xffff  }
0x3a7: {  	v9 =	vld.idx.msk [tilespmem:v9+s25+$0x0], $0xffff  }
0x3a8: {  	v14 =	vld.idx.msk [tilespmem:v14+s25+$0x0], $0xffff  }
0x3a9: {  	v10 =	vld.idx.msk [tilespmem:v10+s25+$0x0], $0xffff  }
0x3aa: {  	v11 =	vld.idx.msk [tilespmem:v11+s25+$0x0], $0xffff  }
0x3ab: {  	v12 =	vld.idx.msk [tilespmem:v12+s25+$0x0], $0xffff  }
0x3ac: {  	v13 =	vld.idx.msk [tilespmem:v13+s25+$0x0], $0xffff  }
0x3ad: {  	v8 =	vld.idx.msk [tilespmem:v8+s25+$0x0], $0xffff  }
0x3ae: {  	v0 =	vld.idx.msk [tilespmem:v0+s25+$0x0], $0xffff  }
0x3af: {  	v7 =	vld.idx.msk [tilespmem:v7+s25+$0x0], $0xffff  }
0x3b0: {  	v15 =	vld [tilespmem:s23+$0xFFFFFF80]  }
0x3b1: {  	v16 =	vld [tilespmem:s23+$0xFFFFFF90]  }
0x3b2: {  	v17 =	vld [tilespmem:s23+$0xFFFFFFA0]  }
0x3b3: {  	v18 =	vld [tilespmem:s23+$0xFFFFFFB0]  }
0x3b4: {  	v19 =	vld [tilespmem:s23+$0xFFFFFFC0]  }
0x3b5: {  	v14 =	vmul.f32 v14, v15;
	v15 =	vld [tilespmem:s23+$0xFFFFFFD0]  }
0x3b6: {  	v1 =	vmul.f32 v1, v16;
	v16 =	vld [tilespmem:s23+$0xFFFFFFE0]  }
0x3b7: {  	v2 =	vmul.f32 v2, v17;
	v17 =	vld [tilespmem:s23+$0xFFFFFFF0]  }
0x3b8: {  	v3 =	vmul.f32 v3, v18;
	v18 =	vld [tilespmem:s23+$0x0]  }
0x3b9: {  	v4 =	vmul.f32 v4, v19;
	v19 =	vld [tilespmem:s23+$0x10]  }
0x3ba: {  	v5 =	vmul.f32 v5, v15;
	v15 =	vld [tilespmem:s23+$0x20]  }
0x3bb: {  	v6 =	vmul.f32 v6, v16;
	v16 =	vld [tilespmem:s23+$0x30]  }
0x3bc: {  	v9 =	vmul.f32 v9, v17;
	v17 =	vld [tilespmem:s23+$0x40]  }
0x3bd: {  	v10 =	vmul.f32 v10, v18;
	v18 =	vld [tilespmem:s23+$0x50]  }
0x3be: {  	v11 =	vmul.f32 v11, v19;
	v19 =	vld [tilespmem:s23+$0x60]  }
0x3bf: {  	v20 =	vld [tilespmem:s24+$0xFFFFFF80];
	v12 =	vmul.f32 v12, v15  }
0x3c0: {  	v15 =	vld [tilespmem:s24+$0xFFFFFF90];
	v13 =	vmul.f32 v13, v16  }
0x3c1: {  	v16 =	vld [tilespmem:s24+$0xFFFFFFA0];
	v8 =	vmul.f32 v8, v17  }
0x3c2: {  	v17 =	vld [tilespmem:s24+$0xFFFFFFB0];
	v0 =	vmul.f32 v0, v18  }
0x3c3: {  	v18 =	vld [tilespmem:s24+$0xFFFFFFC0];
	v7 =	vmul.f32 v7, v19  }
0x3c4: {  	v19 =	vld [tilespmem:s24+$0xFFFFFFD0]  }
0x3c5: {  	v21 =	vld [tilespmem:s24+$0xFFFFFFE0]  }
0x3c6: {  	v22 =	vld [tilespmem:s24+$0xFFFFFFF0]  }
0x3c7: {  	v23 =	vld [tilespmem:s24+$0x0]  }
0x3c8: {  	v24 =	vld [tilespmem:s24+$0x10]  }
0x3c9: {  	v25 =	vld [tilespmem:s24+$0x20]  }
0x3ca: {  	v26 =	vld [tilespmem:s24+$0x30]  }
0x3cb: {  	v27 =	vld [tilespmem:s24+$0x40]  }
0x3cc: {  	v28 =	vld [tilespmem:s24+$0x50]  }
0x3cd: {  	v29 =	vld [tilespmem:s24+$0x60]  }
0x3ce: {  	[tilespmem:v20+s26+$0x0] =	vst.idx.add.f32.msk $0xffff, v14  }
0x3cf: {  	[tilespmem:v15+s26+$0x0] =	vst.idx.add.f32.msk $0xffff, v1  }
0x3d0: {  	[tilespmem:v16+s26+$0x0] =	vst.idx.add.f32.msk $0xffff, v2  }
0x3d1: {  	[tilespmem:v17+s26+$0x0] =	vst.idx.add.f32.msk $0xffff, v3  }
0x3d2: {  	[tilespmem:v18+s26+$0x0] =	vst.idx.add.f32.msk $0xffff, v4  }
0x3d3: {  	[tilespmem:v19+s26+$0x0] =	vst.idx.add.f32.msk $0xffff, v5  }
0x3d4: {  	[tilespmem:v21+s26+$0x0] =	vst.idx.add.f32.msk $0xffff, v6  }
0x3d5: {  	[tilespmem:v22+s26+$0x0] =	vst.idx.add.f32.msk $0xffff, v9  }
0x3d6: {  	[tilespmem:v23+s26+$0x0] =	vst.idx.add.f32.msk $0xffff, v10  }
0x3d7: {  	[tilespmem:v24+s26+$0x0] =	vst.idx.add.f32.msk $0xffff, v11  }
.Ltmp10:
0x3d8: {  	[tilespmem:v25+s26+$0x0] =	vst.idx.add.f32.msk $0xffff, v12;
	(pc) =	sbr.rel @p1 .LBB2_15-.Ltmp10, $4  }
0x3d9: {  	[tilespmem:v26+s26+$0x0] =	vst.idx.add.f32.msk $0xffff, v13  }
0x3da: {  	[tilespmem:v27+s26+$0x0] =	vst.idx.add.f32.msk $0xffff, v8  }
0x3db: {  	[tilespmem:v28+s26+$0x0] =	vst.idx.add.f32.msk $0xffff, v0  }
0x3dc: {  	s29 =	sadd.s32 $0x100, s29;
	[tilespmem:v29+s26+$0x0] =	vst.idx.add.f32.msk $0xffff, v7  }
.LBB2_16:
0x3dd: {  	s1 =	simm.s32 $0x14000;
	s29 =	simm.s32 $0x2  }
0x3de: {  	[spmem:s22] =	stream.linear.scatter [tilespmem:s1], [sflag:$0x2], $0x2800, $0x38;
	[tilespmem:$0x1C500] =	vst v63  }
0x3df: {  	_ =	swait.ge [sflag:s29], $0x2800  }
0x3e0: {  	[sflag:s29] =	ssyncset.done $0x0  }
0x3e1: {  	[sflag:s29] =	ssyncadd.s32 $0xFFFFD800  }
0x3e2: {  	s1 =	simm.s32 $0x16800;
	[bflag:$0x0] =	sbarrier.arrive $0xFFFF  }
0x3e3: {  	[tilespmem:s1], [sflag:$0x1] =	stream.linear.gather [spmem:s18], $0x280, $0x38;
	[tilespmem:$0x1C500] =	vst v63  }
0x3e4: {  	s3 =	simm.s32 $0x16A80  }
0x3e5: {  	[tilespmem:s3], [sflag:$0x1] =	stream.linear.gather [spmem:s20], $0x280, $0x38;
	[tilespmem:$0x1C500] =	vst v63  }
0x3e6: {  	s30 =	simm.s32 $0x16D00  }
0x3e7: {  	[tilespmem:s30], [sflag:$0x1] =	stream.linear.gather [spmem:s19], $0x280, $0x38;
	[tilespmem:$0x1C500] =	vst v63  }
0x3e8: {  	s31 =	simm.s32 $0x16F80  }
0x3e9: {  	[tilespmem:s31], [sflag:$0x1] =	stream.linear.gather [spmem:s16], $0x280, $0x38;
	[tilespmem:$0x1C500] =	vst v63  }
0x3ea: {  	s4 =	simm.s32 $0x17200  }
0x3eb: {  	[tilespmem:s4], [sflag:$0x1] =	stream.linear.gather [spmem:s17], $0x280, $0x38;
	[tilespmem:$0x1C500] =	vst v63  }
0x3ec: {  	s16 =	simm.s32 $0x17480  }
0x3ed: {  	[tilespmem:s16], [sflag:$0x1] =	stream.linear.gather [spmem:s15], $0x280, $0x38;
	[tilespmem:$0x1C500] =	vst v63  }
0x3ee: {  	s17 =	simm.s32 $0x17700  }
0x3ef: {  	[tilespmem:s17], [sflag:$0x1] =	stream.linear.gather [spmem:s13], $0x280, $0x38;
	[tilespmem:$0x1C500] =	vst v63  }
0x3f0: {  	s18 =	simm.s32 $0x17980  }
0x3f1: {  	[tilespmem:s18], [sflag:$0x1] =	stream.linear.gather [spmem:s14], $0x280, $0x38;
	[tilespmem:$0x1C500] =	vst v63  }
0x3f2: {  	s19 =	simm.s32 $0x17C00  }
0x3f3: {  	[tilespmem:s19], [sflag:$0x1] =	stream.linear.gather [spmem:s12], $0x280, $0x38;
	[tilespmem:$0x1C500] =	vst v63  }
0x3f4: {  	s20 =	simm.s32 $0x17E80  }
0x3f5: {  	[tilespmem:s20], [sflag:$0x1] =	stream.linear.gather [spmem:s10], $0x280, $0x38;
	[tilespmem:$0x1C500] =	vst v63  }
0x3f6: {  	s21 =	simm.s32 $0x18100  }
0x3f7: {  	[tilespmem:s21], [sflag:$0x1] =	stream.linear.gather [spmem:s11], $0x280, $0x38;
	[tilespmem:$0x1C500] =	vst v63  }
0x3f8: {  	s22 =	simm.s32 $0x18380  }
0x3f9: {  	[tilespmem:s22], [sflag:$0x1] =	stream.linear.gather [spmem:s9], $0x280, $0x38;
	[tilespmem:$0x1C500] =	vst v63  }
0x3fa: {  	s23 =	simm.s32 $0x18600  }
0x3fb: {  	[tilespmem:s23], [sflag:$0x1] =	stream.linear.gather [spmem:s7], $0x280, $0x38;
	[tilespmem:$0x1C500] =	vst v63  }
0x3fc: {  	s24 =	simm.s32 $0x18880  }
0x3fd: {  	[tilespmem:s24], [sflag:$0x1] =	stream.linear.gather [spmem:s8], $0x280, $0x38;
	[tilespmem:$0x1C500] =	vst v63  }
0x3fe: {  	s25 =	simm.s32 $0x18B00  }
0x3ff: {  	[tilespmem:s25], [sflag:$0x1] =	stream.linear.gather [spmem:s6], $0x280, $0x38;
	[tilespmem:$0x1C500] =	vst v63  }
0x400: {  	s26 =	simm.s32 $0x18D80;
	s28 =	simm.s32 $0x1  }
0x401: {  	[tilespmem:s26], [sflag:$0x1] =	stream.linear.gather [spmem:s5], $0x280, $0x38;
	[tilespmem:$0x1C500] =	vst v63  }
0x402: {  	_ =	swait.ge [sflag:s28], $0x280  }
0x403: {  	[sflag:s28] =	ssyncset.done $0x0  }
0x404: {  	[sflag:s28] =	ssyncadd.s32 $0xFFFFFD80  }
0x405: {  	_ =	swait.ge [sflag:s28], $0x280  }
0x406: {  	[sflag:s28] =	ssyncset.done $0x0  }
0x407: {  	[sflag:s28] =	ssyncadd.s32 $0xFFFFFD80  }
0x408: {  	_ =	swait.ge [sflag:s28], $0x280  }
0x409: {  	[sflag:s28] =	ssyncset.done $0x0  }
0x40a: {  	[sflag:s28] =	ssyncadd.s32 $0xFFFFFD80  }
0x40b: {  	_ =	swait.ge [sflag:s28], $0x280  }
0x40c: {  	[sflag:s28] =	ssyncset.done $0x0  }
0x40d: {  	[sflag:s28] =	ssyncadd.s32 $0xFFFFFD80  }
0x40e: {  	_ =	swait.ge [sflag:s28], $0x280  }
0x40f: {  	[sflag:s28] =	ssyncset.done $0x0  }
0x410: {  	[sflag:s28] =	ssyncadd.s32 $0xFFFFFD80  }
0x411: {  	_ =	swait.ge [sflag:s28], $0x280  }
0x412: {  	[sflag:s28] =	ssyncset.done $0x0  }
0x413: {  	[sflag:s28] =	ssyncadd.s32 $0xFFFFFD80  }
0x414: {  	_ =	swait.ge [sflag:s28], $0x280  }
0x415: {  	[sflag:s28] =	ssyncset.done $0x0  }
0x416: {  	[sflag:s28] =	ssyncadd.s32 $0xFFFFFD80  }
0x417: {  	_ =	swait.ge [sflag:s28], $0x280  }
0x418: {  	[sflag:s28] =	ssyncset.done $0x0  }
0x419: {  	[sflag:s28] =	ssyncadd.s32 $0xFFFFFD80  }
0x41a: {  	_ =	swait.ge [sflag:s28], $0x280  }
0x41b: {  	[sflag:s28] =	ssyncset.done $0x0  }
0x41c: {  	[sflag:s28] =	ssyncadd.s32 $0xFFFFFD80  }
0x41d: {  	_ =	swait.ge [sflag:s28], $0x280  }
0x41e: {  	[sflag:s28] =	ssyncset.done $0x0  }
0x41f: {  	[sflag:s28] =	ssyncadd.s32 $0xFFFFFD80  }
0x420: {  	_ =	swait.ge [sflag:s28], $0x280  }
0x421: {  	[sflag:s28] =	ssyncset.done $0x0  }
0x422: {  	[sflag:s28] =	ssyncadd.s32 $0xFFFFFD80  }
0x423: {  	_ =	swait.ge [sflag:s28], $0x280  }
0x424: {  	[sflag:s28] =	ssyncset.done $0x0  }
0x425: {  	[sflag:s28] =	ssyncadd.s32 $0xFFFFFD80  }
0x426: {  	_ =	swait.ge [sflag:s28], $0x280  }
0x427: {  	[sflag:s28] =	ssyncset.done $0x0  }
0x428: {  	[sflag:s28] =	ssyncadd.s32 $0xFFFFFD80  }
0x429: {  	_ =	swait.ge [sflag:s28], $0x280  }
0x42a: {  	[sflag:s28] =	ssyncset.done $0x0  }
0x42b: {  	[sflag:s28] =	ssyncadd.s32 $0xFFFFFD80  }
0x42c: {  	_ =	swait.ge [sflag:s28], $0x280  }
0x42d: {  	[sflag:s28] =	ssyncset.done $0x0  }
0x42e: {  	[sflag:s28] =	ssyncadd.s32 $0xFFFFFD80  }
0x42f: {  	_ =	swait.ge [sflag:s28], $0x280  }
0x430: {  	[sflag:s28] =	ssyncset.done $0x0  }
0x431: {  	s29 =	simm.s32 $0x0;
	[sflag:s28] =	ssyncadd.s32 $0xFFFFFD80  }
0x432: {  	s30 =	sand.u32 $0x3F0, s29;
	v1 =	vld [tilespmem:s1+$0x0]  }
0x433: {  	v2 =	vld [tilespmem:s30+$0x16A80];
	_ =	sdelay $0x1  }
0x434: {  	v3 =	vld [tilespmem:s30+$0x16D00];
	_ =	sdelay $0x1  }
0x435: {  	v4 =	vld [tilespmem:s30+$0x16F80]  }
0x436: {  	v1 =	vadd.f32 v2, v1  }
0x437: {  	v2 =	vld [tilespmem:s30+$0x17200]  }
0x438: {  	v1 =	vadd.f32 v3, v1  }
0x439: {  	v3 =	vld [tilespmem:s30+$0x17480]  }
0x43a: {  	v1 =	vadd.f32 v4, v1  }
0x43b: {  	v60 =	vld [tilespmem:s30+$0x17700]  }
0x43c: {  	v1 =	vadd.f32 v2, v1  }
0x43d: {  	v2 =	vld [tilespmem:s30+$0x17980]  }
0x43e: {  	v1 =	vadd.f32 v3, v1  }
0x43f: {  	v3 =	vld [tilespmem:s30+$0x17C00]  }
0x440: {  	v1 =	vadd.f32 v60, v1  }
0x441: {  	v61 =	vld [tilespmem:s30+$0x17E80]  }
0x442: {  	v1 =	vadd.f32 v2, v1  }
0x443: {  	v2 =	vld [tilespmem:s30+$0x18100]  }
0x444: {  	v1 =	vadd.f32 v3, v1  }
0x445: {  	v3 =	vld [tilespmem:s30+$0x18380]  }
0x446: {  	v1 =	vadd.f32 v61, v1  }
0x447: {  	v62 =	vld [tilespmem:s30+$0x18600]  }
0x448: {  	v1 =	vadd.f32 v2, v1  }
0x449: {  	v2 =	vld [tilespmem:s30+$0x18880]  }
0x44a: {  	v1 =	vadd.f32 v3, v1  }
0x44b: {  	v3 =	vld [tilespmem:s30+$0x18B00]  }
0x44c: {  	s4 =	sadd.s32 $0x0, s2;
	v1 =	vadd.f32 v62, v1  }
0x44d: {  	s3 =	sand.u32 $0x70, s29;
	s4 =	sand.u32 $0x7F80, s4;
	v63 =	vld [tilespmem:s30+$0x18D80]  }
0x44e: {  	s31 =	sor.u32 s3, s4;
	v1 =	vadd.f32 v2, v1  }
0x44f: {  	v2 =	vld [tilespmem:s31+$0x11800]  }
0x450: {  	v1 =	vadd.f32 v3, v1  }
0x451: {  	v3 =	vld [tilespmem:s31+$0xF000]  }
0x452: {  	v1 =	vadd.f32 v63, v1  }
0x453: {  	v0 =	vld [tilespmem:$0x197A0]  }
0x454: {  	v1 =	vadd.f32 v1, v2;
	_ =	sdelay $0x1  }
0x455: {  	v1 =	vmul.f32 v1, v3;
	_ =	sdelay $0x1  }
0x456: {  	v1 =	vadd.f32 v1, v0  }
0x457: {  	s5 =	simm.s32 $0x19500  }
0x458: {  	s3 =	simm.s32 $0x16810;
	s1 =	simm.s32 $0x10;
	[tilespmem:s5+$0x0] =	vst v1  }
0x459: {  	s7 =	simm.s32 $0x20;
	s6 =	sand.u32 $0x3F0, s1;
	v1 =	vld [tilespmem:s3+$0x0]  }
.LBB2_17:
0x45a: {  	p1 =	sne.s32 s7, $0x270;
	v2 =	vld [tilespmem:s6+$0x16A80];
	_ =	sdelay $0x1  }
0x45b: {  	v3 =	vld [tilespmem:s6+$0x16D00];
	_ =	sdelay $0x1  }
0x45c: {  	v4 =	vld [tilespmem:s6+$0x16F80]  }
0x45d: {  	v1 =	vadd.f32 v2, v1  }
0x45e: {  	v2 =	vld [tilespmem:s6+$0x17200]  }
0x45f: {  	v1 =	vadd.f32 v3, v1  }
0x460: {  	v3 =	vld [tilespmem:s6+$0x17480]  }
0x461: {  	v1 =	vadd.f32 v4, v1  }
0x462: {  	v4 =	vld [tilespmem:s6+$0x17700]  }
0x463: {  	v1 =	vadd.f32 v2, v1  }
0x464: {  	v2 =	vld [tilespmem:s6+$0x17980]  }
0x465: {  	v1 =	vadd.f32 v3, v1  }
0x466: {  	v3 =	vld [tilespmem:s6+$0x17C00]  }
0x467: {  	v1 =	vadd.f32 v4, v1  }
0x468: {  	v4 =	vld [tilespmem:s6+$0x17E80]  }
0x469: {  	v1 =	vadd.f32 v2, v1  }
0x46a: {  	v2 =	vld [tilespmem:s6+$0x18100]  }
0x46b: {  	v1 =	vadd.f32 v3, v1  }
0x46c: {  	v3 =	vld [tilespmem:s6+$0x18380]  }
0x46d: {  	v1 =	vadd.f32 v4, v1  }
0x46e: {  	v4 =	vld [tilespmem:s6+$0x18600]  }
0x46f: {  	v1 =	vadd.f32 v2, v1  }
0x470: {  	v2 =	vld [tilespmem:s6+$0x18880]  }
0x471: {  	v1 =	vadd.f32 v3, v1  }
0x472: {  	v3 =	vld [tilespmem:s6+$0x18B00]  }
0x473: {  	s4 =	sadd.s32 s1, s2;
	v1 =	vadd.f32 v4, v1  }
0x474: {  	s8 =	sand.u32 $0x70, s1;
	s1 =	smov.u32 s7;
	s4 =	sand.u32 $0x7F80, s4;
	v4 =	vld [tilespmem:s6+$0x18D80]  }
0x475: {  	s4 =	sor.u32 s8, s4;
	v1 =	vadd.f32 v2, v1  }
0x476: {  	v2 =	vld [tilespmem:s4+$0x11800]  }
0x477: {  	v1 =	vadd.f32 v3, v1  }
0x478: {  	v3 =	vld [tilespmem:s4+$0xF000]  }
0x479: {  	v1 =	vadd.f32 v4, v1;
	_ =	sdelay $0x1  }
0x47a: {  	v1 =	vadd.f32 v1, v2;
	_ =	sdelay $0x1  }
0x47b: {  	v1 =	vmul.f32 v1, v3  }
.Ltmp11:
0x47c: {  	(pc) =	sbr.rel @p1 .LBB2_17-.Ltmp11, $4  }
0x47d: {  	v1 =	vadd.f32 v1, v0  }
0x47e: {  	s5 =	sadd.s32 $0x10, s5  }
0x47f: {  	s3 =	sadd.s32 $0x10, s3;
	[tilespmem:s5+$0x0] =	vst v1  }
0x480: {  	s7 =	sadd.s32 $0x10, s7;
	s6 =	sand.u32 $0x3F0, s1;
	v1 =	vld [tilespmem:s3+$0x0]  }
0x481: {  	v2 =	vld [tilespmem:s6+$0x16A80];
	_ =	sdelay $0x1  }
0x482: {  	v3 =	vld [tilespmem:s6+$0x16D00];
	_ =	sdelay $0x1  }
0x483: {  	v4 =	vld [tilespmem:s6+$0x16F80]  }
0x484: {  	v1 =	vadd.f32 v2, v1  }
0x485: {  	v50 =	vld [tilespmem:s6+$0x17200]  }
0x486: {  	v1 =	vadd.f32 v3, v1  }
0x487: {  	v51 =	vld [tilespmem:s6+$0x17480]  }
0x488: {  	v1 =	vadd.f32 v4, v1  }
0x489: {  	v52 =	vld [tilespmem:s6+$0x17700]  }
0x48a: {  	v1 =	vadd.f32 v50, v1  }
0x48b: {  	v53 =	vld [tilespmem:s6+$0x17980]  }
0x48c: {  	v1 =	vadd.f32 v51, v1  }
0x48d: {  	v54 =	vld [tilespmem:s6+$0x17C00]  }
0x48e: {  	v1 =	vadd.f32 v52, v1  }
0x48f: {  	v55 =	vld [tilespmem:s6+$0x17E80]  }
0x490: {  	v1 =	vadd.f32 v53, v1  }
0x491: {  	v56 =	vld [tilespmem:s6+$0x18100]  }
0x492: {  	v1 =	vadd.f32 v54, v1  }
0x493: {  	v57 =	vld [tilespmem:s6+$0x18380]  }
0x494: {  	v1 =	vadd.f32 v55, v1  }
0x495: {  	v58 =	vld [tilespmem:s6+$0x18600]  }
0x496: {  	v1 =	vadd.f32 v56, v1  }
0x497: {  	v59 =	vld [tilespmem:s6+$0x18880]  }
0x498: {  	v1 =	vadd.f32 v57, v1  }
0x499: {  	v60 =	vld [tilespmem:s6+$0x18B00]  }
0x49a: {  	s2 =	sadd.s32 s1, s2;
	v1 =	vadd.f32 v58, v1  }
0x49b: {  	s30 =	sand.u32 $0x70, s1;
	v61 =	vld [tilespmem:s6+$0x18D80];
	s2 =	sand.u32 $0x7F80, s2  }
0x49c: {  	s1 =	sor.u32 s30, s2;
	v1 =	vadd.f32 v59, v1  }
0x49d: {  	v62 =	vld [tilespmem:s1+$0x11800]  }
0x49e: {  	v1 =	vadd.f32 v60, v1  }
0x49f: {  	v63 =	vld [tilespmem:s1+$0xF000]  }
0x4a0: {  	v1 =	vadd.f32 v61, v1;
	_ =	sdelay $0x1  }
0x4a1: {  	v1 =	vadd.f32 v1, v62;
	_ =	sdelay $0x1  }
0x4a2: {  	v1 =	vmul.f32 v1, v63;
	_ =	sdelay $0x1  }
0x4a3: {  	v0 =	vadd.f32 v1, v0  }
0x4a4: {  	s31 =	sadd.s32 $0x10, s5  }
0x4a5: {  	s3 =	rddreg [dreg:$0x6];
	s2 =	simm.s32 @p0 $0x19500;
	s1 =	simm.s32 @p0 $0x0;
	[tilespmem:s31+$0x0] =	vst v0  }
0x4a6: {  	[hbm4b:s3+s1] =	stream.linear.scatter @p0 [tilespmem:s2], [sflag:$0x2], $0x190, $0x38;
	[tilespmem:$0x1C500] =	vst v63  }
0x4a7: {  	s1 =	simm.s32 @p0 $0x2  }
0x4a8: {  	_ =	swait.ge @p0 [sflag:s1], $0x190  }
0x4a9: {  	s2 =	simm.s32 @!p0 $0x19500;
	[sflag:s1] =	ssyncset.done @p0 $0x0  }
0x4aa: {  	s3 =	rddreg [dreg:$0x5];
	[sflag:s1] =	ssyncadd.s32 @p0 $0xFFFFFE70;
	s1 =	simm.s32 @!p0 $0x0  }
0x4ab: {  	[hbm4b:s3+s1] =	stream.linear.scatter @!p0 [tilespmem:s2], [sflag:$0x2], $0x280, $0x38;
	[tilespmem:$0x1C500] =	vst v63  }
0x4ac: {  	s1 =	simm.s32 @!p0 $0x2  }
0x4ad: {  	_ =	swait.ge @!p0 [sflag:s1], $0x280  }
0x4ae: {  	[sflag:s1] =	ssyncset.done @!p0 $0x0  }
0x4af: {  	[sflag:s1] =	ssyncadd.s32 @!p0 $0xFFFFFD80  }
0x4b0: {  	_ =	sfence.sel $0x180000  }
0x4b1: {  	[bflag:$0x0] =	sbarrier.arrive $0xFFFF  }
0x4b2: {  	_ =	strace $0x90000047  }
0x4b3: {  	[bflag:$0x2] =	sbarrier.arrive $0xFFFF  }
0x4b4: {  	p0 =	sne.s32 s0, $0x0;
	s0 =	rddreg [dreg:$0x4]  }
0x4b5: {  	s0 =	sadd.s32 @!p0 $0x100000, s0  }
0x4b6: {  	[sflag:s0] =	ssyncadd.tile.s32 @!p0 $0x1;
	_ =	shalt  }
.Lfunc_end2:
_tile_overlayer_lowered:
.L_overlay_start_2:
0x4b7: {  	(tag) =	ssettag $0x2  }
0x4b8: {  	s0 =	rddreg [dreg:$0x0];
	s2 =	stileid.u32  }
0x4b9: {  	s1 =	rddreg [dreg:$0x1];
	p0 =	sne.s32 s2, $0x0  }
0x4ba: {  	s3 =	rddreg [dreg:$0x2];
	[bflag:$0x3] =	sbarrier.arrive $0xFFFF;
	s2 =	simm.s32 @!p0 $0x1C02  }
0x4bb: {  	[timem:s3], [sflag:s2] =	dma.local @!p0 [hbm:s0], s1  }
0x4bc: {  	s0 =	simm.s32 @!p0 $0x2  }
0x4bd: {  	_ =	swait.ge @!p0 [sflag:s0], s1  }
0x4be: {  	s1 =	ssub.s32 @!p0 $0x0, s1;
	[sflag:s0] =	ssyncset.done @!p0 $0x0  }
0x4bf: {  	[sflag:s0] =	ssyncadd.s32 @!p0 s1  }
0x4c0: {  	[bflag:$0x3] =	sbarrier.arrive $0xFFFF  }
0x4c1: {  	_ =	shalt  }

</sc_bundles>
